<compile_context>
chip_gen: v7x
topology: tpu7x:2x2x1
jax: 0.10.2.dev20260603
libtpu: 0.0.44.dev20260713+nightly
codegen_flags: <defaults>
</compile_context>

<pallas_src>
import functools

import jax
import jax.numpy as jnp
from jax import lax
from jax.experimental import pallas as pl
from jax.experimental.pallas import tpu as pltpu
from jax.experimental.pallas import tpu_sc as plsc

B = 4096
D = 16
F = 26
UV = 1000000
SV = 100000
IN_FEAT = (F + 2) * D

NC = 2
NS = 16
NW = NC * NS
BPW = B // NW
L = 16

NT = (UV + 127) // 128
DT_CH = 1024
DT_FULL = UV // DT_CH
DT_TAIL0 = DT_FULL * DT_CH
DT_T1 = 512
DT_TAIL1 = DT_TAIL0 + DT_T1
DT_REM = UV - DT_TAIL1
NGRP = DT_FULL + 1


@functools.cache
def _sc_tilecopy_fn():
    mesh = plsc.VectorSubcoreMesh(core_axis_name="c", subcore_axis_name="s")

    @functools.partial(
        pl.kernel,
        out_type=(
            jax.ShapeDtypeStruct((2 * NT, 8, 128), jnp.float32),
            jax.ShapeDtypeStruct((2 * NT, 8, 128), jnp.float32),
        ),
        mesh=mesh,
        scratch_types=[
            pltpu.VMEM((8, DT_CH), jnp.float32),
            pltpu.VMEM((8 * DT_REM,), jnp.float32),
            pltpu.VMEM((8, 128), jnp.float32),
            pltpu.SemaphoreType.DMA,
            pltpu.SemaphoreType.DMA,
        ],
    )
    def _sc_tilecopy(ut2, it2, utail, itail, u_phys, i_phys,
                     buf, tb1, tb2, wsem, tsem):
        wid = lax.axis_index("s") * NC + lax.axis_index("c")

        def table(tab, tail, phys):
            def chunk(k, _):
                cid = wid + k * NW
                t = cid // NGRP
                jg = cid % NGRP

                @pl.when((cid < 2 * NGRP) & (jg < DT_FULL))
                def _():
                    pltpu.sync_copy(
                        tab.at[pl.ds(8 * t, 8), pl.ds(jg * DT_CH, DT_CH)], buf)
                    for j in range(DT_CH // 128):
                        pltpu.async_copy(
                            buf.at[:, pl.ds(128 * j, 128)],
                            phys.at[t * NT + 8 * jg + j], wsem)
                    pltpu.make_async_copy(
                        tab.at[pl.ds(0, 8), pl.ds(0, DT_CH)], buf, wsem).wait()

                @pl.when((cid < 2 * NGRP) & (jg == DT_FULL))
                def _():
                    pltpu.sync_copy(
                        tab.at[pl.ds(8 * t, 8), pl.ds(DT_TAIL0, DT_T1)],
                        buf.at[:, pl.ds(0, DT_T1)])
                    for j in range(DT_T1 // 128):
                        pltpu.async_copy(
                            buf.at[:, pl.ds(128 * j, 128)],
                            phys.at[t * NT + DT_FULL * 8 + j], tsem)
                    pltpu.sync_copy(tail.at[pl.ds(t * 8 * DT_REM, 8 * DT_REM)], tb1)
                    for r in range(8):
                        for k in range(DT_REM // L):
                            tb2[r, pl.ds(L * k, L)] = tb1[pl.ds(r * DT_REM + L * k, L)]
                    pltpu.async_copy(tb2, phys.at[t * NT + NT - 1], tsem)
                    pltpu.make_async_copy(
                        tab.at[pl.ds(0, 8), pl.ds(0, DT_T1)],
                        buf.at[:, pl.ds(0, DT_T1)], tsem).wait()
                    pltpu.make_async_copy(
                        tab.at[pl.ds(0, 8), pl.ds(0, 128)], tb2, tsem).wait()
                return 0

            lax.fori_loop(0, (2 * NGRP + NW - 1) // NW, chunk, 0)

        table(ut2, utail, u_phys)
        table(it2, itail, i_phys)

    return _sc_tilecopy


@functools.cache
def _sc_gather_fn():
    mesh = plsc.VectorSubcoreMesh(core_axis_name="c", subcore_axis_name="s")

    @functools.partial(
        pl.kernel,
        out_type=jax.ShapeDtypeStruct((IN_FEAT, B), jnp.float32),
        mesh=mesh,
        compiler_params=pltpu.CompilerParams(use_tc_tiling_on_sc=False),
        scratch_types=[
            pltpu.VMEM((BPW,), jnp.int32),
            pltpu.VMEM((BPW,), jnp.int32),
            pltpu.VMEM((BPW,), jnp.int32),
            pltpu.VMEM((BPW,), jnp.int32),
            pltpu.VMEM((F, BPW), jnp.int32),
            pltpu.VMEM((2 * D, BPW), jnp.int32),
            pltpu.VMEM((IN_FEAT, BPW), jnp.float32),
            pltpu.SemaphoreType.DMA,
        ],
    )
    def _sc_gather(u1, i1, sp1, uid, iid, sft, out_hbm,
                   uidv, iidv, uph, iph, sfv, idxb, outb, sem):
        wid = lax.axis_index("s") * NC + lax.axis_index("c")
        base = wid * BPW
        pltpu.sync_copy(uid.at[pl.ds(base, BPW)], uidv)
        pltpu.sync_copy(iid.at[pl.ds(base, BPW)], iidv)
        pltpu.sync_copy(sft.at[:, pl.ds(base, BPW)], sfv)

        def vph(ids_ref, out_ref, k, _=None):
            v = ids_ref[pl.ds(L * k, L)]
            out_ref[pl.ds(L * k, L)] = (
                lax.shift_left(lax.shift_right_logical(v, 7), 10)
                + jnp.bitwise_and(v, 127))
            return 0

        lax.fori_loop(0, BPW // L, functools.partial(vph, uidv, uph), 0)
        lax.fori_loop(0, BPW // L, functools.partial(vph, iidv, iph), 0)

        def build(d, _):
            c = (d // 8) * (NT * 1024) + (d % 8) * 128
            for k in range(BPW // L):
                idxb[d, pl.ds(L * k, L)] = uph[pl.ds(L * k, L)] + c
                idxb[D + d, pl.ds(L * k, L)] = iph[pl.ds(L * k, L)] + c
            return 0

        lax.fori_loop(0, D, build, 0)

        def fire_u(d, _):
            pltpu.async_copy(u1.at[idxb.at[d]], outb.at[d], sem)
            return 0

        def fire_i(d, _):
            pltpu.async_copy(i1.at[idxb.at[D + d]], outb.at[D + d], sem)
            return 0

        def fire_s(r, _):
            pltpu.async_copy(sp1.at[r].at[sfv.at[r // D]], outb.at[2 * D + r], sem)
            return 0

        lax.fori_loop(0, D, fire_u, 0)
        lax.fori_loop(0, D, fire_i, 0)
        lax.fori_loop(0, F * D, fire_s, 0)

        pltpu.make_async_copy(out_hbm.at[:, pl.ds(base, BPW)], outb, sem).wait()
        pltpu.sync_copy(outb, out_hbm.at[:, pl.ds(base, BPW)])

    return _sc_gather


def _dense_t_body(xt, K, cb, W0t, b0, W1t, b1, W2t, b2, Wot, bo, Wt, out):
    x0 = xt[...]
    dn = (((1,), (0,)), ((), ()))
    dot = lax.dot_general(K[0], x0, dn, preferred_element_type=jnp.float32) + cb[0]
    x1 = x0 * dot + x0
    dot = lax.dot_general(K[1], x1, dn, preferred_element_type=jnp.float32) + cb[1]
    x2 = x0 * dot + x1
    h = jnp.maximum(lax.dot_general(W0t[...], x0, dn, preferred_element_type=jnp.float32) + b0[...], 0.0)
    h = jnp.maximum(lax.dot_general(W1t[...], h, dn, preferred_element_type=jnp.float32) + b1[...], 0.0)
    h = jnp.maximum(lax.dot_general(W2t[...], h, dn, preferred_element_type=jnp.float32) + b2[...], 0.0)
    deep = lax.dot_general(Wot[...], h, dn, preferred_element_type=jnp.float32) + bo[...]
    stack = jnp.concatenate([x2, deep], axis=0)
    logit = lax.dot_general(stack, Wt[...], (((0,), (0,)), ((), ())),
                            preferred_element_type=jnp.float32)
    out[...] = 1.0 / (1.0 + jnp.exp(-logit))


def _dense_t_call(xt, K, cb, W0t, b0, W1t, b1, W2t, b2, Wot, bo, Wt):
    BB = 512
    grid = (B // BB,)
    full = lambda *s: pl.BlockSpec(s, lambda i: (0,) * len(s))
    return pl.pallas_call(
        _dense_t_body,
        grid=grid,
        in_specs=[
            pl.BlockSpec((IN_FEAT, BB), lambda i: (0, i)),
            full(2, IN_FEAT, IN_FEAT),
            full(2, IN_FEAT, 1),
            full(2 * D, IN_FEAT),
            full(2 * D, 1),
            full(2 * D, 2 * D),
            full(2 * D, 1),
            full(2 * D, 2 * D),
            full(2 * D, 1),
            full(D, 2 * D),
            full(D, 1),
            full(IN_FEAT + D, 1),
        ],
        out_specs=pl.BlockSpec((BB, 1), lambda i: (i, 0)),
        out_shape=jax.ShapeDtypeStruct((B, 1), jnp.float32),
    )(xt, K, cb, W0t, b0, W1t, b1, W2t, b2, Wot, bo, Wt)


def kernel(user_ids, item_ids, sparse_features, user_table, item_table,
           sparse_tables, kernels, cbias, W0, b0, W1, b1, W2, b2, Wo, bo, Wt):
    ut2 = user_table.T
    it2 = item_table.T
    utail = user_table.T[:, DT_TAIL1:].reshape(-1)
    itail = item_table.T[:, DT_TAIL1:].reshape(-1)
    u_phys, i_phys = _sc_tilecopy_fn()(ut2, it2, utail, itail)
    u1 = u_phys.reshape(-1)
    i1 = i_phys.reshape(-1)
    sp1 = sparse_tables.transpose(0, 2, 1).reshape(F * D, SV)
    sft = sparse_features.T.astype(jnp.int32)
    comb_t = _sc_gather_fn()(u1, i1, sp1,
                             user_ids.astype(jnp.int32),
                             item_ids.astype(jnp.int32), sft)
    return _dense_t_call(
        comb_t, kernels, cbias,
        W0.T, b0.reshape(2 * D, 1), W1.T, b1.reshape(2 * D, 1),
        W2.T, b2.reshape(2 * D, 1), Wo.T, bo.reshape(D, 1), Wt)

# --- scband reference (transcript-rebuilt; emitter-appended) ---
"""Pipeline reference for scband-dcnv2s-7705171329790 (READ-ONLY COPY).

The authoritative reference and input builder live on the scoring server;
editing this copy changes nothing except your own understanding.
"""

import jax, jax.numpy as jnp
import numpy as np

B = 4096
D = 16
F = 26
UV = 1000000
IV = 1000000
SV = 100000
IN_FEAT = (F + 2) * D  # 448
H = 2 * D  # 32


def setup_inputs(seed: int = 0) -> dict:
    key = jax.random.key(seed)
    ks = jax.random.split(key, 20)
    user_ids = jax.random.randint(ks[0], (B,), 0, UV)
    item_ids = jax.random.randint(ks[1], (B,), 0, IV)
    sparse_features = jax.random.randint(ks[2], (B, F), 0, SV)
    user_table = jax.random.normal(ks[3], (UV, D), dtype=jnp.float32) * 0.02
    item_table = jax.random.normal(ks[4], (IV, D), dtype=jnp.float32) * 0.02
    sparse_tables = jax.random.normal(ks[5], (F, SV, D), dtype=jnp.float32) * 0.02
    kernels = jax.random.normal(ks[6], (2, IN_FEAT, IN_FEAT), dtype=jnp.float32) * (1.0 / np.sqrt(IN_FEAT))
    cbias = jnp.zeros((2, IN_FEAT, 1), dtype=jnp.float32)
    W0 = jax.random.normal(ks[7], (IN_FEAT, H), dtype=jnp.float32) * (1.0 / np.sqrt(IN_FEAT))
    b0 = jnp.zeros((H,), dtype=jnp.float32)
    W1 = jax.random.normal(ks[8], (H, H), dtype=jnp.float32) * (1.0 / np.sqrt(H))
    b1 = jnp.zeros((H,), dtype=jnp.float32)
    W2 = jax.random.normal(ks[9], (H, H), dtype=jnp.float32) * (1.0 / np.sqrt(H))
    b2 = jnp.zeros((H,), dtype=jnp.float32)
    Wo = jax.random.normal(ks[10], (H, D), dtype=jnp.float32) * (1.0 / np.sqrt(H))
    bo = jnp.zeros((D,), dtype=jnp.float32)
    Wt = jax.random.normal(ks[11], (IN_FEAT + D, 1), dtype=jnp.float32) * (1.0 / np.sqrt(IN_FEAT + D))
    return {
        "user_ids": user_ids, "item_ids": item_ids, "sparse_features": sparse_features,
        "user_table": user_table, "item_table": item_table, "sparse_tables": sparse_tables,
        "kernels": kernels, "cbias": cbias,
        "W0": W0, "b0": b0, "W1": W1, "b1": b1, "W2": W2, "b2": b2,
        "Wo": Wo, "bo": bo, "Wt": Wt,
    }


def reference(user_ids, item_ids, sparse_features, user_table, item_table, sparse_tables,
              kernels, cbias, W0, b0, W1, b1, W2, b2, Wo, bo, Wt):
    ue = jnp.take(user_table, user_ids, axis=0)
    ie = jnp.take(item_table, item_ids, axis=0)
    sp = jnp.concatenate([jnp.take(sparse_tables[i], sparse_features[:, i], axis=0) for i in range(F)], axis=-1)
    combined = jnp.concatenate([ue, ie, sp], axis=-1)  # [B, IN_FEAT]
    # Cross network (DCNv2 style, layer_num=2)
    x0 = combined[:, :, None]
    xl = x0
    for i in range(2):
        xlw = jnp.matmul(kernels[i], xl)  # [B, IN_FEAT, 1]
        dot = xlw + cbias[i]
        xl = x0 * dot + xl
    cross_out = jnp.squeeze(xl, axis=2)
    # Deep MLP: 3 hidden layers of size 2*D with ReLU, output size D
    h = jax.nn.relu(combined @ W0 + b0)
    h = jax.nn.relu(h @ W1 + b1)
    h = jax.nn.relu(h @ W2 + b2)
    deep_out = h @ Wo + bo
    stack = jnp.concatenate([cross_out, deep_out], axis=-1)
    logit = stack @ Wt
    return jax.nn.sigmoid(logit)

if __name__ == "__main__":
    import jax
    _d = setup_inputs()
    print(jax.jit(kernel)(*tuple(_d.values())))

</pallas_src>

<mosaic_0001>
#map = affine_map<(d0, d1) -> (0, 0)>
#map1 = affine_map<(d0, d1) -> (0)>
#map2 = affine_map<(d0, d1) -> (0, 0, 0)>
module attributes {stable_mosaic.version = 14 : i64} {
  func.func @_sc_tilecopy(%arg0: i32, %arg1: i32, %arg2: memref<16x1000000xf32, #tpu.memory_space<hbm>>, %arg3: memref<16x1000000xf32, #tpu.memory_space<hbm>>, %arg4: memref<1024xf32, #tpu.memory_space<hbm>>, %arg5: memref<1024xf32, #tpu.memory_space<hbm>>, %arg6: memref<15626x8x128xf32, #tpu.memory_space<hbm>>, %arg7: memref<15626x8x128xf32, #tpu.memory_space<hbm>>, %arg8: memref<8x1024xf32, #tpu.memory_space<vmem>>, %arg9: memref<512xf32, #tpu.memory_space<vmem>>, %arg10: memref<8x128xf32, #tpu.memory_space<vmem>>, %arg11: memref<!tpu.dma_semaphore, #tpu.memory_space<semaphore_mem>>, %arg12: memref<!tpu.dma_semaphore, #tpu.memory_space<semaphore_mem>>) attributes {dimension_semantics = [#tpu.dimension_semantics<core_parallel>, #tpu.dimension_semantics<subcore_parallel>], iteration_bounds = array<i64: 2, 16>, scalar_prefetch = 0 : i64, scratch_operands = 5 : i64, tpu.core_type = #tpu.core_type<sc_vector_subcore>, window_params = [{transform_indices = #map}, {transform_indices = #map}, {transform_indices = #map1}, {transform_indices = #map1}, {transform_indices = #map2}, {transform_indices = #map2}]} {
    %mul3A = arith.constant 2 : i32
    %mul3A_0 = arith.muli %arg1, %mul3A : i32
    %add3A = arith.addi %mul3A_0, %arg0 : i32
    %scan3A = arith.constant 0 : i32
    %scan3A_1 = arith.constant 0 : i32
    %scan3A_2 = arith.constant 62 : i32
    %scan3A_3 = arith.addi %scan3A_1, %scan3A_2 : i32
    %scan3A_4 = arith.constant 1 : i32
    %scan3A_5 = scf.for %scan3A_14 = %scan3A_1 to %scan3A_3 step %scan3A_4 iter_args(%scan3A_15 = %scan3A) -> (i32)  : i32 {
      %mul3A_16 = arith.constant 32 : i32
      %mul3A_17 = arith.muli %scan3A_14, %mul3A_16 : i32
      %add3A_18 = arith.addi %add3A, %mul3A_17 : i32
      %jit3A = arith.constant 977 : i32
      %div3A = arith.divsi %add3A_18, %jit3A : i32
      %sign3A = arith.constant 0 : i32
      %sign3A_19 = arith.cmpi sgt, %add3A_18, %sign3A : i32
      %sign3A_20 = arith.extui %sign3A_19 : i1 to i32
      %sign3A_21 = arith.constant 0 : i32
      %sign3A_22 = arith.cmpi slt, %add3A_18, %sign3A_21 : i32
      %sign3A_23 = arith.extui %sign3A_22 : i1 to i32
      %sign3A_24 = arith.subi %sign3A_20, %sign3A_23 : i32
      %sign3A_25 = arith.constant 0 : i32
      %sign3A_26 = arith.cmpi sgt, %jit3A, %sign3A_25 : i32
      %sign3A_27 = arith.extui %sign3A_26 : i1 to i32
      %sign3A_28 = arith.constant 0 : i32
      %sign3A_29 = arith.cmpi slt, %jit3A, %sign3A_28 : i32
      %sign3A_30 = arith.extui %sign3A_29 : i1 to i32
      %sign3A_31 = arith.subi %sign3A_27, %sign3A_30 : i32
      %ne3A = arith.cmpi ne, %sign3A_24, %sign3A_31 : i32
      %rem3A = arith.remsi %add3A_18, %jit3A : i32
      %ne3A_32 = arith.constant 0 : i32
      %ne3A_33 = arith.cmpi ne, %rem3A, %ne3A_32 : i32
      %and3A = arith.andi %ne3A, %ne3A_33 : i1
      %sub3A = arith.constant 1 : i32
      %sub3A_34 = arith.subi %div3A, %sub3A : i32
      %select_n3A = arith.select %and3A, %sub3A_34, %div3A : i32
      %jit3A_35 = arith.constant 977 : i32
      %eq3A = arith.constant 0 : i32
      %eq3A_36 = arith.cmpi eq, %jit3A_35, %eq3A : i32
      %jit3A_37 = arith.constant 1 : i32
      %select_n3A_38 = arith.select %eq3A_36, %jit3A_37, %jit3A_35 : i32
      %rem3A_39 = arith.remsi %add3A_18, %select_n3A_38 : i32
      %ne3A_40 = arith.constant 0 : i32
      %ne3A_41 = arith.cmpi ne, %rem3A_39, %ne3A_40 : i32
      %lt3A = arith.constant 0 : i32
      %lt3A_42 = arith.cmpi slt, %rem3A_39, %lt3A : i32
      %lt3A_43 = arith.constant 0 : i32
      %lt3A_44 = arith.cmpi slt, %select_n3A_38, %lt3A_43 : i32
      %ne3A_45 = arith.xori %lt3A_42, %lt3A_44 : i1
      %and3A_46 = arith.andi %ne3A_45, %ne3A_41 : i1
      %add3A_47 = arith.addi %rem3A_39, %select_n3A_38 : i32
      %select_n3A_48 = arith.select %and3A_46, %add3A_47, %rem3A_39 : i32
      %lt3A_49 = arith.constant 1954 : i32
      %lt3A_50 = arith.cmpi slt, %add3A_18, %lt3A_49 : i32
      %lt3A_51 = arith.constant 976 : i32
      %lt3A_52 = arith.cmpi slt, %select_n3A_48, %lt3A_51 : i32
      %and3A_53 = arith.andi %lt3A_50, %lt3A_52 : i1
      %convert_element_type3A = arith.extui %and3A_53 : i1 to i32
      %cond3A = arith.constant 0 : i32
      %cond3A_54 = arith.cmpi ne, %convert_element_type3A, %cond3A : i32
      scf.if %cond3A_54 {
        %mul3A_64 = arith.constant 8 : i32
        %mul3A_65 = arith.muli %mul3A_64, %select_n3A : i32
        %mul3A_66 = arith.constant 1024 : i32
        %mul3A_67 = arith.muli %select_n3A_48, %mul3A_66 : i32
        "tpu.region"() ({
          %run_scoped3A = tpu.sem_alloc : memref<!tpu.dma_semaphore, #tpu.memory_space<semaphore_mem>>
          %dma_start3A_240 = tpu.memref_slice %arg2[%mul3A_65, %mul3A_67] : memref<16x1000000xf32, #tpu.memory_space<hbm>> -> memref<8x1024xf32, #tpu.memory_space<hbm>>
          %dma_start3A_241 = tpu.memref_slice %arg2[%mul3A_65, %mul3A_67] : memref<16x1000000xf32, #tpu.memory_space<hbm>> -> memref<8x1024xf32, #tpu.memory_space<hbm>>
          tpu.enqueue_dma source(%dma_start3A_241 : memref<8x1024xf32, #tpu.memory_space<hbm>>) target(%arg8 : memref<8x1024xf32, #tpu.memory_space<vmem>>) target_semaphore(%run_scoped3A : memref<!tpu.dma_semaphore, #tpu.memory_space<semaphore_mem>>)
          %dma_wait3A_242 = tpu.memref_slice %arg2[%mul3A_65, %mul3A_67] : memref<16x1000000xf32, #tpu.memory_space<hbm>> -> memref<8x1024xf32, #tpu.memory_space<hbm>>
          %dma_wait3A_243 = tpu.memref_slice %arg2[%mul3A_65, %mul3A_67] : memref<16x1000000xf32, #tpu.memory_space<hbm>> -> memref<8x1024xf32, #tpu.memory_space<hbm>>
          tpu.wait_dma2 semaphore(%run_scoped3A : memref<!tpu.dma_semaphore, #tpu.memory_space<semaphore_mem>>) src(%dma_wait3A_243 : memref<8x1024xf32, #tpu.memory_space<hbm>>) dst(%arg8 : memref<8x1024xf32, #tpu.memory_space<vmem>>)
          tpu.yield
        }) : () -> ()
        %mul3A_68 = arith.constant 7813 : i32
        %mul3A_69 = arith.muli %select_n3A, %mul3A_68 : i32
        %mul3A_70 = arith.constant 8 : i32
        %mul3A_71 = arith.muli %mul3A_70, %select_n3A_48 : i32
        %add3A_72 = arith.addi %mul3A_69, %mul3A_71 : i32
        %add3A_73 = arith.constant 0 : i32
        %add3A_74 = arith.addi %add3A_72, %add3A_73 : i32
        %dma_start3A = arith.constant 0 : i32
        %dma_start3A_75 = arith.constant 0 : i32
        %dma_start3A_76 = tpu.memref_slice %arg8[%dma_start3A, %dma_start3A_75] : memref<8x1024xf32, #tpu.memory_space<vmem>> -> memref<8x128xf32, #tpu.memory_space<vmem>>
        %dma_start3A_77 = arith.constant 0 : i32
        %dma_start3A_78 = arith.constant 0 : i32
        %dma_start3A_79 = tpu.memref_slice %arg6[%add3A_74, %dma_start3A_77, %dma_start3A_78] : memref<15626x8x128xf32, #tpu.memory_space<hbm>> -> memref<1x8x128xf32, #tpu.memory_space<hbm>>
        %dma_start3A_80 = tpu.memref_squeeze %dma_start3A_79 : memref<1x8x128xf32, #tpu.memory_space<hbm>> -> memref<8x128xf32, #tpu.memory_space<hbm>>
        %dma_start3A_81 = arith.constant 0 : i32
        %dma_start3A_82 = arith.constant 0 : i32
        %dma_start3A_83 = tpu.memref_slice %arg6[%add3A_74, %dma_start3A_81, %dma_start3A_82] : memref<15626x8x128xf32, #tpu.memory_space<hbm>> -> memref<1x8x128xf32, #tpu.memory_space<hbm>>
        %dma_start3A_84 = tpu.memref_squeeze %dma_start3A_83 : memref<1x8x128xf32, #tpu.memory_space<hbm>> -> memref<8x128xf32, #tpu.memory_space<hbm>>
        %dma_start3A_85 = arith.constant 0 : i32
        %dma_start3A_86 = arith.constant 0 : i32
        %dma_start3A_87 = tpu.memref_slice %arg8[%dma_start3A_85, %dma_start3A_86] : memref<8x1024xf32, #tpu.memory_space<vmem>> -> memref<8x128xf32, #tpu.memory_space<vmem>>
        tpu.enqueue_dma source(%dma_start3A_87 : memref<8x128xf32, #tpu.memory_space<vmem>>) target(%dma_start3A_84 : memref<8x128xf32, #tpu.memory_space<hbm>>) target_semaphore(%arg11 : memref<!tpu.dma_semaphore, #tpu.memory_space<semaphore_mem>>)
        %mul3A_88 = arith.constant 7813 : i32
        %mul3A_89 = arith.muli %select_n3A, %mul3A_88 : i32
        %mul3A_90 = arith.constant 8 : i32
        %mul3A_91 = arith.muli %mul3A_90, %select_n3A_48 : i32
        %add3A_92 = arith.addi %mul3A_89, %mul3A_91 : i32
        %add3A_93 = arith.constant 1 : i32
        %add3A_94 = arith.addi %add3A_92, %add3A_93 : i32
        %dma_start3A_95 = arith.constant 0 : i32
        %dma_start3A_96 = arith.constant 128 : i32
        %dma_start3A_97 = tpu.memref_slice %arg8[%dma_start3A_95, %dma_start3A_96] : memref<8x1024xf32, #tpu.memory_space<vmem>> -> memref<8x128xf32, #tpu.memory_space<vmem>>
        %dma_start3A_98 = arith.constant 0 : i32
        %dma_start3A_99 = arith.constant 0 : i32
        %dma_start3A_100 = tpu.memref_slice %arg6[%add3A_94, %dma_start3A_98, %dma_start3A_99] : memref<15626x8x128xf32, #tpu.memory_space<hbm>> -> memref<1x8x128xf32, #tpu.memory_space<hbm>>
        %dma_start3A_101 = tpu.memref_squeeze %dma_start3A_100 : memref<1x8x128xf32, #tpu.memory_space<hbm>> -> memref<8x128xf32, #tpu.memory_space<hbm>>
        %dma_start3A_102 = arith.constant 0 : i32
        %dma_start3A_103 = arith.constant 0 : i32
        %dma_start3A_104 = tpu.memref_slice %arg6[%add3A_94, %dma_start3A_102, %dma_start3A_103] : memref<15626x8x128xf32, #tpu.memory_space<hbm>> -> memref<1x8x128xf32, #tpu.memory_space<hbm>>
        %dma_start3A_105 = tpu.memref_squeeze %dma_start3A_104 : memref<1x8x128xf32, #tpu.memory_space<hbm>> -> memref<8x128xf32, #tpu.memory_space<hbm>>
        %dma_start3A_106 = arith.constant 0 : i32
        %dma_start3A_107 = arith.constant 128 : i32
        %dma_start3A_108 = tpu.memref_slice %arg8[%dma_start3A_106, %dma_start3A_107] : memref<8x1024xf32, #tpu.memory_space<vmem>> -> memref<8x128xf32, #tpu.memory_space<vmem>>
        tpu.enqueue_dma source(%dma_start3A_108 : memref<8x128xf32, #tpu.memory_space<vmem>>) target(%dma_start3A_105 : memref<8x128xf32, #tpu.memory_space<hbm>>) target_semaphore(%arg11 : memref<!tpu.dma_semaphore, #tpu.memory_space<semaphore_mem>>)
        %mul3A_109 = arith.constant 7813 : i32
        %mul3A_110 = arith.muli %select_n3A, %mul3A_109 : i32
        %mul3A_111 = arith.constant 8 : i32
        %mul3A_112 = arith.muli %mul3A_111, %select_n3A_48 : i32
        %add3A_113 = arith.addi %mul3A_110, %mul3A_112 : i32
        %add3A_114 = arith.constant 2 : i32
        %add3A_115 = arith.addi %add3A_113, %add3A_114 : i32
        %dma_start3A_116 = arith.constant 0 : i32
        %dma_start3A_117 = arith.constant 256 : i32
        %dma_start3A_118 = tpu.memref_slice %arg8[%dma_start3A_116, %dma_start3A_117] : memref<8x1024xf32, #tpu.memory_space<vmem>> -> memref<8x128xf32, #tpu.memory_space<vmem>>
        %dma_start3A_119 = arith.constant 0 : i32
        %dma_start3A_120 = arith.constant 0 : i32
        %dma_start3A_121 = tpu.memref_slice %arg6[%add3A_115, %dma_start3A_119, %dma_start3A_120] : memref<15626x8x128xf32, #tpu.memory_space<hbm>> -> memref<1x8x128xf32, #tpu.memory_space<hbm>>
        %dma_start3A_122 = tpu.memref_squeeze %dma_start3A_121 : memref<1x8x128xf32, #tpu.memory_space<hbm>> -> memref<8x128xf32, #tpu.memory_space<hbm>>
        %dma_start3A_123 = arith.constant 0 : i32
        %dma_start3A_124 = arith.constant 0 : i32
        %dma_start3A_125 = tpu.memref_slice %arg6[%add3A_115, %dma_start3A_123, %dma_start3A_124] : memref<15626x8x128xf32, #tpu.memory_space<hbm>> -> memref<1x8x128xf32, #tpu.memory_space<hbm>>
        %dma_start3A_126 = tpu.memref_squeeze %dma_start3A_125 : memref<1x8x128xf32, #tpu.memory_space<hbm>> -> memref<8x128xf32, #tpu.memory_space<hbm>>
        %dma_start3A_127 = arith.constant 0 : i32
        %dma_start3A_128 = arith.constant 256 : i32
        %dma_start3A_129 = tpu.memref_slice %arg8[%dma_start3A_127, %dma_start3A_128] : memref<8x1024xf32, #tpu.memory_space<vmem>> -> memref<8x128xf32, #tpu.memory_space<vmem>>
        tpu.enqueue_dma source(%dma_start3A_129 : memref<8x128xf32, #tpu.memory_space<vmem>>) target(%dma_start3A_126 : memref<8x128xf32, #tpu.memory_space<hbm>>) target_semaphore(%arg11 : memref<!tpu.dma_semaphore, #tpu.memory_space<semaphore_mem>>)
        %mul3A_130 = arith.constant 7813 : i32
        %mul3A_131 = arith.muli %select_n3A, %mul3A_130 : i32
        %mul3A_132 = arith.constant 8 : i32
        %mul3A_133 = arith.muli %mul3A_132, %select_n3A_48 : i32
        %add3A_134 = arith.addi %mul3A_131, %mul3A_133 : i32
        %add3A_135 = arith.constant 3 : i32
        %add3A_136 = arith.addi %add3A_134, %add3A_135 : i32
        %dma_start3A_137 = arith.constant 0 : i32
        %dma_start3A_138 = arith.constant 384 : i32
        %dma_start3A_139 = tpu.memref_slice %arg8[%dma_start3A_137, %dma_start3A_138] : memref<8x1024xf32, #tpu.memory_space<vmem>> -> memref<8x128xf32, #tpu.memory_space<vmem>>
        %dma_start3A_140 = arith.constant 0 : i32
        %dma_start3A_141 = arith.constant 0 : i32
        %dma_start3A_142 = tpu.memref_slice %arg6[%add3A_136, %dma_start3A_140, %dma_start3A_141] : memref<15626x8x128xf32, #tpu.memory_space<hbm>> -> memref<1x8x128xf32, #tpu.memory_space<hbm>>
        %dma_start3A_143 = tpu.memref_squeeze %dma_start3A_142 : memref<1x8x128xf32, #tpu.memory_space<hbm>> -> memref<8x128xf32, #tpu.memory_space<hbm>>
        %dma_start3A_144 = arith.constant 0 : i32
        %dma_start3A_145 = arith.constant 0 : i32
        %dma_start3A_146 = tpu.memref_slice %arg6[%add3A_136, %dma_start3A_144, %dma_start3A_145] : memref<15626x8x128xf32, #tpu.memory_space<hbm>> -> memref<1x8x128xf32, #tpu.memory_space<hbm>>
        %dma_start3A_147 = tpu.memref_squeeze %dma_start3A_146 : memref<1x8x128xf32, #tpu.memory_space<hbm>> -> memref<8x128xf32, #tpu.memory_space<hbm>>
        %dma_start3A_148 = arith.constant 0 : i32
        %dma_start3A_149 = arith.constant 384 : i32
        %dma_start3A_150 = tpu.memref_slice %arg8[%dma_start3A_148, %dma_start3A_149] : memref<8x1024xf32, #tpu.memory_space<vmem>> -> memref<8x128xf32, #tpu.memory_space<vmem>>
        tpu.enqueue_dma source(%dma_start3A_150 : memref<8x128xf32, #tpu.memory_space<vmem>>) target(%dma_start3A_147 : memref<8x128xf32, #tpu.memory_space<hbm>>) target_semaphore(%arg11 : memref<!tpu.dma_semaphore, #tpu.memory_space<semaphore_mem>>)
        %mul3A_151 = arith.constant 7813 : i32
        %mul3A_152 = arith.muli %select_n3A, %mul3A_151 : i32
        %mul3A_153 = arith.constant 8 : i32
        %mul3A_154 = arith.muli %mul3A_153, %select_n3A_48 : i32
        %add3A_155 = arith.addi %mul3A_152, %mul3A_154 : i32
        %add3A_156 = arith.constant 4 : i32
        %add3A_157 = arith.addi %add3A_155, %add3A_156 : i32
        %dma_start3A_158 = arith.constant 0 : i32
        %dma_start3A_159 = arith.constant 512 : i32
        %dma_start3A_160 = tpu.memref_slice %arg8[%dma_start3A_158, %dma_start3A_159] : memref<8x1024xf32, #tpu.memory_space<vmem>> -> memref<8x128xf32, #tpu.memory_space<vmem>>
        %dma_start3A_161 = arith.constant 0 : i32
        %dma_start3A_162 = arith.constant 0 : i32
        %dma_start3A_163 = tpu.memref_slice %arg6[%add3A_157, %dma_start3A_161, %dma_start3A_162] : memref<15626x8x128xf32, #tpu.memory_space<hbm>> -> memref<1x8x128xf32, #tpu.memory_space<hbm>>
        %dma_start3A_164 = tpu.memref_squeeze %dma_start3A_163 : memref<1x8x128xf32, #tpu.memory_space<hbm>> -> memref<8x128xf32, #tpu.memory_space<hbm>>
        %dma_start3A_165 = arith.constant 0 : i32
        %dma_start3A_166 = arith.constant 0 : i32
        %dma_start3A_167 = tpu.memref_slice %arg6[%add3A_157, %dma_start3A_165, %dma_start3A_166] : memref<15626x8x128xf32, #tpu.memory_space<hbm>> -> memref<1x8x128xf32, #tpu.memory_space<hbm>>
        %dma_start3A_168 = tpu.memref_squeeze %dma_start3A_167 : memref<1x8x128xf32, #tpu.memory_space<hbm>> -> memref<8x128xf32, #tpu.memory_space<hbm>>
        %dma_start3A_169 = arith.constant 0 : i32
        %dma_start3A_170 = arith.constant 512 : i32
        %dma_start3A_171 = tpu.memref_slice %arg8[%dma_start3A_169, %dma_start3A_170] : memref<8x1024xf32, #tpu.memory_space<vmem>> -> memref<8x128xf32, #tpu.memory_space<vmem>>
        tpu.enqueue_dma source(%dma_start3A_171 : memref<8x128xf32, #tpu.memory_space<vmem>>) target(%dma_start3A_168 : memref<8x128xf32, #tpu.memory_space<hbm>>) target_semaphore(%arg11 : memref<!tpu.dma_semaphore, #tpu.memory_space<semaphore_mem>>)
        %mul3A_172 = arith.constant 7813 : i32
        %mul3A_173 = arith.muli %select_n3A, %mul3A_172 : i32
        %mul3A_174 = arith.constant 8 : i32
        %mul3A_175 = arith.muli %mul3A_174, %select_n3A_48 : i32
        %add3A_176 = arith.addi %mul3A_173, %mul3A_175 : i32
        %add3A_177 = arith.constant 5 : i32
        %add3A_178 = arith.addi %add3A_176, %add3A_177 : i32
        %dma_start3A_179 = arith.constant 0 : i32
        %dma_start3A_180 = arith.constant 640 : i32
        %dma_start3A_181 = tpu.memref_slice %arg8[%dma_start3A_179, %dma_start3A_180] : memref<8x1024xf32, #tpu.memory_space<vmem>> -> memref<8x128xf32, #tpu.memory_space<vmem>>
        %dma_start3A_182 = arith.constant 0 : i32
        %dma_start3A_183 = arith.constant 0 : i32
        %dma_start3A_184 = tpu.memref_slice %arg6[%add3A_178, %dma_start3A_182, %dma_start3A_183] : memref<15626x8x128xf32, #tpu.memory_space<hbm>> -> memref<1x8x128xf32, #tpu.memory_space<hbm>>
        %dma_start3A_185 = tpu.memref_squeeze %dma_start3A_184 : memref<1x8x128xf32, #tpu.memory_space<hbm>> -> memref<8x128xf32, #tpu.memory_space<hbm>>
        %dma_start3A_186 = arith.constant 0 : i32
        %dma_start3A_187 = arith.constant 0 : i32
        %dma_start3A_188 = tpu.memref_slice %arg6[%add3A_178, %dma_start3A_186, %dma_start3A_187] : memref<15626x8x128xf32, #tpu.memory_space<hbm>> -> memref<1x8x128xf32, #tpu.memory_space<hbm>>
        %dma_start3A_189 = tpu.memref_squeeze %dma_start3A_188 : memref<1x8x128xf32, #tpu.memory_space<hbm>> -> memref<8x128xf32, #tpu.memory_space<hbm>>
        %dma_start3A_190 = arith.constant 0 : i32
        %dma_start3A_191 = arith.constant 640 : i32
        %dma_start3A_192 = tpu.memref_slice %arg8[%dma_start3A_190, %dma_start3A_191] : memref<8x1024xf32, #tpu.memory_space<vmem>> -> memref<8x128xf32, #tpu.memory_space<vmem>>
        tpu.enqueue_dma source(%dma_start3A_192 : memref<8x128xf32, #tpu.memory_space<vmem>>) target(%dma_start3A_189 : memref<8x128xf32, #tpu.memory_space<hbm>>) target_semaphore(%arg11 : memref<!tpu.dma_semaphore, #tpu.memory_space<semaphore_mem>>)
        %mul3A_193 = arith.constant 7813 : i32
        %mul3A_194 = arith.muli %select_n3A, %mul3A_193 : i32
        %mul3A_195 = arith.constant 8 : i32
        %mul3A_196 = arith.muli %mul3A_195, %select_n3A_48 : i32
        %add3A_197 = arith.addi %mul3A_194, %mul3A_196 : i32
        %add3A_198 = arith.constant 6 : i32
        %add3A_199 = arith.addi %add3A_197, %add3A_198 : i32
        %dma_start3A_200 = arith.constant 0 : i32
        %dma_start3A_201 = arith.constant 768 : i32
        %dma_start3A_202 = tpu.memref_slice %arg8[%dma_start3A_200, %dma_start3A_201] : memref<8x1024xf32, #tpu.memory_space<vmem>> -> memref<8x128xf32, #tpu.memory_space<vmem>>
        %dma_start3A_203 = arith.constant 0 : i32
        %dma_start3A_204 = arith.constant 0 : i32
        %dma_start3A_205 = tpu.memref_slice %arg6[%add3A_199, %dma_start3A_203, %dma_start3A_204] : memref<15626x8x128xf32, #tpu.memory_space<hbm>> -> memref<1x8x128xf32, #tpu.memory_space<hbm>>
        %dma_start3A_206 = tpu.memref_squeeze %dma_start3A_205 : memref<1x8x128xf32, #tpu.memory_space<hbm>> -> memref<8x128xf32, #tpu.memory_space<hbm>>
        %dma_start3A_207 = arith.constant 0 : i32
        %dma_start3A_208 = arith.constant 0 : i32
        %dma_start3A_209 = tpu.memref_slice %arg6[%add3A_199, %dma_start3A_207, %dma_start3A_208] : memref<15626x8x128xf32, #tpu.memory_space<hbm>> -> memref<1x8x128xf32, #tpu.memory_space<hbm>>
        %dma_start3A_210 = tpu.memref_squeeze %dma_start3A_209 : memref<1x8x128xf32, #tpu.memory_space<hbm>> -> memref<8x128xf32, #tpu.memory_space<hbm>>
        %dma_start3A_211 = arith.constant 0 : i32
        %dma_start3A_212 = arith.constant 768 : i32
        %dma_start3A_213 = tpu.memref_slice %arg8[%dma_start3A_211, %dma_start3A_212] : memref<8x1024xf32, #tpu.memory_space<vmem>> -> memref<8x128xf32, #tpu.memory_space<vmem>>
        tpu.enqueue_dma source(%dma_start3A_213 : memref<8x128xf32, #tpu.memory_space<vmem>>) target(%dma_start3A_210 : memref<8x128xf32, #tpu.memory_space<hbm>>) target_semaphore(%arg11 : memref<!tpu.dma_semaphore, #tpu.memory_space<semaphore_mem>>)
        %mul3A_214 = arith.constant 7813 : i32
        %mul3A_215 = arith.muli %select_n3A, %mul3A_214 : i32
        %mul3A_216 = arith.constant 8 : i32
        %mul3A_217 = arith.muli %mul3A_216, %select_n3A_48 : i32
        %add3A_218 = arith.addi %mul3A_215, %mul3A_217 : i32
        %add3A_219 = arith.constant 7 : i32
        %add3A_220 = arith.addi %add3A_218, %add3A_219 : i32
        %dma_start3A_221 = arith.constant 0 : i32
        %dma_start3A_222 = arith.constant 896 : i32
        %dma_start3A_223 = tpu.memref_slice %arg8[%dma_start3A_221, %dma_start3A_222] : memref<8x1024xf32, #tpu.memory_space<vmem>> -> memref<8x128xf32, #tpu.memory_space<vmem>>
        %dma_start3A_224 = arith.constant 0 : i32
        %dma_start3A_225 = arith.constant 0 : i32
        %dma_start3A_226 = tpu.memref_slice %arg6[%add3A_220, %dma_start3A_224, %dma_start3A_225] : memref<15626x8x128xf32, #tpu.memory_space<hbm>> -> memref<1x8x128xf32, #tpu.memory_space<hbm>>
        %dma_start3A_227 = tpu.memref_squeeze %dma_start3A_226 : memref<1x8x128xf32, #tpu.memory_space<hbm>> -> memref<8x128xf32, #tpu.memory_space<hbm>>
        %dma_start3A_228 = arith.constant 0 : i32
        %dma_start3A_229 = arith.constant 0 : i32
        %dma_start3A_230 = tpu.memref_slice %arg6[%add3A_220, %dma_start3A_228, %dma_start3A_229] : memref<15626x8x128xf32, #tpu.memory_space<hbm>> -> memref<1x8x128xf32, #tpu.memory_space<hbm>>
        %dma_start3A_231 = tpu.memref_squeeze %dma_start3A_230 : memref<1x8x128xf32, #tpu.memory_space<hbm>> -> memref<8x128xf32, #tpu.memory_space<hbm>>
        %dma_start3A_232 = arith.constant 0 : i32
        %dma_start3A_233 = arith.constant 896 : i32
        %dma_start3A_234 = tpu.memref_slice %arg8[%dma_start3A_232, %dma_start3A_233] : memref<8x1024xf32, #tpu.memory_space<vmem>> -> memref<8x128xf32, #tpu.memory_space<vmem>>
        tpu.enqueue_dma source(%dma_start3A_234 : memref<8x128xf32, #tpu.memory_space<vmem>>) target(%dma_start3A_231 : memref<8x128xf32, #tpu.memory_space<hbm>>) target_semaphore(%arg11 : memref<!tpu.dma_semaphore, #tpu.memory_space<semaphore_mem>>)
        %dma_wait3A = arith.constant 0 : i32
        %dma_wait3A_235 = arith.constant 0 : i32
        %dma_wait3A_236 = tpu.memref_slice %arg2[%dma_wait3A, %dma_wait3A_235] : memref<16x1000000xf32, #tpu.memory_space<hbm>> -> memref<8x1024xf32, #tpu.memory_space<hbm>>
        %dma_wait3A_237 = arith.constant 0 : i32
        %dma_wait3A_238 = arith.constant 0 : i32
        %dma_wait3A_239 = tpu.memref_slice %arg2[%dma_wait3A_237, %dma_wait3A_238] : memref<16x1000000xf32, #tpu.memory_space<hbm>> -> memref<8x1024xf32, #tpu.memory_space<hbm>>
        tpu.wait_dma2 semaphore(%arg11 : memref<!tpu.dma_semaphore, #tpu.memory_space<semaphore_mem>>) src(%dma_wait3A_239 : memref<8x1024xf32, #tpu.memory_space<hbm>>) dst(%arg8 : memref<8x1024xf32, #tpu.memory_space<vmem>>)
      } else {
      }
      %lt3A_55 = arith.constant 1954 : i32
      %lt3A_56 = arith.cmpi slt, %add3A_18, %lt3A_55 : i32
      %eq3A_57 = arith.constant 976 : i32
      %eq3A_58 = arith.cmpi eq, %select_n3A_48, %eq3A_57 : i32
      %and3A_59 = arith.andi %lt3A_56, %eq3A_58 : i1
      %convert_element_type3A_60 = arith.extui %and3A_59 : i1 to i32
      %cond3A_61 = arith.constant 0 : i32
      %cond3A_62 = arith.cmpi ne, %convert_element_type3A_60, %cond3A_61 : i32
      scf.if %cond3A_62 {
        %mul3A_64 = arith.constant 8 : i32
        %mul3A_65 = arith.muli %mul3A_64, %select_n3A : i32
        "tpu.region"() ({
          %run_scoped3A = tpu.sem_alloc : memref<!tpu.dma_semaphore, #tpu.memory_space<semaphore_mem>>
          %dma_start3A_466 = arith.constant 0 : i32
          %dma_start3A_467 = arith.constant 0 : i32
          %dma_start3A_468 = tpu.memref_slice %arg8[%dma_start3A_466, %dma_start3A_467] : memref<8x1024xf32, #tpu.memory_space<vmem>> -> memref<8x512xf32, #tpu.memory_space<vmem>>
          %dma_start3A_469 = arith.constant 999424 : i32
          %dma_start3A_470 = tpu.memref_slice %arg2[%mul3A_65, %dma_start3A_469] : memref<16x1000000xf32, #tpu.memory_space<hbm>> -> memref<8x512xf32, #tpu.memory_space<hbm>>
          %dma_start3A_471 = arith.constant 0 : i32
          %dma_start3A_472 = arith.constant 0 : i32
          %dma_start3A_473 = tpu.memref_slice %arg8[%dma_start3A_471, %dma_start3A_472] : memref<8x1024xf32, #tpu.memory_space<vmem>> -> memref<8x512xf32, #tpu.memory_space<vmem>>
          %dma_start3A_474 = arith.constant 999424 : i32
          %dma_start3A_475 = tpu.memref_slice %arg2[%mul3A_65, %dma_start3A_474] : memref<16x1000000xf32, #tpu.memory_space<hbm>> -> memref<8x512xf32, #tpu.memory_space<hbm>>
          tpu.enqueue_dma source(%dma_start3A_475 : memref<8x512xf32, #tpu.memory_space<hbm>>) target(%dma_start3A_473 : memref<8x512xf32, #tpu.memory_space<vmem>>) target_semaphore(%run_scoped3A : memref<!tpu.dma_semaphore, #tpu.memory_space<semaphore_mem>>)
          %dma_wait3A_476 = arith.constant 0 : i32
          %dma_wait3A_477 = arith.constant 0 : i32
          %dma_wait3A_478 = tpu.memref_slice %arg8[%dma_wait3A_476, %dma_wait3A_477] : memref<8x1024xf32, #tpu.memory_space<vmem>> -> memref<8x512xf32, #tpu.memory_space<vmem>>
          %dma_wait3A_479 = arith.constant 999424 : i32
          %dma_wait3A_480 = tpu.memref_slice %arg2[%mul3A_65, %dma_wait3A_479] : memref<16x1000000xf32, #tpu.memory_space<hbm>> -> memref<8x512xf32, #tpu.memory_space<hbm>>
          %dma_wait3A_481 = arith.constant 0 : i32
          %dma_wait3A_482 = arith.constant 0 : i32
          %dma_wait3A_483 = tpu.memref_slice %arg8[%dma_wait3A_481, %dma_wait3A_482] : memref<8x1024xf32, #tpu.memory_space<vmem>> -> memref<8x512xf32, #tpu.memory_space<vmem>>
          %dma_wait3A_484 = arith.constant 999424 : i32
          %dma_wait3A_485 = tpu.memref_slice %arg2[%mul3A_65, %dma_wait3A_484] : memref<16x1000000xf32, #tpu.memory_space<hbm>> -> memref<8x512xf32, #tpu.memory_space<hbm>>
          tpu.wait_dma2 semaphore(%run_scoped3A : memref<!tpu.dma_semaphore, #tpu.memory_space<semaphore_mem>>) src(%dma_wait3A_485 : memref<8x512xf32, #tpu.memory_space<hbm>>) dst(%dma_wait3A_483 : memref<8x512xf32, #tpu.memory_space<vmem>>)
          tpu.yield
        }) : () -> ()
        %mul3A_66 = arith.constant 7813 : i32
        %mul3A_67 = arith.muli %select_n3A, %mul3A_66 : i32
        %add3A_68 = arith.constant 7808 : i32
        %add3A_69 = arith.addi %mul3A_67, %add3A_68 : i32
        %add3A_70 = arith.constant 0 : i32
        %add3A_71 = arith.addi %add3A_69, %add3A_70 : i32
        %dma_start3A = arith.constant 0 : i32
        %dma_start3A_72 = arith.constant 0 : i32
        %dma_start3A_73 = tpu.memref_slice %arg8[%dma_start3A, %dma_start3A_72] : memref<8x1024xf32, #tpu.memory_space<vmem>> -> memref<8x128xf32, #tpu.memory_space<vmem>>
        %dma_start3A_74 = arith.constant 0 : i32
        %dma_start3A_75 = arith.constant 0 : i32
        %dma_start3A_76 = tpu.memref_slice %arg6[%add3A_71, %dma_start3A_74, %dma_start3A_75] : memref<15626x8x128xf32, #tpu.memory_space<hbm>> -> memref<1x8x128xf32, #tpu.memory_space<hbm>>
        %dma_start3A_77 = tpu.memref_squeeze %dma_start3A_76 : memref<1x8x128xf32, #tpu.memory_space<hbm>> -> memref<8x128xf32, #tpu.memory_space<hbm>>
        %dma_start3A_78 = arith.constant 0 : i32
        %dma_start3A_79 = arith.constant 0 : i32
        %dma_start3A_80 = tpu.memref_slice %arg6[%add3A_71, %dma_start3A_78, %dma_start3A_79] : memref<15626x8x128xf32, #tpu.memory_space<hbm>> -> memref<1x8x128xf32, #tpu.memory_space<hbm>>
        %dma_start3A_81 = tpu.memref_squeeze %dma_start3A_80 : memref<1x8x128xf32, #tpu.memory_space<hbm>> -> memref<8x128xf32, #tpu.memory_space<hbm>>
        %dma_start3A_82 = arith.constant 0 : i32
        %dma_start3A_83 = arith.constant 0 : i32
        %dma_start3A_84 = tpu.memref_slice %arg8[%dma_start3A_82, %dma_start3A_83] : memref<8x1024xf32, #tpu.memory_space<vmem>> -> memref<8x128xf32, #tpu.memory_space<vmem>>
        tpu.enqueue_dma source(%dma_start3A_84 : memref<8x128xf32, #tpu.memory_space<vmem>>) target(%dma_start3A_81 : memref<8x128xf32, #tpu.memory_space<hbm>>) target_semaphore(%arg12 : memref<!tpu.dma_semaphore, #tpu.memory_space<semaphore_mem>>)
        %mul3A_85 = arith.constant 7813 : i32
        %mul3A_86 = arith.muli %select_n3A, %mul3A_85 : i32
        %add3A_87 = arith.constant 7808 : i32
        %add3A_88 = arith.addi %mul3A_86, %add3A_87 : i32
        %add3A_89 = arith.constant 1 : i32
        %add3A_90 = arith.addi %add3A_88, %add3A_89 : i32
        %dma_start3A_91 = arith.constant 0 : i32
        %dma_start3A_92 = arith.constant 128 : i32
        %dma_start3A_93 = tpu.memref_slice %arg8[%dma_start3A_91, %dma_start3A_92] : memref<8x1024xf32, #tpu.memory_space<vmem>> -> memref<8x128xf32, #tpu.memory_space<vmem>>
        %dma_start3A_94 = arith.constant 0 : i32
        %dma_start3A_95 = arith.constant 0 : i32
        %dma_start3A_96 = tpu.memref_slice %arg6[%add3A_90, %dma_start3A_94, %dma_start3A_95] : memref<15626x8x128xf32, #tpu.memory_space<hbm>> -> memref<1x8x128xf32, #tpu.memory_space<hbm>>
        %dma_start3A_97 = tpu.memref_squeeze %dma_start3A_96 : memref<1x8x128xf32, #tpu.memory_space<hbm>> -> memref<8x128xf32, #tpu.memory_space<hbm>>
        %dma_start3A_98 = arith.constant 0 : i32
        %dma_start3A_99 = arith.constant 0 : i32
        %dma_start3A_100 = tpu.memref_slice %arg6[%add3A_90, %dma_start3A_98, %dma_start3A_99] : memref<15626x8x128xf32, #tpu.memory_space<hbm>> -> memref<1x8x128xf32, #tpu.memory_space<hbm>>
        %dma_start3A_101 = tpu.memref_squeeze %dma_start3A_100 : memref<1x8x128xf32, #tpu.memory_space<hbm>> -> memref<8x128xf32, #tpu.memory_space<hbm>>
        %dma_start3A_102 = arith.constant 0 : i32
        %dma_start3A_103 = arith.constant 128 : i32
        %dma_start3A_104 = tpu.memref_slice %arg8[%dma_start3A_102, %dma_start3A_103] : memref<8x1024xf32, #tpu.memory_space<vmem>> -> memref<8x128xf32, #tpu.memory_space<vmem>>
        tpu.enqueue_dma source(%dma_start3A_104 : memref<8x128xf32, #tpu.memory_space<vmem>>) target(%dma_start3A_101 : memref<8x128xf32, #tpu.memory_space<hbm>>) target_semaphore(%arg12 : memref<!tpu.dma_semaphore, #tpu.memory_space<semaphore_mem>>)
        %mul3A_105 = arith.constant 7813 : i32
        %mul3A_106 = arith.muli %select_n3A, %mul3A_105 : i32
        %add3A_107 = arith.constant 7808 : i32
        %add3A_108 = arith.addi %mul3A_106, %add3A_107 : i32
        %add3A_109 = arith.constant 2 : i32
        %add3A_110 = arith.addi %add3A_108, %add3A_109 : i32
        %dma_start3A_111 = arith.constant 0 : i32
        %dma_start3A_112 = arith.constant 256 : i32
        %dma_start3A_113 = tpu.memref_slice %arg8[%dma_start3A_111, %dma_start3A_112] : memref<8x1024xf32, #tpu.memory_space<vmem>> -> memref<8x128xf32, #tpu.memory_space<vmem>>
        %dma_start3A_114 = arith.constant 0 : i32
        %dma_start3A_115 = arith.constant 0 : i32
        %dma_start3A_116 = tpu.memref_slice %arg6[%add3A_110, %dma_start3A_114, %dma_start3A_115] : memref<15626x8x128xf32, #tpu.memory_space<hbm>> -> memref<1x8x128xf32, #tpu.memory_space<hbm>>
        %dma_start3A_117 = tpu.memref_squeeze %dma_start3A_116 : memref<1x8x128xf32, #tpu.memory_space<hbm>> -> memref<8x128xf32, #tpu.memory_space<hbm>>
        %dma_start3A_118 = arith.constant 0 : i32
        %dma_start3A_119 = arith.constant 0 : i32
        %dma_start3A_120 = tpu.memref_slice %arg6[%add3A_110, %dma_start3A_118, %dma_start3A_119] : memref<15626x8x128xf32, #tpu.memory_space<hbm>> -> memref<1x8x128xf32, #tpu.memory_space<hbm>>
        %dma_start3A_121 = tpu.memref_squeeze %dma_start3A_120 : memref<1x8x128xf32, #tpu.memory_space<hbm>> -> memref<8x128xf32, #tpu.memory_space<hbm>>
        %dma_start3A_122 = arith.constant 0 : i32
        %dma_start3A_123 = arith.constant 256 : i32
        %dma_start3A_124 = tpu.memref_slice %arg8[%dma_start3A_122, %dma_start3A_123] : memref<8x1024xf32, #tpu.memory_space<vmem>> -> memref<8x128xf32, #tpu.memory_space<vmem>>
        tpu.enqueue_dma source(%dma_start3A_124 : memref<8x128xf32, #tpu.memory_space<vmem>>) target(%dma_start3A_121 : memref<8x128xf32, #tpu.memory_space<hbm>>) target_semaphore(%arg12 : memref<!tpu.dma_semaphore, #tpu.memory_space<semaphore_mem>>)
        %mul3A_125 = arith.constant 7813 : i32
        %mul3A_126 = arith.muli %select_n3A, %mul3A_125 : i32
        %add3A_127 = arith.constant 7808 : i32
        %add3A_128 = arith.addi %mul3A_126, %add3A_127 : i32
        %add3A_129 = arith.constant 3 : i32
        %add3A_130 = arith.addi %add3A_128, %add3A_129 : i32
        %dma_start3A_131 = arith.constant 0 : i32
        %dma_start3A_132 = arith.constant 384 : i32
        %dma_start3A_133 = tpu.memref_slice %arg8[%dma_start3A_131, %dma_start3A_132] : memref<8x1024xf32, #tpu.memory_space<vmem>> -> memref<8x128xf32, #tpu.memory_space<vmem>>
        %dma_start3A_134 = arith.constant 0 : i32
        %dma_start3A_135 = arith.constant 0 : i32
        %dma_start3A_136 = tpu.memref_slice %arg6[%add3A_130, %dma_start3A_134, %dma_start3A_135] : memref<15626x8x128xf32, #tpu.memory_space<hbm>> -> memref<1x8x128xf32, #tpu.memory_space<hbm>>
        %dma_start3A_137 = tpu.memref_squeeze %dma_start3A_136 : memref<1x8x128xf32, #tpu.memory_space<hbm>> -> memref<8x128xf32, #tpu.memory_space<hbm>>
        %dma_start3A_138 = arith.constant 0 : i32
        %dma_start3A_139 = arith.constant 0 : i32
        %dma_start3A_140 = tpu.memref_slice %arg6[%add3A_130, %dma_start3A_138, %dma_start3A_139] : memref<15626x8x128xf32, #tpu.memory_space<hbm>> -> memref<1x8x128xf32, #tpu.memory_space<hbm>>
        %dma_start3A_141 = tpu.memref_squeeze %dma_start3A_140 : memref<1x8x128xf32, #tpu.memory_space<hbm>> -> memref<8x128xf32, #tpu.memory_space<hbm>>
        %dma_start3A_142 = arith.constant 0 : i32
        %dma_start3A_143 = arith.constant 384 : i32
        %dma_start3A_144 = tpu.memref_slice %arg8[%dma_start3A_142, %dma_start3A_143] : memref<8x1024xf32, #tpu.memory_space<vmem>> -> memref<8x128xf32, #tpu.memory_space<vmem>>
        tpu.enqueue_dma source(%dma_start3A_144 : memref<8x128xf32, #tpu.memory_space<vmem>>) target(%dma_start3A_141 : memref<8x128xf32, #tpu.memory_space<hbm>>) target_semaphore(%arg12 : memref<!tpu.dma_semaphore, #tpu.memory_space<semaphore_mem>>)
        %mul3A_145 = arith.constant 8 : i32
        %mul3A_146 = arith.muli %select_n3A, %mul3A_145 : i32
        %mul3A_147 = arith.constant 64 : i32
        %mul3A_148 = arith.muli %mul3A_146, %mul3A_147 : i32
        "tpu.region"() ({
          %run_scoped3A = tpu.sem_alloc : memref<!tpu.dma_semaphore, #tpu.memory_space<semaphore_mem>>
          %dma_start3A_466 = tpu.memref_slice %arg4[%mul3A_148] : memref<1024xf32, #tpu.memory_space<hbm>> -> memref<512xf32, #tpu.memory_space<hbm>>
          %dma_start3A_467 = tpu.memref_slice %arg4[%mul3A_148] : memref<1024xf32, #tpu.memory_space<hbm>> -> memref<512xf32, #tpu.memory_space<hbm>>
          tpu.enqueue_dma source(%dma_start3A_467 : memref<512xf32, #tpu.memory_space<hbm>>) target(%arg9 : memref<512xf32, #tpu.memory_space<vmem>>) target_semaphore(%run_scoped3A : memref<!tpu.dma_semaphore, #tpu.memory_space<semaphore_mem>>)
          %dma_wait3A_468 = tpu.memref_slice %arg4[%mul3A_148] : memref<1024xf32, #tpu.memory_space<hbm>> -> memref<512xf32, #tpu.memory_space<hbm>>
          %dma_wait3A_469 = tpu.memref_slice %arg4[%mul3A_148] : memref<1024xf32, #tpu.memory_space<hbm>> -> memref<512xf32, #tpu.memory_space<hbm>>
          tpu.wait_dma2 semaphore(%run_scoped3A : memref<!tpu.dma_semaphore, #tpu.memory_space<semaphore_mem>>) src(%dma_wait3A_469 : memref<512xf32, #tpu.memory_space<hbm>>) dst(%arg9 : memref<512xf32, #tpu.memory_space<vmem>>)
          tpu.yield
        }) : () -> ()
        %get3A = arith.constant 0 : index
        %get3A_149 = tpu.vector_load %arg9[%get3A] {strides = array<i32>} : memref<512xf32, #tpu.memory_space<vmem>>, vector<16xf32>,
        %get3A_150 = vector.shape_cast %get3A_149 : vector<16xf32> to vector<16xf32>
        %swap3A = arith.constant 0 : i32
        %swap3A_151 = arith.index_cast %swap3A : i32 to index
        %swap3A_152 = arith.constant 0 : index
        %swap3A_153 = tpu.vector_load %arg10[%swap3A_151, %swap3A_152] {strides = array<i32>} : memref<8x128xf32, #tpu.memory_space<vmem>>, vector<1x16xf32>,
        %swap3A_154 = vector.shape_cast %swap3A_153 : vector<1x16xf32> to vector<16xf32>
        %swap3A_155 = vector.shape_cast %get3A_150 : vector<16xf32> to vector<1x16xf32>
        tpu.vector_store %arg10[%swap3A_151, %swap3A_152], %swap3A_155 {strides = array<i32>} : memref<8x128xf32, #tpu.memory_space<vmem>>, vector<1x16xf32>,
        %get3A_156 = arith.constant 16 : index
        %get3A_157 = tpu.vector_load %arg9[%get3A_156] {strides = array<i32>} : memref<512xf32, #tpu.memory_space<vmem>>, vector<16xf32>,
        %get3A_158 = vector.shape_cast %get3A_157 : vector<16xf32> to vector<16xf32>
        %swap3A_159 = arith.constant 0 : i32
        %swap3A_160 = arith.index_cast %swap3A_159 : i32 to index
        %swap3A_161 = arith.constant 16 : index
        %swap3A_162 = tpu.vector_load %arg10[%swap3A_160, %swap3A_161] {strides = array<i32>} : memref<8x128xf32, #tpu.memory_space<vmem>>, vector<1x16xf32>,
        %swap3A_163 = vector.shape_cast %swap3A_162 : vector<1x16xf32> to vector<16xf32>
        %swap3A_164 = vector.shape_cast %get3A_158 : vector<16xf32> to vector<1x16xf32>
        tpu.vector_store %arg10[%swap3A_160, %swap3A_161], %swap3A_164 {strides = array<i32>} : memref<8x128xf32, #tpu.memory_space<vmem>>, vector<1x16xf32>,
        %get3A_165 = arith.constant 32 : index
        %get3A_166 = tpu.vector_load %arg9[%get3A_165] {strides = array<i32>} : memref<512xf32, #tpu.memory_space<vmem>>, vector<16xf32>,
        %get3A_167 = vector.shape_cast %get3A_166 : vector<16xf32> to vector<16xf32>
        %swap3A_168 = arith.constant 0 : i32
        %swap3A_169 = arith.index_cast %swap3A_168 : i32 to index
        %swap3A_170 = arith.constant 32 : index
        %swap3A_171 = tpu.vector_load %arg10[%swap3A_169, %swap3A_170] {strides = array<i32>} : memref<8x128xf32, #tpu.memory_space<vmem>>, vector<1x16xf32>,
        %swap3A_172 = vector.shape_cast %swap3A_171 : vector<1x16xf32> to vector<16xf32>
        %swap3A_173 = vector.shape_cast %get3A_167 : vector<16xf32> to vector<1x16xf32>
        tpu.vector_store %arg10[%swap3A_169, %swap3A_170], %swap3A_173 {strides = array<i32>} : memref<8x128xf32, #tpu.memory_space<vmem>>, vector<1x16xf32>,
        %get3A_174 = arith.constant 48 : index
        %get3A_175 = tpu.vector_load %arg9[%get3A_174] {strides = array<i32>} : memref<512xf32, #tpu.memory_space<vmem>>, vector<16xf32>,
        %get3A_176 = vector.shape_cast %get3A_175 : vector<16xf32> to vector<16xf32>
        %swap3A_177 = arith.constant 0 : i32
        %swap3A_178 = arith.index_cast %swap3A_177 : i32 to index
        %swap3A_179 = arith.constant 48 : index
        %swap3A_180 = tpu.vector_load %arg10[%swap3A_178, %swap3A_179] {strides = array<i32>} : memref<8x128xf32, #tpu.memory_space<vmem>>, vector<1x16xf32>,
        %swap3A_181 = vector.shape_cast %swap3A_180 : vector<1x16xf32> to vector<16xf32>
        %swap3A_182 = vector.shape_cast %get3A_176 : vector<16xf32> to vector<1x16xf32>
        tpu.vector_store %arg10[%swap3A_178, %swap3A_179], %swap3A_182 {strides = array<i32>} : memref<8x128xf32, #tpu.memory_space<vmem>>, vector<1x16xf32>,
        %get3A_183 = arith.constant 64 : index
        %get3A_184 = tpu.vector_load %arg9[%get3A_183] {strides = array<i32>} : memref<512xf32, #tpu.memory_space<vmem>>, vector<16xf32>,
        %get3A_185 = vector.shape_cast %get3A_184 : vector<16xf32> to vector<16xf32>
        %swap3A_186 = arith.constant 1 : i32
        %swap3A_187 = arith.index_cast %swap3A_186 : i32 to index
        %swap3A_188 = arith.constant 0 : index
        %swap3A_189 = tpu.vector_load %arg10[%swap3A_187, %swap3A_188] {strides = array<i32>} : memref<8x128xf32, #tpu.memory_space<vmem>>, vector<1x16xf32>,
        %swap3A_190 = vector.shape_cast %swap3A_189 : vector<1x16xf32> to vector<16xf32>
        %swap3A_191 = vector.shape_cast %get3A_185 : vector<16xf32> to vector<1x16xf32>
        tpu.vector_store %arg10[%swap3A_187, %swap3A_188], %swap3A_191 {strides = array<i32>} : memref<8x128xf32, #tpu.memory_space<vmem>>, vector<1x16xf32>,
        %get3A_192 = arith.constant 80 : index
        %get3A_193 = tpu.vector_load %arg9[%get3A_192] {strides = array<i32>} : memref<512xf32, #tpu.memory_space<vmem>>, vector<16xf32>,
        %get3A_194 = vector.shape_cast %get3A_193 : vector<16xf32> to vector<16xf32>
        %swap3A_195 = arith.constant 1 : i32
        %swap3A_196 = arith.index_cast %swap3A_195 : i32 to index
        %swap3A_197 = arith.constant 16 : index
        %swap3A_198 = tpu.vector_load %arg10[%swap3A_196, %swap3A_197] {strides = array<i32>} : memref<8x128xf32, #tpu.memory_space<vmem>>, vector<1x16xf32>,
        %swap3A_199 = vector.shape_cast %swap3A_198 : vector<1x16xf32> to vector<16xf32>
        %swap3A_200 = vector.shape_cast %get3A_194 : vector<16xf32> to vector<1x16xf32>
        tpu.vector_store %arg10[%swap3A_196, %swap3A_197], %swap3A_200 {strides = array<i32>} : memref<8x128xf32, #tpu.memory_space<vmem>>, vector<1x16xf32>,
        %get3A_201 = arith.constant 96 : index
        %get3A_202 = tpu.vector_load %arg9[%get3A_201] {strides = array<i32>} : memref<512xf32, #tpu.memory_space<vmem>>, vector<16xf32>,
        %get3A_203 = vector.shape_cast %get3A_202 : vector<16xf32> to vector<16xf32>
        %swap3A_204 = arith.constant 1 : i32
        %swap3A_205 = arith.index_cast %swap3A_204 : i32 to index
        %swap3A_206 = arith.constant 32 : index
        %swap3A_207 = tpu.vector_load %arg10[%swap3A_205, %swap3A_206] {strides = array<i32>} : memref<8x128xf32, #tpu.memory_space<vmem>>, vector<1x16xf32>,
        %swap3A_208 = vector.shape_cast %swap3A_207 : vector<1x16xf32> to vector<16xf32>
        %swap3A_209 = vector.shape_cast %get3A_203 : vector<16xf32> to vector<1x16xf32>
        tpu.vector_store %arg10[%swap3A_205, %swap3A_206], %swap3A_209 {strides = array<i32>} : memref<8x128xf32, #tpu.memory_space<vmem>>, vector<1x16xf32>,
        %get3A_210 = arith.constant 112 : index
        %get3A_211 = tpu.vector_load %arg9[%get3A_210] {strides = array<i32>} : memref<512xf32, #tpu.memory_space<vmem>>, vector<16xf32>,
        %get3A_212 = vector.shape_cast %get3A_211 : vector<16xf32> to vector<16xf32>
        %swap3A_213 = arith.constant 1 : i32
        %swap3A_214 = arith.index_cast %swap3A_213 : i32 to index
        %swap3A_215 = arith.constant 48 : index
        %swap3A_216 = tpu.vector_load %arg10[%swap3A_214, %swap3A_215] {strides = array<i32>} : memref<8x128xf32, #tpu.memory_space<vmem>>, vector<1x16xf32>,
        %swap3A_217 = vector.shape_cast %swap3A_216 : vector<1x16xf32> to vector<16xf32>
        %swap3A_218 = vector.shape_cast %get3A_212 : vector<16xf32> to vector<1x16xf32>
        tpu.vector_store %arg10[%swap3A_214, %swap3A_215], %swap3A_218 {strides = array<i32>} : memref<8x128xf32, #tpu.memory_space<vmem>>, vector<1x16xf32>,
        %get3A_219 = arith.constant 128 : index
        %get3A_220 = tpu.vector_load %arg9[%get3A_219] {strides = array<i32>} : memref<512xf32, #tpu.memory_space<vmem>>, vector<16xf32>,
        %get3A_221 = vector.shape_cast %get3A_220 : vector<16xf32> to vector<16xf32>
        %swap3A_222 = arith.constant 2 : i32
        %swap3A_223 = arith.index_cast %swap3A_222 : i32 to index
        %swap3A_224 = arith.constant 0 : index
        %swap3A_225 = tpu.vector_load %arg10[%swap3A_223, %swap3A_224] {strides = array<i32>} : memref<8x128xf32, #tpu.memory_space<vmem>>, vector<1x16xf32>,
        %swap3A_226 = vector.shape_cast %swap3A_225 : vector<1x16xf32> to vector<16xf32>
        %swap3A_227 = vector.shape_cast %get3A_221 : vector<16xf32> to vector<1x16xf32>
        tpu.vector_store %arg10[%swap3A_223, %swap3A_224], %swap3A_227 {strides = array<i32>} : memref<8x128xf32, #tpu.memory_space<vmem>>, vector<1x16xf32>,
        %get3A_228 = arith.constant 144 : index
        %get3A_229 = tpu.vector_load %arg9[%get3A_228] {strides = array<i32>} : memref<512xf32, #tpu.memory_space<vmem>>, vector<16xf32>,
        %get3A_230 = vector.shape_cast %get3A_229 : vector<16xf32> to vector<16xf32>
        %swap3A_231 = arith.constant 2 : i32
        %swap3A_232 = arith.index_cast %swap3A_231 : i32 to index
        %swap3A_233 = arith.constant 16 : index
        %swap3A_234 = tpu.vector_load %arg10[%swap3A_232, %swap3A_233] {strides = array<i32>} : memref<8x128xf32, #tpu.memory_space<vmem>>, vector<1x16xf32>,
        %swap3A_235 = vector.shape_cast %swap3A_234 : vector<1x16xf32> to vector<16xf32>
        %swap3A_236 = vector.shape_cast %get3A_230 : vector<16xf32> to vector<1x16xf32>
        tpu.vector_store %arg10[%swap3A_232, %swap3A_233], %swap3A_236 {strides = array<i32>} : memref<8x128xf32, #tpu.memory_space<vmem>>, vector<1x16xf32>,
        %get3A_237 = arith.constant 160 : index
        %get3A_238 = tpu.vector_load %arg9[%get3A_237] {strides = array<i32>} : memref<512xf32, #tpu.memory_space<vmem>>, vector<16xf32>,
        %get3A_239 = vector.shape_cast %get3A_238 : vector<16xf32> to vector<16xf32>
        %swap3A_240 = arith.constant 2 : i32
        %swap3A_241 = arith.index_cast %swap3A_240 : i32 to index
        %swap3A_242 = arith.constant 32 : index
        %swap3A_243 = tpu.vector_load %arg10[%swap3A_241, %swap3A_242] {strides = array<i32>} : memref<8x128xf32, #tpu.memory_space<vmem>>, vector<1x16xf32>,
        %swap3A_244 = vector.shape_cast %swap3A_243 : vector<1x16xf32> to vector<16xf32>
        %swap3A_245 = vector.shape_cast %get3A_239 : vector<16xf32> to vector<1x16xf32>
        tpu.vector_store %arg10[%swap3A_241, %swap3A_242], %swap3A_245 {strides = array<i32>} : memref<8x128xf32, #tpu.memory_space<vmem>>, vector<1x16xf32>,
        %get3A_246 = arith.constant 176 : index
        %get3A_247 = tpu.vector_load %arg9[%get3A_246] {strides = array<i32>} : memref<512xf32, #tpu.memory_space<vmem>>, vector<16xf32>,
        %get3A_248 = vector.shape_cast %get3A_247 : vector<16xf32> to vector<16xf32>
        %swap3A_249 = arith.constant 2 : i32
        %swap3A_250 = arith.index_cast %swap3A_249 : i32 to index
        %swap3A_251 = arith.constant 48 : index
        %swap3A_252 = tpu.vector_load %arg10[%swap3A_250, %swap3A_251] {strides = array<i32>} : memref<8x128xf32, #tpu.memory_space<vmem>>, vector<1x16xf32>,
        %swap3A_253 = vector.shape_cast %swap3A_252 : vector<1x16xf32> to vector<16xf32>
        %swap3A_254 = vector.shape_cast %get3A_248 : vector<16xf32> to vector<1x16xf32>
        tpu.vector_store %arg10[%swap3A_250, %swap3A_251], %swap3A_254 {strides = array<i32>} : memref<8x128xf32, #tpu.memory_space<vmem>>, vector<1x16xf32>,
        %get3A_255 = arith.constant 192 : index
        %get3A_256 = tpu.vector_load %arg9[%get3A_255] {strides = array<i32>} : memref<512xf32, #tpu.memory_space<vmem>>, vector<16xf32>,
        %get3A_257 = vector.shape_cast %get3A_256 : vector<16xf32> to vector<16xf32>
        %swap3A_258 = arith.constant 3 : i32
        %swap3A_259 = arith.index_cast %swap3A_258 : i32 to index
        %swap3A_260 = arith.constant 0 : index
        %swap3A_261 = tpu.vector_load %arg10[%swap3A_259, %swap3A_260] {strides = array<i32>} : memref<8x128xf32, #tpu.memory_space<vmem>>, vector<1x16xf32>,
        %swap3A_262 = vector.shape_cast %swap3A_261 : vector<1x16xf32> to vector<16xf32>
        %swap3A_263 = vector.shape_cast %get3A_257 : vector<16xf32> to vector<1x16xf32>
        tpu.vector_store %arg10[%swap3A_259, %swap3A_260], %swap3A_263 {strides = array<i32>} : memref<8x128xf32, #tpu.memory_space<vmem>>, vector<1x16xf32>,
        %get3A_264 = arith.constant 208 : index
        %get3A_265 = tpu.vector_load %arg9[%get3A_264] {strides = array<i32>} : memref<512xf32, #tpu.memory_space<vmem>>, vector<16xf32>,
        %get3A_266 = vector.shape_cast %get3A_265 : vector<16xf32> to vector<16xf32>
        %swap3A_267 = arith.constant 3 : i32
        %swap3A_268 = arith.index_cast %swap3A_267 : i32 to index
        %swap3A_269 = arith.constant 16 : index
        %swap3A_270 = tpu.vector_load %arg10[%swap3A_268, %swap3A_269] {strides = array<i32>} : memref<8x128xf32, #tpu.memory_space<vmem>>, vector<1x16xf32>,
        %swap3A_271 = vector.shape_cast %swap3A_270 : vector<1x16xf32> to vector<16xf32>
        %swap3A_272 = vector.shape_cast %get3A_266 : vector<16xf32> to vector<1x16xf32>
        tpu.vector_store %arg10[%swap3A_268, %swap3A_269], %swap3A_272 {strides = array<i32>} : memref<8x128xf32, #tpu.memory_space<vmem>>, vector<1x16xf32>,
        %get3A_273 = arith.constant 224 : index
        %get3A_274 = tpu.vector_load %arg9[%get3A_273] {strides = array<i32>} : memref<512xf32, #tpu.memory_space<vmem>>, vector<16xf32>,
        %get3A_275 = vector.shape_cast %get3A_274 : vector<16xf32> to vector<16xf32>
        %swap3A_276 = arith.constant 3 : i32
        %swap3A_277 = arith.index_cast %swap3A_276 : i32 to index
        %swap3A_278 = arith.constant 32 : index
        %swap3A_279 = tpu.vector_load %arg10[%swap3A_277, %swap3A_278] {strides = array<i32>} : memref<8x128xf32, #tpu.memory_space<vmem>>, vector<1x16xf32>,
        %swap3A_280 = vector.shape_cast %swap3A_279 : vector<1x16xf32> to vector<16xf32>
        %swap3A_281 = vector.shape_cast %get3A_275 : vector<16xf32> to vector<1x16xf32>
        tpu.vector_store %arg10[%swap3A_277, %swap3A_278], %swap3A_281 {strides = array<i32>} : memref<8x128xf32, #tpu.memory_space<vmem>>, vector<1x16xf32>,
        %get3A_282 = arith.constant 240 : index
        %get3A_283 = tpu.vector_load %arg9[%get3A_282] {strides = array<i32>} : memref<512xf32, #tpu.memory_space<vmem>>, vector<16xf32>,
        %get3A_284 = vector.shape_cast %get3A_283 : vector<16xf32> to vector<16xf32>
        %swap3A_285 = arith.constant 3 : i32
        %swap3A_286 = arith.index_cast %swap3A_285 : i32 to index
        %swap3A_287 = arith.constant 48 : index
        %swap3A_288 = tpu.vector_load %arg10[%swap3A_286, %swap3A_287] {strides = array<i32>} : memref<8x128xf32, #tpu.memory_space<vmem>>, vector<1x16xf32>,
        %swap3A_289 = vector.shape_cast %swap3A_288 : vector<1x16xf32> to vector<16xf32>
        %swap3A_290 = vector.shape_cast %get3A_284 : vector<16xf32> to vector<1x16xf32>
        tpu.vector_store %arg10[%swap3A_286, %swap3A_287], %swap3A_290 {strides = array<i32>} : memref<8x128xf32, #tpu.memory_space<vmem>>, vector<1x16xf32>,
        %get3A_291 = arith.constant 256 : index
        %get3A_292 = tpu.vector_load %arg9[%get3A_291] {strides = array<i32>} : memref<512xf32, #tpu.memory_space<vmem>>, vector<16xf32>,
        %get3A_293 = vector.shape_cast %get3A_292 : vector<16xf32> to vector<16xf32>
        %swap3A_294 = arith.constant 4 : i32
        %swap3A_295 = arith.index_cast %swap3A_294 : i32 to index
        %swap3A_296 = arith.constant 0 : index
        %swap3A_297 = tpu.vector_load %arg10[%swap3A_295, %swap3A_296] {strides = array<i32>} : memref<8x128xf32, #tpu.memory_space<vmem>>, vector<1x16xf32>,
        %swap3A_298 = vector.shape_cast %swap3A_297 : vector<1x16xf32> to vector<16xf32>
        %swap3A_299 = vector.shape_cast %get3A_293 : vector<16xf32> to vector<1x16xf32>
        tpu.vector_store %arg10[%swap3A_295, %swap3A_296], %swap3A_299 {strides = array<i32>} : memref<8x128xf32, #tpu.memory_space<vmem>>, vector<1x16xf32>,
        %get3A_300 = arith.constant 272 : index
        %get3A_301 = tpu.vector_load %arg9[%get3A_300] {strides = array<i32>} : memref<512xf32, #tpu.memory_space<vmem>>, vector<16xf32>,
        %get3A_302 = vector.shape_cast %get3A_301 : vector<16xf32> to vector<16xf32>
        %swap3A_303 = arith.constant 4 : i32
        %swap3A_304 = arith.index_cast %swap3A_303 : i32 to index
        %swap3A_305 = arith.constant 16 : index
        %swap3A_306 = tpu.vector_load %arg10[%swap3A_304, %swap3A_305] {strides = array<i32>} : memref<8x128xf32, #tpu.memory_space<vmem>>, vector<1x16xf32>,
        %swap3A_307 = vector.shape_cast %swap3A_306 : vector<1x16xf32> to vector<16xf32>
        %swap3A_308 = vector.shape_cast %get3A_302 : vector<16xf32> to vector<1x16xf32>
        tpu.vector_store %arg10[%swap3A_304, %swap3A_305], %swap3A_308 {strides = array<i32>} : memref<8x128xf32, #tpu.memory_space<vmem>>, vector<1x16xf32>,
        %get3A_309 = arith.constant 288 : index
        %get3A_310 = tpu.vector_load %arg9[%get3A_309] {strides = array<i32>} : memref<512xf32, #tpu.memory_space<vmem>>, vector<16xf32>,
        %get3A_311 = vector.shape_cast %get3A_310 : vector<16xf32> to vector<16xf32>
        %swap3A_312 = arith.constant 4 : i32
        %swap3A_313 = arith.index_cast %swap3A_312 : i32 to index
        %swap3A_314 = arith.constant 32 : index
        %swap3A_315 = tpu.vector_load %arg10[%swap3A_313, %swap3A_314] {strides = array<i32>} : memref<8x128xf32, #tpu.memory_space<vmem>>, vector<1x16xf32>,
        %swap3A_316 = vector.shape_cast %swap3A_315 : vector<1x16xf32> to vector<16xf32>
        %swap3A_317 = vector.shape_cast %get3A_311 : vector<16xf32> to vector<1x16xf32>
        tpu.vector_store %arg10[%swap3A_313, %swap3A_314], %swap3A_317 {strides = array<i32>} : memref<8x128xf32, #tpu.memory_space<vmem>>, vector<1x16xf32>,
        %get3A_318 = arith.constant 304 : index
        %get3A_319 = tpu.vector_load %arg9[%get3A_318] {strides = array<i32>} : memref<512xf32, #tpu.memory_space<vmem>>, vector<16xf32>,
        %get3A_320 = vector.shape_cast %get3A_319 : vector<16xf32> to vector<16xf32>
        %swap3A_321 = arith.constant 4 : i32
        %swap3A_322 = arith.index_cast %swap3A_321 : i32 to index
        %swap3A_323 = arith.constant 48 : index
        %swap3A_324 = tpu.vector_load %arg10[%swap3A_322, %swap3A_323] {strides = array<i32>} : memref<8x128xf32, #tpu.memory_space<vmem>>, vector<1x16xf32>,
        %swap3A_325 = vector.shape_cast %swap3A_324 : vector<1x16xf32> to vector<16xf32>
        %swap3A_326 = vector.shape_cast %get3A_320 : vector<16xf32> to vector<1x16xf32>
        tpu.vector_store %arg10[%swap3A_322, %swap3A_323], %swap3A_326 {strides = array<i32>} : memref<8x128xf32, #tpu.memory_space<vmem>>, vector<1x16xf32>,
        %get3A_327 = arith.constant 320 : index
        %get3A_328 = tpu.vector_load %arg9[%get3A_327] {strides = array<i32>} : memref<512xf32, #tpu.memory_space<vmem>>, vector<16xf32>,
        %get3A_329 = vector.shape_cast %get3A_328 : vector<16xf32> to vector<16xf32>
        %swap3A_330 = arith.constant 5 : i32
        %swap3A_331 = arith.index_cast %swap3A_330 : i32 to index
        %swap3A_332 = arith.constant 0 : index
        %swap3A_333 = tpu.vector_load %arg10[%swap3A_331, %swap3A_332] {strides = array<i32>} : memref<8x128xf32, #tpu.memory_space<vmem>>, vector<1x16xf32>,
        %swap3A_334 = vector.shape_cast %swap3A_333 : vector<1x16xf32> to vector<16xf32>
        %swap3A_335 = vector.shape_cast %get3A_329 : vector<16xf32> to vector<1x16xf32>
        tpu.vector_store %arg10[%swap3A_331, %swap3A_332], %swap3A_335 {strides = array<i32>} : memref<8x128xf32, #tpu.memory_space<vmem>>, vector<1x16xf32>,
        %get3A_336 = arith.constant 336 : index
        %get3A_337 = tpu.vector_load %arg9[%get3A_336] {strides = array<i32>} : memref<512xf32, #tpu.memory_space<vmem>>, vector<16xf32>,
        %get3A_338 = vector.shape_cast %get3A_337 : vector<16xf32> to vector<16xf32>
        %swap3A_339 = arith.constant 5 : i32
        %swap3A_340 = arith.index_cast %swap3A_339 : i32 to index
        %swap3A_341 = arith.constant 16 : index
        %swap3A_342 = tpu.vector_load %arg10[%swap3A_340, %swap3A_341] {strides = array<i32>} : memref<8x128xf32, #tpu.memory_space<vmem>>, vector<1x16xf32>,
        %swap3A_343 = vector.shape_cast %swap3A_342 : vector<1x16xf32> to vector<16xf32>
        %swap3A_344 = vector.shape_cast %get3A_338 : vector<16xf32> to vector<1x16xf32>
        tpu.vector_store %arg10[%swap3A_340, %swap3A_341], %swap3A_344 {strides = array<i32>} : memref<8x128xf32, #tpu.memory_space<vmem>>, vector<1x16xf32>,
        %get3A_345 = arith.constant 352 : index
        %get3A_346 = tpu.vector_load %arg9[%get3A_345] {strides = array<i32>} : memref<512xf32, #tpu.memory_space<vmem>>, vector<16xf32>,
        %get3A_347 = vector.shape_cast %get3A_346 : vector<16xf32> to vector<16xf32>
        %swap3A_348 = arith.constant 5 : i32
        %swap3A_349 = arith.index_cast %swap3A_348 : i32 to index
        %swap3A_350 = arith.constant 32 : index
        %swap3A_351 = tpu.vector_load %arg10[%swap3A_349, %swap3A_350] {strides = array<i32>} : memref<8x128xf32, #tpu.memory_space<vmem>>, vector<1x16xf32>,
        %swap3A_352 = vector.shape_cast %swap3A_351 : vector<1x16xf32> to vector<16xf32>
        %swap3A_353 = vector.shape_cast %get3A_347 : vector<16xf32> to vector<1x16xf32>
        tpu.vector_store %arg10[%swap3A_349, %swap3A_350], %swap3A_353 {strides = array<i32>} : memref<8x128xf32, #tpu.memory_space<vmem>>, vector<1x16xf32>,
        %get3A_354 = arith.constant 368 : index
        %get3A_355 = tpu.vector_load %arg9[%get3A_354] {strides = array<i32>} : memref<512xf32, #tpu.memory_space<vmem>>, vector<16xf32>,
        %get3A_356 = vector.shape_cast %get3A_355 : vector<16xf32> to vector<16xf32>
        %swap3A_357 = arith.constant 5 : i32
        %swap3A_358 = arith.index_cast %swap3A_357 : i32 to index
        %swap3A_359 = arith.constant 48 : index
        %swap3A_360 = tpu.vector_load %arg10[%swap3A_358, %swap3A_359] {strides = array<i32>} : memref<8x128xf32, #tpu.memory_space<vmem>>, vector<1x16xf32>,
        %swap3A_361 = vector.shape_cast %swap3A_360 : vector<1x16xf32> to vector<16xf32>
        %swap3A_362 = vector.shape_cast %get3A_356 : vector<16xf32> to vector<1x16xf32>
        tpu.vector_store %arg10[%swap3A_358, %swap3A_359], %swap3A_362 {strides = array<i32>} : memref<8x128xf32, #tpu.memory_space<vmem>>, vector<1x16xf32>,
        %get3A_363 = arith.constant 384 : index
        %get3A_364 = tpu.vector_load %arg9[%get3A_363] {strides = array<i32>} : memref<512xf32, #tpu.memory_space<vmem>>, vector<16xf32>,
        %get3A_365 = vector.shape_cast %get3A_364 : vector<16xf32> to vector<16xf32>
        %swap3A_366 = arith.constant 6 : i32
        %swap3A_367 = arith.index_cast %swap3A_366 : i32 to index
        %swap3A_368 = arith.constant 0 : index
        %swap3A_369 = tpu.vector_load %arg10[%swap3A_367, %swap3A_368] {strides = array<i32>} : memref<8x128xf32, #tpu.memory_space<vmem>>, vector<1x16xf32>,
        %swap3A_370 = vector.shape_cast %swap3A_369 : vector<1x16xf32> to vector<16xf32>
        %swap3A_371 = vector.shape_cast %get3A_365 : vector<16xf32> to vector<1x16xf32>
        tpu.vector_store %arg10[%swap3A_367, %swap3A_368], %swap3A_371 {strides = array<i32>} : memref<8x128xf32, #tpu.memory_space<vmem>>, vector<1x16xf32>,
        %get3A_372 = arith.constant 400 : index
        %get3A_373 = tpu.vector_load %arg9[%get3A_372] {strides = array<i32>} : memref<512xf32, #tpu.memory_space<vmem>>, vector<16xf32>,
        %get3A_374 = vector.shape_cast %get3A_373 : vector<16xf32> to vector<16xf32>
        %swap3A_375 = arith.constant 6 : i32
        %swap3A_376 = arith.index_cast %swap3A_375 : i32 to index
        %swap3A_377 = arith.constant 16 : index
        %swap3A_378 = tpu.vector_load %arg10[%swap3A_376, %swap3A_377] {strides = array<i32>} : memref<8x128xf32, #tpu.memory_space<vmem>>, vector<1x16xf32>,
        %swap3A_379 = vector.shape_cast %swap3A_378 : vector<1x16xf32> to vector<16xf32>
        %swap3A_380 = vector.shape_cast %get3A_374 : vector<16xf32> to vector<1x16xf32>
        tpu.vector_store %arg10[%swap3A_376, %swap3A_377], %swap3A_380 {strides = array<i32>} : memref<8x128xf32, #tpu.memory_space<vmem>>, vector<1x16xf32>,
        %get3A_381 = arith.constant 416 : index
        %get3A_382 = tpu.vector_load %arg9[%get3A_381] {strides = array<i32>} : memref<512xf32, #tpu.memory_space<vmem>>, vector<16xf32>,
        %get3A_383 = vector.shape_cast %get3A_382 : vector<16xf32> to vector<16xf32>
        %swap3A_384 = arith.constant 6 : i32
        %swap3A_385 = arith.index_cast %swap3A_384 : i32 to index
        %swap3A_386 = arith.constant 32 : index
        %swap3A_387 = tpu.vector_load %arg10[%swap3A_385, %swap3A_386] {strides = array<i32>} : memref<8x128xf32, #tpu.memory_space<vmem>>, vector<1x16xf32>,
        %swap3A_388 = vector.shape_cast %swap3A_387 : vector<1x16xf32> to vector<16xf32>
        %swap3A_389 = vector.shape_cast %get3A_383 : vector<16xf32> to vector<1x16xf32>
        tpu.vector_store %arg10[%swap3A_385, %swap3A_386], %swap3A_389 {strides = array<i32>} : memref<8x128xf32, #tpu.memory_space<vmem>>, vector<1x16xf32>,
        %get3A_390 = arith.constant 432 : index
        %get3A_391 = tpu.vector_load %arg9[%get3A_390] {strides = array<i32>} : memref<512xf32, #tpu.memory_space<vmem>>, vector<16xf32>,
        %get3A_392 = vector.shape_cast %get3A_391 : vector<16xf32> to vector<16xf32>
        %swap3A_393 = arith.constant 6 : i32
        %swap3A_394 = arith.index_cast %swap3A_393 : i32 to index
        %swap3A_395 = arith.constant 48 : index
        %swap3A_396 = tpu.vector_load %arg10[%swap3A_394, %swap3A_395] {strides = array<i32>} : memref<8x128xf32, #tpu.memory_space<vmem>>, vector<1x16xf32>,
        %swap3A_397 = vector.shape_cast %swap3A_396 : vector<1x16xf32> to vector<16xf32>
        %swap3A_398 = vector.shape_cast %get3A_392 : vector<16xf32> to vector<1x16xf32>
        tpu.vector_store %arg10[%swap3A_394, %swap3A_395], %swap3A_398 {strides = array<i32>} : memref<8x128xf32, #tpu.memory_space<vmem>>, vector<1x16xf32>,
        %get3A_399 = arith.constant 448 : index
        %get3A_400 = tpu.vector_load %arg9[%get3A_399] {strides = array<i32>} : memref<512xf32, #tpu.memory_space<vmem>>, vector<16xf32>,
        %get3A_401 = vector.shape_cast %get3A_400 : vector<16xf32> to vector<16xf32>
        %swap3A_402 = arith.constant 7 : i32
        %swap3A_403 = arith.index_cast %swap3A_402 : i32 to index
        %swap3A_404 = arith.constant 0 : index
        %swap3A_405 = tpu.vector_load %arg10[%swap3A_403, %swap3A_404] {strides = array<i32>} : memref<8x128xf32, #tpu.memory_space<vmem>>, vector<1x16xf32>,
        %swap3A_406 = vector.shape_cast %swap3A_405 : vector<1x16xf32> to vector<16xf32>
        %swap3A_407 = vector.shape_cast %get3A_401 : vector<16xf32> to vector<1x16xf32>
        tpu.vector_store %arg10[%swap3A_403, %swap3A_404], %swap3A_407 {strides = array<i32>} : memref<8x128xf32, #tpu.memory_space<vmem>>, vector<1x16xf32>,
        %get3A_408 = arith.constant 464 : index
        %get3A_409 = tpu.vector_load %arg9[%get3A_408] {strides = array<i32>} : memref<512xf32, #tpu.memory_space<vmem>>, vector<16xf32>,
        %get3A_410 = vector.shape_cast %get3A_409 : vector<16xf32> to vector<16xf32>
        %swap3A_411 = arith.constant 7 : i32
        %swap3A_412 = arith.index_cast %swap3A_411 : i32 to index
        %swap3A_413 = arith.constant 16 : index
        %swap3A_414 = tpu.vector_load %arg10[%swap3A_412, %swap3A_413] {strides = array<i32>} : memref<8x128xf32, #tpu.memory_space<vmem>>, vector<1x16xf32>,
        %swap3A_415 = vector.shape_cast %swap3A_414 : vector<1x16xf32> to vector<16xf32>
        %swap3A_416 = vector.shape_cast %get3A_410 : vector<16xf32> to vector<1x16xf32>
        tpu.vector_store %arg10[%swap3A_412, %swap3A_413], %swap3A_416 {strides = array<i32>} : memref<8x128xf32, #tpu.memory_space<vmem>>, vector<1x16xf32>,
        %get3A_417 = arith.constant 480 : index
        %get3A_418 = tpu.vector_load %arg9[%get3A_417] {strides = array<i32>} : memref<512xf32, #tpu.memory_space<vmem>>, vector<16xf32>,
        %get3A_419 = vector.shape_cast %get3A_418 : vector<16xf32> to vector<16xf32>
        %swap3A_420 = arith.constant 7 : i32
        %swap3A_421 = arith.index_cast %swap3A_420 : i32 to index
        %swap3A_422 = arith.constant 32 : index
        %swap3A_423 = tpu.vector_load %arg10[%swap3A_421, %swap3A_422] {strides = array<i32>} : memref<8x128xf32, #tpu.memory_space<vmem>>, vector<1x16xf32>,
        %swap3A_424 = vector.shape_cast %swap3A_423 : vector<1x16xf32> to vector<16xf32>
        %swap3A_425 = vector.shape_cast %get3A_419 : vector<16xf32> to vector<1x16xf32>
        tpu.vector_store %arg10[%swap3A_421, %swap3A_422], %swap3A_425 {strides = array<i32>} : memref<8x128xf32, #tpu.memory_space<vmem>>, vector<1x16xf32>,
        %get3A_426 = arith.constant 496 : index
        %get3A_427 = tpu.vector_load %arg9[%get3A_426] {strides = array<i32>} : memref<512xf32, #tpu.memory_space<vmem>>, vector<16xf32>,
        %get3A_428 = vector.shape_cast %get3A_427 : vector<16xf32> to vector<16xf32>
        %swap3A_429 = arith.constant 7 : i32
        %swap3A_430 = arith.index_cast %swap3A_429 : i32 to index
        %swap3A_431 = arith.constant 48 : index
        %swap3A_432 = tpu.vector_load %arg10[%swap3A_430, %swap3A_431] {strides = array<i32>} : memref<8x128xf32, #tpu.memory_space<vmem>>, vector<1x16xf32>,
        %swap3A_433 = vector.shape_cast %swap3A_432 : vector<1x16xf32> to vector<16xf32>
        %swap3A_434 = vector.shape_cast %get3A_428 : vector<16xf32> to vector<1x16xf32>
        tpu.vector_store %arg10[%swap3A_430, %swap3A_431], %swap3A_434 {strides = array<i32>} : memref<8x128xf32, #tpu.memory_space<vmem>>, vector<1x16xf32>,
        %mul3A_435 = arith.constant 7813 : i32
        %mul3A_436 = arith.muli %select_n3A, %mul3A_435 : i32
        %add3A_437 = arith.constant 7813 : i32
        %add3A_438 = arith.addi %mul3A_436, %add3A_437 : i32
        %sub3A_439 = arith.constant 1 : i32
        %sub3A_440 = arith.subi %add3A_438, %sub3A_439 : i32
        %dma_start3A_441 = arith.constant 0 : i32
        %dma_start3A_442 = arith.constant 0 : i32
        %dma_start3A_443 = tpu.memref_slice %arg6[%sub3A_440, %dma_start3A_441, %dma_start3A_442] : memref<15626x8x128xf32, #tpu.memory_space<hbm>> -> memref<1x8x128xf32, #tpu.memory_space<hbm>>
        %dma_start3A_444 = tpu.memref_squeeze %dma_start3A_443 : memref<1x8x128xf32, #tpu.memory_space<hbm>> -> memref<8x128xf32, #tpu.memory_space<hbm>>
        %dma_start3A_445 = arith.constant 0 : i32
        %dma_start3A_446 = arith.constant 0 : i32
        %dma_start3A_447 = tpu.memref_slice %arg6[%sub3A_440, %dma_start3A_445, %dma_start3A_446] : memref<15626x8x128xf32, #tpu.memory_space<hbm>> -> memref<1x8x128xf32, #tpu.memory_space<hbm>>
        %dma_start3A_448 = tpu.memref_squeeze %dma_start3A_447 : memref<1x8x128xf32, #tpu.memory_space<hbm>> -> memref<8x128xf32, #tpu.memory_space<hbm>>
        tpu.enqueue_dma source(%arg10 : memref<8x128xf32, #tpu.memory_space<vmem>>) target(%dma_start3A_448 : memref<8x128xf32, #tpu.memory_space<hbm>>) target_semaphore(%arg12 : memref<!tpu.dma_semaphore, #tpu.memory_space<semaphore_mem>>)
        %dma_wait3A = arith.constant 0 : i32
        %dma_wait3A_449 = arith.constant 0 : i32
        %dma_wait3A_450 = tpu.memref_slice %arg8[%dma_wait3A, %dma_wait3A_449] : memref<8x1024xf32, #tpu.memory_space<vmem>> -> memref<8x512xf32, #tpu.memory_space<vmem>>
        %dma_wait3A_451 = arith.constant 0 : i32
        %dma_wait3A_452 = arith.constant 0 : i32
        %dma_wait3A_453 = tpu.memref_slice %arg2[%dma_wait3A_451, %dma_wait3A_452] : memref<16x1000000xf32, #tpu.memory_space<hbm>> -> memref<8x512xf32, #tpu.memory_space<hbm>>
        %dma_wait3A_454 = arith.constant 0 : i32
        %dma_wait3A_455 = arith.constant 0 : i32
        %dma_wait3A_456 = tpu.memref_slice %arg8[%dma_wait3A_454, %dma_wait3A_455] : memref<8x1024xf32, #tpu.memory_space<vmem>> -> memref<8x512xf32, #tpu.memory_space<vmem>>
        %dma_wait3A_457 = arith.constant 0 : i32
        %dma_wait3A_458 = arith.constant 0 : i32
        %dma_wait3A_459 = tpu.memref_slice %arg2[%dma_wait3A_457, %dma_wait3A_458] : memref<16x1000000xf32, #tpu.memory_space<hbm>> -> memref<8x512xf32, #tpu.memory_space<hbm>>
        tpu.wait_dma2 semaphore(%arg12 : memref<!tpu.dma_semaphore, #tpu.memory_space<semaphore_mem>>) src(%dma_wait3A_459 : memref<8x512xf32, #tpu.memory_space<hbm>>) dst(%dma_wait3A_456 : memref<8x512xf32, #tpu.memory_space<vmem>>)
        %dma_wait3A_460 = arith.constant 0 : i32
        %dma_wait3A_461 = arith.constant 0 : i32
        %dma_wait3A_462 = tpu.memref_slice %arg2[%dma_wait3A_460, %dma_wait3A_461] : memref<16x1000000xf32, #tpu.memory_space<hbm>> -> memref<8x128xf32, #tpu.memory_space<hbm>>
        %dma_wait3A_463 = arith.constant 0 : i32
        %dma_wait3A_464 = arith.constant 0 : i32
        %dma_wait3A_465 = tpu.memref_slice %arg2[%dma_wait3A_463, %dma_wait3A_464] : memref<16x1000000xf32, #tpu.memory_space<hbm>> -> memref<8x128xf32, #tpu.memory_space<hbm>>
        tpu.wait_dma2 semaphore(%arg12 : memref<!tpu.dma_semaphore, #tpu.memory_space<semaphore_mem>>) src(%dma_wait3A_465 : memref<8x128xf32, #tpu.memory_space<hbm>>) dst(%arg10 : memref<8x128xf32, #tpu.memory_space<vmem>>)
      } else {
      }
      %scan3A_63 = arith.constant 0 : i32
      scf.yield %scan3A_63 : i32
    }
    %scan3A_6 = arith.constant 62 : i32
    %scan3A_7 = arith.constant 0 : i32
    %scan3A_8 = arith.constant 0 : i32
    %scan3A_9 = arith.constant 62 : i32
    %scan3A_10 = arith.addi %scan3A_8, %scan3A_9 : i32
    %scan3A_11 = arith.constant 1 : i32
    %scan3A_12 = scf.for %scan3A_14 = %scan3A_8 to %scan3A_10 step %scan3A_11 iter_args(%scan3A_15 = %scan3A_7) -> (i32)  : i32 {
      %mul3A_16 = arith.constant 32 : i32
      %mul3A_17 = arith.muli %scan3A_14, %mul3A_16 : i32
      %add3A_18 = arith.addi %add3A, %mul3A_17 : i32
      %jit3A = arith.constant 977 : i32
      %div3A = arith.divsi %add3A_18, %jit3A : i32
      %sign3A = arith.constant 0 : i32
      %sign3A_19 = arith.cmpi sgt, %add3A_18, %sign3A : i32
      %sign3A_20 = arith.extui %sign3A_19 : i1 to i32
      %sign3A_21 = arith.constant 0 : i32
      %sign3A_22 = arith.cmpi slt, %add3A_18, %sign3A_21 : i32
      %sign3A_23 = arith.extui %sign3A_22 : i1 to i32
      %sign3A_24 = arith.subi %sign3A_20, %sign3A_23 : i32
      %sign3A_25 = arith.constant 0 : i32
      %sign3A_26 = arith.cmpi sgt, %jit3A, %sign3A_25 : i32
      %sign3A_27 = arith.extui %sign3A_26 : i1 to i32
      %sign3A_28 = arith.constant 0 : i32
      %sign3A_29 = arith.cmpi slt, %jit3A, %sign3A_28 : i32
      %sign3A_30 = arith.extui %sign3A_29 : i1 to i32
      %sign3A_31 = arith.subi %sign3A_27, %sign3A_30 : i32
      %ne3A = arith.cmpi ne, %sign3A_24, %sign3A_31 : i32
      %rem3A = arith.remsi %add3A_18, %jit3A : i32
      %ne3A_32 = arith.constant 0 : i32
      %ne3A_33 = arith.cmpi ne, %rem3A, %ne3A_32 : i32
      %and3A = arith.andi %ne3A, %ne3A_33 : i1
      %sub3A = arith.constant 1 : i32
      %sub3A_34 = arith.subi %div3A, %sub3A : i32
      %select_n3A = arith.select %and3A, %sub3A_34, %div3A : i32
      %jit3A_35 = arith.constant 977 : i32
      %eq3A = arith.constant 0 : i32
      %eq3A_36 = arith.cmpi eq, %jit3A_35, %eq3A : i32
      %jit3A_37 = arith.constant 1 : i32
      %select_n3A_38 = arith.select %eq3A_36, %jit3A_37, %jit3A_35 : i32
      %rem3A_39 = arith.remsi %add3A_18, %select_n3A_38 : i32
      %ne3A_40 = arith.constant 0 : i32
      %ne3A_41 = arith.cmpi ne, %rem3A_39, %ne3A_40 : i32
      %lt3A = arith.constant 0 : i32
      %lt3A_42 = arith.cmpi slt, %rem3A_39, %lt3A : i32
      %lt3A_43 = arith.constant 0 : i32
      %lt3A_44 = arith.cmpi slt, %select_n3A_38, %lt3A_43 : i32
      %ne3A_45 = arith.xori %lt3A_42, %lt3A_44 : i1
      %and3A_46 = arith.andi %ne3A_45, %ne3A_41 : i1
      %add3A_47 = arith.addi %rem3A_39, %select_n3A_38 : i32
      %select_n3A_48 = arith.select %and3A_46, %add3A_47, %rem3A_39 : i32
      %lt3A_49 = arith.constant 1954 : i32
      %lt3A_50 = arith.cmpi slt, %add3A_18, %lt3A_49 : i32
      %lt3A_51 = arith.constant 976 : i32
      %lt3A_52 = arith.cmpi slt, %select_n3A_48, %lt3A_51 : i32
      %and3A_53 = arith.andi %lt3A_50, %lt3A_52 : i1
      %convert_element_type3A = arith.extui %and3A_53 : i1 to i32
      %cond3A = arith.constant 0 : i32
      %cond3A_54 = arith.cmpi ne, %convert_element_type3A, %cond3A : i32
      scf.if %cond3A_54 {
        %mul3A_64 = arith.constant 8 : i32
        %mul3A_65 = arith.muli %mul3A_64, %select_n3A : i32
        %mul3A_66 = arith.constant 1024 : i32
        %mul3A_67 = arith.muli %select_n3A_48, %mul3A_66 : i32
        "tpu.region"() ({
          %run_scoped3A = tpu.sem_alloc : memref<!tpu.dma_semaphore, #tpu.memory_space<semaphore_mem>>
          %dma_start3A_240 = tpu.memref_slice %arg3[%mul3A_65, %mul3A_67] : memref<16x1000000xf32, #tpu.memory_space<hbm>> -> memref<8x1024xf32, #tpu.memory_space<hbm>>
          %dma_start3A_241 = tpu.memref_slice %arg3[%mul3A_65, %mul3A_67] : memref<16x1000000xf32, #tpu.memory_space<hbm>> -> memref<8x1024xf32, #tpu.memory_space<hbm>>
          tpu.enqueue_dma source(%dma_start3A_241 : memref<8x1024xf32, #tpu.memory_space<hbm>>) target(%arg8 : memref<8x1024xf32, #tpu.memory_space<vmem>>) target_semaphore(%run_scoped3A : memref<!tpu.dma_semaphore, #tpu.memory_space<semaphore_mem>>)
          %dma_wait3A_242 = tpu.memref_slice %arg3[%mul3A_65, %mul3A_67] : memref<16x1000000xf32, #tpu.memory_space<hbm>> -> memref<8x1024xf32, #tpu.memory_space<hbm>>
          %dma_wait3A_243 = tpu.memref_slice %arg3[%mul3A_65, %mul3A_67] : memref<16x1000000xf32, #tpu.memory_space<hbm>> -> memref<8x1024xf32, #tpu.memory_space<hbm>>
          tpu.wait_dma2 semaphore(%run_scoped3A : memref<!tpu.dma_semaphore, #tpu.memory_space<semaphore_mem>>) src(%dma_wait3A_243 : memref<8x1024xf32, #tpu.memory_space<hbm>>) dst(%arg8 : memref<8x1024xf32, #tpu.memory_space<vmem>>)
          tpu.yield
        }) : () -> ()
        %mul3A_68 = arith.constant 7813 : i32
        %mul3A_69 = arith.muli %select_n3A, %mul3A_68 : i32
        %mul3A_70 = arith.constant 8 : i32
        %mul3A_71 = arith.muli %mul3A_70, %select_n3A_48 : i32
        %add3A_72 = arith.addi %mul3A_69, %mul3A_71 : i32
        %add3A_73 = arith.constant 0 : i32
        %add3A_74 = arith.addi %add3A_72, %add3A_73 : i32
        %dma_start3A = arith.constant 0 : i32
        %dma_start3A_75 = arith.constant 0 : i32
        %dma_start3A_76 = tpu.memref_slice %arg8[%dma_start3A, %dma_start3A_75] : memref<8x1024xf32, #tpu.memory_space<vmem>> -> memref<8x128xf32, #tpu.memory_space<vmem>>
        %dma_start3A_77 = arith.constant 0 : i32
        %dma_start3A_78 = arith.constant 0 : i32
        %dma_start3A_79 = tpu.memref_slice %arg7[%add3A_74, %dma_start3A_77, %dma_start3A_78] : memref<15626x8x128xf32, #tpu.memory_space<hbm>> -> memref<1x8x128xf32, #tpu.memory_space<hbm>>
        %dma_start3A_80 = tpu.memref_squeeze %dma_start3A_79 : memref<1x8x128xf32, #tpu.memory_space<hbm>> -> memref<8x128xf32, #tpu.memory_space<hbm>>
        %dma_start3A_81 = arith.constant 0 : i32
        %dma_start3A_82 = arith.constant 0 : i32
        %dma_start3A_83 = tpu.memref_slice %arg7[%add3A_74, %dma_start3A_81, %dma_start3A_82] : memref<15626x8x128xf32, #tpu.memory_space<hbm>> -> memref<1x8x128xf32, #tpu.memory_space<hbm>>
        %dma_start3A_84 = tpu.memref_squeeze %dma_start3A_83 : memref<1x8x128xf32, #tpu.memory_space<hbm>> -> memref<8x128xf32, #tpu.memory_space<hbm>>
        %dma_start3A_85 = arith.constant 0 : i32
        %dma_start3A_86 = arith.constant 0 : i32
        %dma_start3A_87 = tpu.memref_slice %arg8[%dma_start3A_85, %dma_start3A_86] : memref<8x1024xf32, #tpu.memory_space<vmem>> -> memref<8x128xf32, #tpu.memory_space<vmem>>
        tpu.enqueue_dma source(%dma_start3A_87 : memref<8x128xf32, #tpu.memory_space<vmem>>) target(%dma_start3A_84 : memref<8x128xf32, #tpu.memory_space<hbm>>) target_semaphore(%arg11 : memref<!tpu.dma_semaphore, #tpu.memory_space<semaphore_mem>>)
        %mul3A_88 = arith.constant 7813 : i32
        %mul3A_89 = arith.muli %select_n3A, %mul3A_88 : i32
        %mul3A_90 = arith.constant 8 : i32
        %mul3A_91 = arith.muli %mul3A_90, %select_n3A_48 : i32
        %add3A_92 = arith.addi %mul3A_89, %mul3A_91 : i32
        %add3A_93 = arith.constant 1 : i32
        %add3A_94 = arith.addi %add3A_92, %add3A_93 : i32
        %dma_start3A_95 = arith.constant 0 : i32
        %dma_start3A_96 = arith.constant 128 : i32
        %dma_start3A_97 = tpu.memref_slice %arg8[%dma_start3A_95, %dma_start3A_96] : memref<8x1024xf32, #tpu.memory_space<vmem>> -> memref<8x128xf32, #tpu.memory_space<vmem>>
        %dma_start3A_98 = arith.constant 0 : i32
        %dma_start3A_99 = arith.constant 0 : i32
        %dma_start3A_100 = tpu.memref_slice %arg7[%add3A_94, %dma_start3A_98, %dma_start3A_99] : memref<15626x8x128xf32, #tpu.memory_space<hbm>> -> memref<1x8x128xf32, #tpu.memory_space<hbm>>
        %dma_start3A_101 = tpu.memref_squeeze %dma_start3A_100 : memref<1x8x128xf32, #tpu.memory_space<hbm>> -> memref<8x128xf32, #tpu.memory_space<hbm>>
        %dma_start3A_102 = arith.constant 0 : i32
        %dma_start3A_103 = arith.constant 0 : i32
        %dma_start3A_104 = tpu.memref_slice %arg7[%add3A_94, %dma_start3A_102, %dma_start3A_103] : memref<15626x8x128xf32, #tpu.memory_space<hbm>> -> memref<1x8x128xf32, #tpu.memory_space<hbm>>
        %dma_start3A_105 = tpu.memref_squeeze %dma_start3A_104 : memref<1x8x128xf32, #tpu.memory_space<hbm>> -> memref<8x128xf32, #tpu.memory_space<hbm>>
        %dma_start3A_106 = arith.constant 0 : i32
        %dma_start3A_107 = arith.constant 128 : i32
        %dma_start3A_108 = tpu.memref_slice %arg8[%dma_start3A_106, %dma_start3A_107] : memref<8x1024xf32, #tpu.memory_space<vmem>> -> memref<8x128xf32, #tpu.memory_space<vmem>>
        tpu.enqueue_dma source(%dma_start3A_108 : memref<8x128xf32, #tpu.memory_space<vmem>>) target(%dma_start3A_105 : memref<8x128xf32, #tpu.memory_space<hbm>>) target_semaphore(%arg11 : memref<!tpu.dma_semaphore, #tpu.memory_space<semaphore_mem>>)
        %mul3A_109 = arith.constant 7813 : i32
        %mul3A_110 = arith.muli %select_n3A, %mul3A_109 : i32
        %mul3A_111 = arith.constant 8 : i32
        %mul3A_112 = arith.muli %mul3A_111, %select_n3A_48 : i32
        %add3A_113 = arith.addi %mul3A_110, %mul3A_112 : i32
        %add3A_114 = arith.constant 2 : i32
        %add3A_115 = arith.addi %add3A_113, %add3A_114 : i32
        %dma_start3A_116 = arith.constant 0 : i32
        %dma_start3A_117 = arith.constant 256 : i32
        %dma_start3A_118 = tpu.memref_slice %arg8[%dma_start3A_116, %dma_start3A_117] : memref<8x1024xf32, #tpu.memory_space<vmem>> -> memref<8x128xf32, #tpu.memory_space<vmem>>
        %dma_start3A_119 = arith.constant 0 : i32
        %dma_start3A_120 = arith.constant 0 : i32
        %dma_start3A_121 = tpu.memref_slice %arg7[%add3A_115, %dma_start3A_119, %dma_start3A_120] : memref<15626x8x128xf32, #tpu.memory_space<hbm>> -> memref<1x8x128xf32, #tpu.memory_space<hbm>>
        %dma_start3A_122 = tpu.memref_squeeze %dma_start3A_121 : memref<1x8x128xf32, #tpu.memory_space<hbm>> -> memref<8x128xf32, #tpu.memory_space<hbm>>
        %dma_start3A_123 = arith.constant 0 : i32
        %dma_start3A_124 = arith.constant 0 : i32
        %dma_start3A_125 = tpu.memref_slice %arg7[%add3A_115, %dma_start3A_123, %dma_start3A_124] : memref<15626x8x128xf32, #tpu.memory_space<hbm>> -> memref<1x8x128xf32, #tpu.memory_space<hbm>>
        %dma_start3A_126 = tpu.memref_squeeze %dma_start3A_125 : memref<1x8x128xf32, #tpu.memory_space<hbm>> -> memref<8x128xf32, #tpu.memory_space<hbm>>
        %dma_start3A_127 = arith.constant 0 : i32
        %dma_start3A_128 = arith.constant 256 : i32
        %dma_start3A_129 = tpu.memref_slice %arg8[%dma_start3A_127, %dma_start3A_128] : memref<8x1024xf32, #tpu.memory_space<vmem>> -> memref<8x128xf32, #tpu.memory_space<vmem>>
        tpu.enqueue_dma source(%dma_start3A_129 : memref<8x128xf32, #tpu.memory_space<vmem>>) target(%dma_start3A_126 : memref<8x128xf32, #tpu.memory_space<hbm>>) target_semaphore(%arg11 : memref<!tpu.dma_semaphore, #tpu.memory_space<semaphore_mem>>)
        %mul3A_130 = arith.constant 7813 : i32
        %mul3A_131 = arith.muli %select_n3A, %mul3A_130 : i32
        %mul3A_132 = arith.constant 8 : i32
        %mul3A_133 = arith.muli %mul3A_132, %select_n3A_48 : i32
        %add3A_134 = arith.addi %mul3A_131, %mul3A_133 : i32
        %add3A_135 = arith.constant 3 : i32
        %add3A_136 = arith.addi %add3A_134, %add3A_135 : i32
        %dma_start3A_137 = arith.constant 0 : i32
        %dma_start3A_138 = arith.constant 384 : i32
        %dma_start3A_139 = tpu.memref_slice %arg8[%dma_start3A_137, %dma_start3A_138] : memref<8x1024xf32, #tpu.memory_space<vmem>> -> memref<8x128xf32, #tpu.memory_space<vmem>>
        %dma_start3A_140 = arith.constant 0 : i32
        %dma_start3A_141 = arith.constant 0 : i32
        %dma_start3A_142 = tpu.memref_slice %arg7[%add3A_136, %dma_start3A_140, %dma_start3A_141] : memref<15626x8x128xf32, #tpu.memory_space<hbm>> -> memref<1x8x128xf32, #tpu.memory_space<hbm>>
        %dma_start3A_143 = tpu.memref_squeeze %dma_start3A_142 : memref<1x8x128xf32, #tpu.memory_space<hbm>> -> memref<8x128xf32, #tpu.memory_space<hbm>>
        %dma_start3A_144 = arith.constant 0 : i32
        %dma_start3A_145 = arith.constant 0 : i32
        %dma_start3A_146 = tpu.memref_slice %arg7[%add3A_136, %dma_start3A_144, %dma_start3A_145] : memref<15626x8x128xf32, #tpu.memory_space<hbm>> -> memref<1x8x128xf32, #tpu.memory_space<hbm>>
        %dma_start3A_147 = tpu.memref_squeeze %dma_start3A_146 : memref<1x8x128xf32, #tpu.memory_space<hbm>> -> memref<8x128xf32, #tpu.memory_space<hbm>>
        %dma_start3A_148 = arith.constant 0 : i32
        %dma_start3A_149 = arith.constant 384 : i32
        %dma_start3A_150 = tpu.memref_slice %arg8[%dma_start3A_148, %dma_start3A_149] : memref<8x1024xf32, #tpu.memory_space<vmem>> -> memref<8x128xf32, #tpu.memory_space<vmem>>
        tpu.enqueue_dma source(%dma_start3A_150 : memref<8x128xf32, #tpu.memory_space<vmem>>) target(%dma_start3A_147 : memref<8x128xf32, #tpu.memory_space<hbm>>) target_semaphore(%arg11 : memref<!tpu.dma_semaphore, #tpu.memory_space<semaphore_mem>>)
        %mul3A_151 = arith.constant 7813 : i32
        %mul3A_152 = arith.muli %select_n3A, %mul3A_151 : i32
        %mul3A_153 = arith.constant 8 : i32
        %mul3A_154 = arith.muli %mul3A_153, %select_n3A_48 : i32
        %add3A_155 = arith.addi %mul3A_152, %mul3A_154 : i32
        %add3A_156 = arith.constant 4 : i32
        %add3A_157 = arith.addi %add3A_155, %add3A_156 : i32
        %dma_start3A_158 = arith.constant 0 : i32
        %dma_start3A_159 = arith.constant 512 : i32
        %dma_start3A_160 = tpu.memref_slice %arg8[%dma_start3A_158, %dma_start3A_159] : memref<8x1024xf32, #tpu.memory_space<vmem>> -> memref<8x128xf32, #tpu.memory_space<vmem>>
        %dma_start3A_161 = arith.constant 0 : i32
        %dma_start3A_162 = arith.constant 0 : i32
        %dma_start3A_163 = tpu.memref_slice %arg7[%add3A_157, %dma_start3A_161, %dma_start3A_162] : memref<15626x8x128xf32, #tpu.memory_space<hbm>> -> memref<1x8x128xf32, #tpu.memory_space<hbm>>
        %dma_start3A_164 = tpu.memref_squeeze %dma_start3A_163 : memref<1x8x128xf32, #tpu.memory_space<hbm>> -> memref<8x128xf32, #tpu.memory_space<hbm>>
        %dma_start3A_165 = arith.constant 0 : i32
        %dma_start3A_166 = arith.constant 0 : i32
        %dma_start3A_167 = tpu.memref_slice %arg7[%add3A_157, %dma_start3A_165, %dma_start3A_166] : memref<15626x8x128xf32, #tpu.memory_space<hbm>> -> memref<1x8x128xf32, #tpu.memory_space<hbm>>
        %dma_start3A_168 = tpu.memref_squeeze %dma_start3A_167 : memref<1x8x128xf32, #tpu.memory_space<hbm>> -> memref<8x128xf32, #tpu.memory_space<hbm>>
        %dma_start3A_169 = arith.constant 0 : i32
        %dma_start3A_170 = arith.constant 512 : i32
        %dma_start3A_171 = tpu.memref_slice %arg8[%dma_start3A_169, %dma_start3A_170] : memref<8x1024xf32, #tpu.memory_space<vmem>> -> memref<8x128xf32, #tpu.memory_space<vmem>>
        tpu.enqueue_dma source(%dma_start3A_171 : memref<8x128xf32, #tpu.memory_space<vmem>>) target(%dma_start3A_168 : memref<8x128xf32, #tpu.memory_space<hbm>>) target_semaphore(%arg11 : memref<!tpu.dma_semaphore, #tpu.memory_space<semaphore_mem>>)
        %mul3A_172 = arith.constant 7813 : i32
        %mul3A_173 = arith.muli %select_n3A, %mul3A_172 : i32
        %mul3A_174 = arith.constant 8 : i32
        %mul3A_175 = arith.muli %mul3A_174, %select_n3A_48 : i32
        %add3A_176 = arith.addi %mul3A_173, %mul3A_175 : i32
        %add3A_177 = arith.constant 5 : i32
        %add3A_178 = arith.addi %add3A_176, %add3A_177 : i32
        %dma_start3A_179 = arith.constant 0 : i32
        %dma_start3A_180 = arith.constant 640 : i32
        %dma_start3A_181 = tpu.memref_slice %arg8[%dma_start3A_179, %dma_start3A_180] : memref<8x1024xf32, #tpu.memory_space<vmem>> -> memref<8x128xf32, #tpu.memory_space<vmem>>
        %dma_start3A_182 = arith.constant 0 : i32
        %dma_start3A_183 = arith.constant 0 : i32
        %dma_start3A_184 = tpu.memref_slice %arg7[%add3A_178, %dma_start3A_182, %dma_start3A_183] : memref<15626x8x128xf32, #tpu.memory_space<hbm>> -> memref<1x8x128xf32, #tpu.memory_space<hbm>>
        %dma_start3A_185 = tpu.memref_squeeze %dma_start3A_184 : memref<1x8x128xf32, #tpu.memory_space<hbm>> -> memref<8x128xf32, #tpu.memory_space<hbm>>
        %dma_start3A_186 = arith.constant 0 : i32
        %dma_start3A_187 = arith.constant 0 : i32
        %dma_start3A_188 = tpu.memref_slice %arg7[%add3A_178, %dma_start3A_186, %dma_start3A_187] : memref<15626x8x128xf32, #tpu.memory_space<hbm>> -> memref<1x8x128xf32, #tpu.memory_space<hbm>>
        %dma_start3A_189 = tpu.memref_squeeze %dma_start3A_188 : memref<1x8x128xf32, #tpu.memory_space<hbm>> -> memref<8x128xf32, #tpu.memory_space<hbm>>
        %dma_start3A_190 = arith.constant 0 : i32
        %dma_start3A_191 = arith.constant 640 : i32
        %dma_start3A_192 = tpu.memref_slice %arg8[%dma_start3A_190, %dma_start3A_191] : memref<8x1024xf32, #tpu.memory_space<vmem>> -> memref<8x128xf32, #tpu.memory_space<vmem>>
        tpu.enqueue_dma source(%dma_start3A_192 : memref<8x128xf32, #tpu.memory_space<vmem>>) target(%dma_start3A_189 : memref<8x128xf32, #tpu.memory_space<hbm>>) target_semaphore(%arg11 : memref<!tpu.dma_semaphore, #tpu.memory_space<semaphore_mem>>)
        %mul3A_193 = arith.constant 7813 : i32
        %mul3A_194 = arith.muli %select_n3A, %mul3A_193 : i32
        %mul3A_195 = arith.constant 8 : i32
        %mul3A_196 = arith.muli %mul3A_195, %select_n3A_48 : i32
        %add3A_197 = arith.addi %mul3A_194, %mul3A_196 : i32
        %add3A_198 = arith.constant 6 : i32
        %add3A_199 = arith.addi %add3A_197, %add3A_198 : i32
        %dma_start3A_200 = arith.constant 0 : i32
        %dma_start3A_201 = arith.constant 768 : i32
        %dma_start3A_202 = tpu.memref_slice %arg8[%dma_start3A_200, %dma_start3A_201] : memref<8x1024xf32, #tpu.memory_space<vmem>> -> memref<8x128xf32, #tpu.memory_space<vmem>>
        %dma_start3A_203 = arith.constant 0 : i32
        %dma_start3A_204 = arith.constant 0 : i32
        %dma_start3A_205 = tpu.memref_slice %arg7[%add3A_199, %dma_start3A_203, %dma_start3A_204] : memref<15626x8x128xf32, #tpu.memory_space<hbm>> -> memref<1x8x128xf32, #tpu.memory_space<hbm>>
        %dma_start3A_206 = tpu.memref_squeeze %dma_start3A_205 : memref<1x8x128xf32, #tpu.memory_space<hbm>> -> memref<8x128xf32, #tpu.memory_space<hbm>>
        %dma_start3A_207 = arith.constant 0 : i32
        %dma_start3A_208 = arith.constant 0 : i32
        %dma_start3A_209 = tpu.memref_slice %arg7[%add3A_199, %dma_start3A_207, %dma_start3A_208] : memref<15626x8x128xf32, #tpu.memory_space<hbm>> -> memref<1x8x128xf32, #tpu.memory_space<hbm>>
        %dma_start3A_210 = tpu.memref_squeeze %dma_start3A_209 : memref<1x8x128xf32, #tpu.memory_space<hbm>> -> memref<8x128xf32, #tpu.memory_space<hbm>>
        %dma_start3A_211 = arith.constant 0 : i32
        %dma_start3A_212 = arith.constant 768 : i32
        %dma_start3A_213 = tpu.memref_slice %arg8[%dma_start3A_211, %dma_start3A_212] : memref<8x1024xf32, #tpu.memory_space<vmem>> -> memref<8x128xf32, #tpu.memory_space<vmem>>
        tpu.enqueue_dma source(%dma_start3A_213 : memref<8x128xf32, #tpu.memory_space<vmem>>) target(%dma_start3A_210 : memref<8x128xf32, #tpu.memory_space<hbm>>) target_semaphore(%arg11 : memref<!tpu.dma_semaphore, #tpu.memory_space<semaphore_mem>>)
        %mul3A_214 = arith.constant 7813 : i32
        %mul3A_215 = arith.muli %select_n3A, %mul3A_214 : i32
        %mul3A_216 = arith.constant 8 : i32
        %mul3A_217 = arith.muli %mul3A_216, %select_n3A_48 : i32
        %add3A_218 = arith.addi %mul3A_215, %mul3A_217 : i32
        %add3A_219 = arith.constant 7 : i32
        %add3A_220 = arith.addi %add3A_218, %add3A_219 : i32
        %dma_start3A_221 = arith.constant 0 : i32
        %dma_start3A_222 = arith.constant 896 : i32
        %dma_start3A_223 = tpu.memref_slice %arg8[%dma_start3A_221, %dma_start3A_222] : memref<8x1024xf32, #tpu.memory_space<vmem>> -> memref<8x128xf32, #tpu.memory_space<vmem>>
        %dma_start3A_224 = arith.constant 0 : i32
        %dma_start3A_225 = arith.constant 0 : i32
        %dma_start3A_226 = tpu.memref_slice %arg7[%add3A_220, %dma_start3A_224, %dma_start3A_225] : memref<15626x8x128xf32, #tpu.memory_space<hbm>> -> memref<1x8x128xf32, #tpu.memory_space<hbm>>
        %dma_start3A_227 = tpu.memref_squeeze %dma_start3A_226 : memref<1x8x128xf32, #tpu.memory_space<hbm>> -> memref<8x128xf32, #tpu.memory_space<hbm>>
        %dma_start3A_228 = arith.constant 0 : i32
        %dma_start3A_229 = arith.constant 0 : i32
        %dma_start3A_230 = tpu.memref_slice %arg7[%add3A_220, %dma_start3A_228, %dma_start3A_229] : memref<15626x8x128xf32, #tpu.memory_space<hbm>> -> memref<1x8x128xf32, #tpu.memory_space<hbm>>
        %dma_start3A_231 = tpu.memref_squeeze %dma_start3A_230 : memref<1x8x128xf32, #tpu.memory_space<hbm>> -> memref<8x128xf32, #tpu.memory_space<hbm>>
        %dma_start3A_232 = arith.constant 0 : i32
        %dma_start3A_233 = arith.constant 896 : i32
        %dma_start3A_234 = tpu.memref_slice %arg8[%dma_start3A_232, %dma_start3A_233] : memref<8x1024xf32, #tpu.memory_space<vmem>> -> memref<8x128xf32, #tpu.memory_space<vmem>>
        tpu.enqueue_dma source(%dma_start3A_234 : memref<8x128xf32, #tpu.memory_space<vmem>>) target(%dma_start3A_231 : memref<8x128xf32, #tpu.memory_space<hbm>>) target_semaphore(%arg11 : memref<!tpu.dma_semaphore, #tpu.memory_space<semaphore_mem>>)
        %dma_wait3A = arith.constant 0 : i32
        %dma_wait3A_235 = arith.constant 0 : i32
        %dma_wait3A_236 = tpu.memref_slice %arg3[%dma_wait3A, %dma_wait3A_235] : memref<16x1000000xf32, #tpu.memory_space<hbm>> -> memref<8x1024xf32, #tpu.memory_space<hbm>>
        %dma_wait3A_237 = arith.constant 0 : i32
        %dma_wait3A_238 = arith.constant 0 : i32
        %dma_wait3A_239 = tpu.memref_slice %arg3[%dma_wait3A_237, %dma_wait3A_238] : memref<16x1000000xf32, #tpu.memory_space<hbm>> -> memref<8x1024xf32, #tpu.memory_space<hbm>>
        tpu.wait_dma2 semaphore(%arg11 : memref<!tpu.dma_semaphore, #tpu.memory_space<semaphore_mem>>) src(%dma_wait3A_239 : memref<8x1024xf32, #tpu.memory_space<hbm>>) dst(%arg8 : memref<8x1024xf32, #tpu.memory_space<vmem>>)
      } else {
      }
      %lt3A_55 = arith.constant 1954 : i32
      %lt3A_56 = arith.cmpi slt, %add3A_18, %lt3A_55 : i32
      %eq3A_57 = arith.constant 976 : i32
      %eq3A_58 = arith.cmpi eq, %select_n3A_48, %eq3A_57 : i32
      %and3A_59 = arith.andi %lt3A_56, %eq3A_58 : i1
      %convert_element_type3A_60 = arith.extui %and3A_59 : i1 to i32
      %cond3A_61 = arith.constant 0 : i32
      %cond3A_62 = arith.cmpi ne, %convert_element_type3A_60, %cond3A_61 : i32
      scf.if %cond3A_62 {
        %mul3A_64 = arith.constant 8 : i32
        %mul3A_65 = arith.muli %mul3A_64, %select_n3A : i32
        "tpu.region"() ({
          %run_scoped3A = tpu.sem_alloc : memref<!tpu.dma_semaphore, #tpu.memory_space<semaphore_mem>>
          %dma_start3A_466 = arith.constant 0 : i32
          %dma_start3A_467 = arith.constant 0 : i32
          %dma_start3A_468 = tpu.memref_slice %arg8[%dma_start3A_466, %dma_start3A_467] : memref<8x1024xf32, #tpu.memory_space<vmem>> -> memref<8x512xf32, #tpu.memory_space<vmem>>
          %dma_start3A_469 = arith.constant 999424 : i32
          %dma_start3A_470 = tpu.memref_slice %arg3[%mul3A_65, %dma_start3A_469] : memref<16x1000000xf32, #tpu.memory_space<hbm>> -> memref<8x512xf32, #tpu.memory_space<hbm>>
          %dma_start3A_471 = arith.constant 0 : i32
          %dma_start3A_472 = arith.constant 0 : i32
          %dma_start3A_473 = tpu.memref_slice %arg8[%dma_start3A_471, %dma_start3A_472] : memref<8x1024xf32, #tpu.memory_space<vmem>> -> memref<8x512xf32, #tpu.memory_space<vmem>>
          %dma_start3A_474 = arith.constant 999424 : i32
          %dma_start3A_475 = tpu.memref_slice %arg3[%mul3A_65, %dma_start3A_474] : memref<16x1000000xf32, #tpu.memory_space<hbm>> -> memref<8x512xf32, #tpu.memory_space<hbm>>
          tpu.enqueue_dma source(%dma_start3A_475 : memref<8x512xf32, #tpu.memory_space<hbm>>) target(%dma_start3A_473 : memref<8x512xf32, #tpu.memory_space<vmem>>) target_semaphore(%run_scoped3A : memref<!tpu.dma_semaphore, #tpu.memory_space<semaphore_mem>>)
          %dma_wait3A_476 = arith.constant 0 : i32
          %dma_wait3A_477 = arith.constant 0 : i32
          %dma_wait3A_478 = tpu.memref_slice %arg8[%dma_wait3A_476, %dma_wait3A_477] : memref<8x1024xf32, #tpu.memory_space<vmem>> -> memref<8x512xf32, #tpu.memory_space<vmem>>
          %dma_wait3A_479 = arith.constant 999424 : i32
          %dma_wait3A_480 = tpu.memref_slice %arg3[%mul3A_65, %dma_wait3A_479] : memref<16x1000000xf32, #tpu.memory_space<hbm>> -> memref<8x512xf32, #tpu.memory_space<hbm>>
          %dma_wait3A_481 = arith.constant 0 : i32
          %dma_wait3A_482 = arith.constant 0 : i32
          %dma_wait3A_483 = tpu.memref_slice %arg8[%dma_wait3A_481, %dma_wait3A_482] : memref<8x1024xf32, #tpu.memory_space<vmem>> -> memref<8x512xf32, #tpu.memory_space<vmem>>
          %dma_wait3A_484 = arith.constant 999424 : i32
          %dma_wait3A_485 = tpu.memref_slice %arg3[%mul3A_65, %dma_wait3A_484] : memref<16x1000000xf32, #tpu.memory_space<hbm>> -> memref<8x512xf32, #tpu.memory_space<hbm>>
          tpu.wait_dma2 semaphore(%run_scoped3A : memref<!tpu.dma_semaphore, #tpu.memory_space<semaphore_mem>>) src(%dma_wait3A_485 : memref<8x512xf32, #tpu.memory_space<hbm>>) dst(%dma_wait3A_483 : memref<8x512xf32, #tpu.memory_space<vmem>>)
          tpu.yield
        }) : () -> ()
        %mul3A_66 = arith.constant 7813 : i32
        %mul3A_67 = arith.muli %select_n3A, %mul3A_66 : i32
        %add3A_68 = arith.constant 7808 : i32
        %add3A_69 = arith.addi %mul3A_67, %add3A_68 : i32
        %add3A_70 = arith.constant 0 : i32
        %add3A_71 = arith.addi %add3A_69, %add3A_70 : i32
        %dma_start3A = arith.constant 0 : i32
        %dma_start3A_72 = arith.constant 0 : i32
        %dma_start3A_73 = tpu.memref_slice %arg8[%dma_start3A, %dma_start3A_72] : memref<8x1024xf32, #tpu.memory_space<vmem>> -> memref<8x128xf32, #tpu.memory_space<vmem>>
        %dma_start3A_74 = arith.constant 0 : i32
        %dma_start3A_75 = arith.constant 0 : i32
        %dma_start3A_76 = tpu.memref_slice %arg7[%add3A_71, %dma_start3A_74, %dma_start3A_75] : memref<15626x8x128xf32, #tpu.memory_space<hbm>> -> memref<1x8x128xf32, #tpu.memory_space<hbm>>
        %dma_start3A_77 = tpu.memref_squeeze %dma_start3A_76 : memref<1x8x128xf32, #tpu.memory_space<hbm>> -> memref<8x128xf32, #tpu.memory_space<hbm>>
        %dma_start3A_78 = arith.constant 0 : i32
        %dma_start3A_79 = arith.constant 0 : i32
        %dma_start3A_80 = tpu.memref_slice %arg7[%add3A_71, %dma_start3A_78, %dma_start3A_79] : memref<15626x8x128xf32, #tpu.memory_space<hbm>> -> memref<1x8x128xf32, #tpu.memory_space<hbm>>
        %dma_start3A_81 = tpu.memref_squeeze %dma_start3A_80 : memref<1x8x128xf32, #tpu.memory_space<hbm>> -> memref<8x128xf32, #tpu.memory_space<hbm>>
        %dma_start3A_82 = arith.constant 0 : i32
        %dma_start3A_83 = arith.constant 0 : i32
        %dma_start3A_84 = tpu.memref_slice %arg8[%dma_start3A_82, %dma_start3A_83] : memref<8x1024xf32, #tpu.memory_space<vmem>> -> memref<8x128xf32, #tpu.memory_space<vmem>>
        tpu.enqueue_dma source(%dma_start3A_84 : memref<8x128xf32, #tpu.memory_space<vmem>>) target(%dma_start3A_81 : memref<8x128xf32, #tpu.memory_space<hbm>>) target_semaphore(%arg12 : memref<!tpu.dma_semaphore, #tpu.memory_space<semaphore_mem>>)
        %mul3A_85 = arith.constant 7813 : i32
        %mul3A_86 = arith.muli %select_n3A, %mul3A_85 : i32
        %add3A_87 = arith.constant 7808 : i32
        %add3A_88 = arith.addi %mul3A_86, %add3A_87 : i32
        %add3A_89 = arith.constant 1 : i32
        %add3A_90 = arith.addi %add3A_88, %add3A_89 : i32
        %dma_start3A_91 = arith.constant 0 : i32
        %dma_start3A_92 = arith.constant 128 : i32
        %dma_start3A_93 = tpu.memref_slice %arg8[%dma_start3A_91, %dma_start3A_92] : memref<8x1024xf32, #tpu.memory_space<vmem>> -> memref<8x128xf32, #tpu.memory_space<vmem>>
        %dma_start3A_94 = arith.constant 0 : i32
        %dma_start3A_95 = arith.constant 0 : i32
        %dma_start3A_96 = tpu.memref_slice %arg7[%add3A_90, %dma_start3A_94, %dma_start3A_95] : memref<15626x8x128xf32, #tpu.memory_space<hbm>> -> memref<1x8x128xf32, #tpu.memory_space<hbm>>
        %dma_start3A_97 = tpu.memref_squeeze %dma_start3A_96 : memref<1x8x128xf32, #tpu.memory_space<hbm>> -> memref<8x128xf32, #tpu.memory_space<hbm>>
        %dma_start3A_98 = arith.constant 0 : i32
        %dma_start3A_99 = arith.constant 0 : i32
        %dma_start3A_100 = tpu.memref_slice %arg7[%add3A_90, %dma_start3A_98, %dma_start3A_99] : memref<15626x8x128xf32, #tpu.memory_space<hbm>> -> memref<1x8x128xf32, #tpu.memory_space<hbm>>
        %dma_start3A_101 = tpu.memref_squeeze %dma_start3A_100 : memref<1x8x128xf32, #tpu.memory_space<hbm>> -> memref<8x128xf32, #tpu.memory_space<hbm>>
        %dma_start3A_102 = arith.constant 0 : i32
        %dma_start3A_103 = arith.constant 128 : i32
        %dma_start3A_104 = tpu.memref_slice %arg8[%dma_start3A_102, %dma_start3A_103] : memref<8x1024xf32, #tpu.memory_space<vmem>> -> memref<8x128xf32, #tpu.memory_space<vmem>>
        tpu.enqueue_dma source(%dma_start3A_104 : memref<8x128xf32, #tpu.memory_space<vmem>>) target(%dma_start3A_101 : memref<8x128xf32, #tpu.memory_space<hbm>>) target_semaphore(%arg12 : memref<!tpu.dma_semaphore, #tpu.memory_space<semaphore_mem>>)
        %mul3A_105 = arith.constant 7813 : i32
        %mul3A_106 = arith.muli %select_n3A, %mul3A_105 : i32
        %add3A_107 = arith.constant 7808 : i32
        %add3A_108 = arith.addi %mul3A_106, %add3A_107 : i32
        %add3A_109 = arith.constant 2 : i32
        %add3A_110 = arith.addi %add3A_108, %add3A_109 : i32
        %dma_start3A_111 = arith.constant 0 : i32
        %dma_start3A_112 = arith.constant 256 : i32
        %dma_start3A_113 = tpu.memref_slice %arg8[%dma_start3A_111, %dma_start3A_112] : memref<8x1024xf32, #tpu.memory_space<vmem>> -> memref<8x128xf32, #tpu.memory_space<vmem>>
        %dma_start3A_114 = arith.constant 0 : i32
        %dma_start3A_115 = arith.constant 0 : i32
        %dma_start3A_116 = tpu.memref_slice %arg7[%add3A_110, %dma_start3A_114, %dma_start3A_115] : memref<15626x8x128xf32, #tpu.memory_space<hbm>> -> memref<1x8x128xf32, #tpu.memory_space<hbm>>
        %dma_start3A_117 = tpu.memref_squeeze %dma_start3A_116 : memref<1x8x128xf32, #tpu.memory_space<hbm>> -> memref<8x128xf32, #tpu.memory_space<hbm>>
        %dma_start3A_118 = arith.constant 0 : i32
        %dma_start3A_119 = arith.constant 0 : i32
        %dma_start3A_120 = tpu.memref_slice %arg7[%add3A_110, %dma_start3A_118, %dma_start3A_119] : memref<15626x8x128xf32, #tpu.memory_space<hbm>> -> memref<1x8x128xf32, #tpu.memory_space<hbm>>
        %dma_start3A_121 = tpu.memref_squeeze %dma_start3A_120 : memref<1x8x128xf32, #tpu.memory_space<hbm>> -> memref<8x128xf32, #tpu.memory_space<hbm>>
        %dma_start3A_122 = arith.constant 0 : i32
        %dma_start3A_123 = arith.constant 256 : i32
        %dma_start3A_124 = tpu.memref_slice %arg8[%dma_start3A_122, %dma_start3A_123] : memref<8x1024xf32, #tpu.memory_space<vmem>> -> memref<8x128xf32, #tpu.memory_space<vmem>>
        tpu.enqueue_dma source(%dma_start3A_124 : memref<8x128xf32, #tpu.memory_space<vmem>>) target(%dma_start3A_121 : memref<8x128xf32, #tpu.memory_space<hbm>>) target_semaphore(%arg12 : memref<!tpu.dma_semaphore, #tpu.memory_space<semaphore_mem>>)
        %mul3A_125 = arith.constant 7813 : i32
        %mul3A_126 = arith.muli %select_n3A, %mul3A_125 : i32
        %add3A_127 = arith.constant 7808 : i32
        %add3A_128 = arith.addi %mul3A_126, %add3A_127 : i32
        %add3A_129 = arith.constant 3 : i32
        %add3A_130 = arith.addi %add3A_128, %add3A_129 : i32
        %dma_start3A_131 = arith.constant 0 : i32
        %dma_start3A_132 = arith.constant 384 : i32
        %dma_start3A_133 = tpu.memref_slice %arg8[%dma_start3A_131, %dma_start3A_132] : memref<8x1024xf32, #tpu.memory_space<vmem>> -> memref<8x128xf32, #tpu.memory_space<vmem>>
        %dma_start3A_134 = arith.constant 0 : i32
        %dma_start3A_135 = arith.constant 0 : i32
        %dma_start3A_136 = tpu.memref_slice %arg7[%add3A_130, %dma_start3A_134, %dma_start3A_135] : memref<15626x8x128xf32, #tpu.memory_space<hbm>> -> memref<1x8x128xf32, #tpu.memory_space<hbm>>
        %dma_start3A_137 = tpu.memref_squeeze %dma_start3A_136 : memref<1x8x128xf32, #tpu.memory_space<hbm>> -> memref<8x128xf32, #tpu.memory_space<hbm>>
        %dma_start3A_138 = arith.constant 0 : i32
        %dma_start3A_139 = arith.constant 0 : i32
        %dma_start3A_140 = tpu.memref_slice %arg7[%add3A_130, %dma_start3A_138, %dma_start3A_139] : memref<15626x8x128xf32, #tpu.memory_space<hbm>> -> memref<1x8x128xf32, #tpu.memory_space<hbm>>
        %dma_start3A_141 = tpu.memref_squeeze %dma_start3A_140 : memref<1x8x128xf32, #tpu.memory_space<hbm>> -> memref<8x128xf32, #tpu.memory_space<hbm>>
        %dma_start3A_142 = arith.constant 0 : i32
        %dma_start3A_143 = arith.constant 384 : i32
        %dma_start3A_144 = tpu.memref_slice %arg8[%dma_start3A_142, %dma_start3A_143] : memref<8x1024xf32, #tpu.memory_space<vmem>> -> memref<8x128xf32, #tpu.memory_space<vmem>>
        tpu.enqueue_dma source(%dma_start3A_144 : memref<8x128xf32, #tpu.memory_space<vmem>>) target(%dma_start3A_141 : memref<8x128xf32, #tpu.memory_space<hbm>>) target_semaphore(%arg12 : memref<!tpu.dma_semaphore, #tpu.memory_space<semaphore_mem>>)
        %mul3A_145 = arith.constant 8 : i32
        %mul3A_146 = arith.muli %select_n3A, %mul3A_145 : i32
        %mul3A_147 = arith.constant 64 : i32
        %mul3A_148 = arith.muli %mul3A_146, %mul3A_147 : i32
        "tpu.region"() ({
          %run_scoped3A = tpu.sem_alloc : memref<!tpu.dma_semaphore, #tpu.memory_space<semaphore_mem>>
          %dma_start3A_466 = tpu.memref_slice %arg5[%mul3A_148] : memref<1024xf32, #tpu.memory_space<hbm>> -> memref<512xf32, #tpu.memory_space<hbm>>
          %dma_start3A_467 = tpu.memref_slice %arg5[%mul3A_148] : memref<1024xf32, #tpu.memory_space<hbm>> -> memref<512xf32, #tpu.memory_space<hbm>>
          tpu.enqueue_dma source(%dma_start3A_467 : memref<512xf32, #tpu.memory_space<hbm>>) target(%arg9 : memref<512xf32, #tpu.memory_space<vmem>>) target_semaphore(%run_scoped3A : memref<!tpu.dma_semaphore, #tpu.memory_space<semaphore_mem>>)
          %dma_wait3A_468 = tpu.memref_slice %arg5[%mul3A_148] : memref<1024xf32, #tpu.memory_space<hbm>> -> memref<512xf32, #tpu.memory_space<hbm>>
          %dma_wait3A_469 = tpu.memref_slice %arg5[%mul3A_148] : memref<1024xf32, #tpu.memory_space<hbm>> -> memref<512xf32, #tpu.memory_space<hbm>>
          tpu.wait_dma2 semaphore(%run_scoped3A : memref<!tpu.dma_semaphore, #tpu.memory_space<semaphore_mem>>) src(%dma_wait3A_469 : memref<512xf32, #tpu.memory_space<hbm>>) dst(%arg9 : memref<512xf32, #tpu.memory_space<vmem>>)
          tpu.yield
        }) : () -> ()
        %get3A = arith.constant 0 : index
        %get3A_149 = tpu.vector_load %arg9[%get3A] {strides = array<i32>} : memref<512xf32, #tpu.memory_space<vmem>>, vector<16xf32>,
        %get3A_150 = vector.shape_cast %get3A_149 : vector<16xf32> to vector<16xf32>
        %swap3A = arith.constant 0 : i32
        %swap3A_151 = arith.index_cast %swap3A : i32 to index
        %swap3A_152 = arith.constant 0 : index
        %swap3A_153 = tpu.vector_load %arg10[%swap3A_151, %swap3A_152] {strides = array<i32>} : memref<8x128xf32, #tpu.memory_space<vmem>>, vector<1x16xf32>,
        %swap3A_154 = vector.shape_cast %swap3A_153 : vector<1x16xf32> to vector<16xf32>
        %swap3A_155 = vector.shape_cast %get3A_150 : vector<16xf32> to vector<1x16xf32>
        tpu.vector_store %arg10[%swap3A_151, %swap3A_152], %swap3A_155 {strides = array<i32>} : memref<8x128xf32, #tpu.memory_space<vmem>>, vector<1x16xf32>,
        %get3A_156 = arith.constant 16 : index
        %get3A_157 = tpu.vector_load %arg9[%get3A_156] {strides = array<i32>} : memref<512xf32, #tpu.memory_space<vmem>>, vector<16xf32>,
        %get3A_158 = vector.shape_cast %get3A_157 : vector<16xf32> to vector<16xf32>
        %swap3A_159 = arith.constant 0 : i32
        %swap3A_160 = arith.index_cast %swap3A_159 : i32 to index
        %swap3A_161 = arith.constant 16 : index
        %swap3A_162 = tpu.vector_load %arg10[%swap3A_160, %swap3A_161] {strides = array<i32>} : memref<8x128xf32, #tpu.memory_space<vmem>>, vector<1x16xf32>,
        %swap3A_163 = vector.shape_cast %swap3A_162 : vector<1x16xf32> to vector<16xf32>
        %swap3A_164 = vector.shape_cast %get3A_158 : vector<16xf32> to vector<1x16xf32>
        tpu.vector_store %arg10[%swap3A_160, %swap3A_161], %swap3A_164 {strides = array<i32>} : memref<8x128xf32, #tpu.memory_space<vmem>>, vector<1x16xf32>,
        %get3A_165 = arith.constant 32 : index
        %get3A_166 = tpu.vector_load %arg9[%get3A_165] {strides = array<i32>} : memref<512xf32, #tpu.memory_space<vmem>>, vector<16xf32>,
        %get3A_167 = vector.shape_cast %get3A_166 : vector<16xf32> to vector<16xf32>
        %swap3A_168 = arith.constant 0 : i32
        %swap3A_169 = arith.index_cast %swap3A_168 : i32 to index
        %swap3A_170 = arith.constant 32 : index
        %swap3A_171 = tpu.vector_load %arg10[%swap3A_169, %swap3A_170] {strides = array<i32>} : memref<8x128xf32, #tpu.memory_space<vmem>>, vector<1x16xf32>,
        %swap3A_172 = vector.shape_cast %swap3A_171 : vector<1x16xf32> to vector<16xf32>
        %swap3A_173 = vector.shape_cast %get3A_167 : vector<16xf32> to vector<1x16xf32>
        tpu.vector_store %arg10[%swap3A_169, %swap3A_170], %swap3A_173 {strides = array<i32>} : memref<8x128xf32, #tpu.memory_space<vmem>>, vector<1x16xf32>,
        %get3A_174 = arith.constant 48 : index
        %get3A_175 = tpu.vector_load %arg9[%get3A_174] {strides = array<i32>} : memref<512xf32, #tpu.memory_space<vmem>>, vector<16xf32>,
        %get3A_176 = vector.shape_cast %get3A_175 : vector<16xf32> to vector<16xf32>
        %swap3A_177 = arith.constant 0 : i32
        %swap3A_178 = arith.index_cast %swap3A_177 : i32 to index
        %swap3A_179 = arith.constant 48 : index
        %swap3A_180 = tpu.vector_load %arg10[%swap3A_178, %swap3A_179] {strides = array<i32>} : memref<8x128xf32, #tpu.memory_space<vmem>>, vector<1x16xf32>,
        %swap3A_181 = vector.shape_cast %swap3A_180 : vector<1x16xf32> to vector<16xf32>
        %swap3A_182 = vector.shape_cast %get3A_176 : vector<16xf32> to vector<1x16xf32>
        tpu.vector_store %arg10[%swap3A_178, %swap3A_179], %swap3A_182 {strides = array<i32>} : memref<8x128xf32, #tpu.memory_space<vmem>>, vector<1x16xf32>,
        %get3A_183 = arith.constant 64 : index
        %get3A_184 = tpu.vector_load %arg9[%get3A_183] {strides = array<i32>} : memref<512xf32, #tpu.memory_space<vmem>>, vector<16xf32>,
        %get3A_185 = vector.shape_cast %get3A_184 : vector<16xf32> to vector<16xf32>
        %swap3A_186 = arith.constant 1 : i32
        %swap3A_187 = arith.index_cast %swap3A_186 : i32 to index
        %swap3A_188 = arith.constant 0 : index
        %swap3A_189 = tpu.vector_load %arg10[%swap3A_187, %swap3A_188] {strides = array<i32>} : memref<8x128xf32, #tpu.memory_space<vmem>>, vector<1x16xf32>,
        %swap3A_190 = vector.shape_cast %swap3A_189 : vector<1x16xf32> to vector<16xf32>
        %swap3A_191 = vector.shape_cast %get3A_185 : vector<16xf32> to vector<1x16xf32>
        tpu.vector_store %arg10[%swap3A_187, %swap3A_188], %swap3A_191 {strides = array<i32>} : memref<8x128xf32, #tpu.memory_space<vmem>>, vector<1x16xf32>,
        %get3A_192 = arith.constant 80 : index
        %get3A_193 = tpu.vector_load %arg9[%get3A_192] {strides = array<i32>} : memref<512xf32, #tpu.memory_space<vmem>>, vector<16xf32>,
        %get3A_194 = vector.shape_cast %get3A_193 : vector<16xf32> to vector<16xf32>
        %swap3A_195 = arith.constant 1 : i32
        %swap3A_196 = arith.index_cast %swap3A_195 : i32 to index
        %swap3A_197 = arith.constant 16 : index
        %swap3A_198 = tpu.vector_load %arg10[%swap3A_196, %swap3A_197] {strides = array<i32>} : memref<8x128xf32, #tpu.memory_space<vmem>>, vector<1x16xf32>,
        %swap3A_199 = vector.shape_cast %swap3A_198 : vector<1x16xf32> to vector<16xf32>
        %swap3A_200 = vector.shape_cast %get3A_194 : vector<16xf32> to vector<1x16xf32>
        tpu.vector_store %arg10[%swap3A_196, %swap3A_197], %swap3A_200 {strides = array<i32>} : memref<8x128xf32, #tpu.memory_space<vmem>>, vector<1x16xf32>,
        %get3A_201 = arith.constant 96 : index
        %get3A_202 = tpu.vector_load %arg9[%get3A_201] {strides = array<i32>} : memref<512xf32, #tpu.memory_space<vmem>>, vector<16xf32>,
        %get3A_203 = vector.shape_cast %get3A_202 : vector<16xf32> to vector<16xf32>
        %swap3A_204 = arith.constant 1 : i32
        %swap3A_205 = arith.index_cast %swap3A_204 : i32 to index
        %swap3A_206 = arith.constant 32 : index
        %swap3A_207 = tpu.vector_load %arg10[%swap3A_205, %swap3A_206] {strides = array<i32>} : memref<8x128xf32, #tpu.memory_space<vmem>>, vector<1x16xf32>,
        %swap3A_208 = vector.shape_cast %swap3A_207 : vector<1x16xf32> to vector<16xf32>
        %swap3A_209 = vector.shape_cast %get3A_203 : vector<16xf32> to vector<1x16xf32>
        tpu.vector_store %arg10[%swap3A_205, %swap3A_206], %swap3A_209 {strides = array<i32>} : memref<8x128xf32, #tpu.memory_space<vmem>>, vector<1x16xf32>,
        %get3A_210 = arith.constant 112 : index
        %get3A_211 = tpu.vector_load %arg9[%get3A_210] {strides = array<i32>} : memref<512xf32, #tpu.memory_space<vmem>>, vector<16xf32>,
        %get3A_212 = vector.shape_cast %get3A_211 : vector<16xf32> to vector<16xf32>
        %swap3A_213 = arith.constant 1 : i32
        %swap3A_214 = arith.index_cast %swap3A_213 : i32 to index
        %swap3A_215 = arith.constant 48 : index
        %swap3A_216 = tpu.vector_load %arg10[%swap3A_214, %swap3A_215] {strides = array<i32>} : memref<8x128xf32, #tpu.memory_space<vmem>>, vector<1x16xf32>,
        %swap3A_217 = vector.shape_cast %swap3A_216 : vector<1x16xf32> to vector<16xf32>
        %swap3A_218 = vector.shape_cast %get3A_212 : vector<16xf32> to vector<1x16xf32>
        tpu.vector_store %arg10[%swap3A_214, %swap3A_215], %swap3A_218 {strides = array<i32>} : memref<8x128xf32, #tpu.memory_space<vmem>>, vector<1x16xf32>,
        %get3A_219 = arith.constant 128 : index
        %get3A_220 = tpu.vector_load %arg9[%get3A_219] {strides = array<i32>} : memref<512xf32, #tpu.memory_space<vmem>>, vector<16xf32>,
        %get3A_221 = vector.shape_cast %get3A_220 : vector<16xf32> to vector<16xf32>
        %swap3A_222 = arith.constant 2 : i32
        %swap3A_223 = arith.index_cast %swap3A_222 : i32 to index
        %swap3A_224 = arith.constant 0 : index
        %swap3A_225 = tpu.vector_load %arg10[%swap3A_223, %swap3A_224] {strides = array<i32>} : memref<8x128xf32, #tpu.memory_space<vmem>>, vector<1x16xf32>,
        %swap3A_226 = vector.shape_cast %swap3A_225 : vector<1x16xf32> to vector<16xf32>
        %swap3A_227 = vector.shape_cast %get3A_221 : vector<16xf32> to vector<1x16xf32>
        tpu.vector_store %arg10[%swap3A_223, %swap3A_224], %swap3A_227 {strides = array<i32>} : memref<8x128xf32, #tpu.memory_space<vmem>>, vector<1x16xf32>,
        %get3A_228 = arith.constant 144 : index
        %get3A_229 = tpu.vector_load %arg9[%get3A_228] {strides = array<i32>} : memref<512xf32, #tpu.memory_space<vmem>>, vector<16xf32>,
        %get3A_230 = vector.shape_cast %get3A_229 : vector<16xf32> to vector<16xf32>
        %swap3A_231 = arith.constant 2 : i32
        %swap3A_232 = arith.index_cast %swap3A_231 : i32 to index
        %swap3A_233 = arith.constant 16 : index
        %swap3A_234 = tpu.vector_load %arg10[%swap3A_232, %swap3A_233] {strides = array<i32>} : memref<8x128xf32, #tpu.memory_space<vmem>>, vector<1x16xf32>,
        %swap3A_235 = vector.shape_cast %swap3A_234 : vector<1x16xf32> to vector<16xf32>
        %swap3A_236 = vector.shape_cast %get3A_230 : vector<16xf32> to vector<1x16xf32>
        tpu.vector_store %arg10[%swap3A_232, %swap3A_233], %swap3A_236 {strides = array<i32>} : memref<8x128xf32, #tpu.memory_space<vmem>>, vector<1x16xf32>,
        %get3A_237 = arith.constant 160 : index
        %get3A_238 = tpu.vector_load %arg9[%get3A_237] {strides = array<i32>} : memref<512xf32, #tpu.memory_space<vmem>>, vector<16xf32>,
        %get3A_239 = vector.shape_cast %get3A_238 : vector<16xf32> to vector<16xf32>
        %swap3A_240 = arith.constant 2 : i32
        %swap3A_241 = arith.index_cast %swap3A_240 : i32 to index
        %swap3A_242 = arith.constant 32 : index
        %swap3A_243 = tpu.vector_load %arg10[%swap3A_241, %swap3A_242] {strides = array<i32>} : memref<8x128xf32, #tpu.memory_space<vmem>>, vector<1x16xf32>,
        %swap3A_244 = vector.shape_cast %swap3A_243 : vector<1x16xf32> to vector<16xf32>
        %swap3A_245 = vector.shape_cast %get3A_239 : vector<16xf32> to vector<1x16xf32>
        tpu.vector_store %arg10[%swap3A_241, %swap3A_242], %swap3A_245 {strides = array<i32>} : memref<8x128xf32, #tpu.memory_space<vmem>>, vector<1x16xf32>,
        %get3A_246 = arith.constant 176 : index
        %get3A_247 = tpu.vector_load %arg9[%get3A_246] {strides = array<i32>} : memref<512xf32, #tpu.memory_space<vmem>>, vector<16xf32>,
        %get3A_248 = vector.shape_cast %get3A_247 : vector<16xf32> to vector<16xf32>
        %swap3A_249 = arith.constant 2 : i32
        %swap3A_250 = arith.index_cast %swap3A_249 : i32 to index
        %swap3A_251 = arith.constant 48 : index
        %swap3A_252 = tpu.vector_load %arg10[%swap3A_250, %swap3A_251] {strides = array<i32>} : memref<8x128xf32, #tpu.memory_space<vmem>>, vector<1x16xf32>,
        %swap3A_253 = vector.shape_cast %swap3A_252 : vector<1x16xf32> to vector<16xf32>
        %swap3A_254 = vector.shape_cast %get3A_248 : vector<16xf32> to vector<1x16xf32>
        tpu.vector_store %arg10[%swap3A_250, %swap3A_251], %swap3A_254 {strides = array<i32>} : memref<8x128xf32, #tpu.memory_space<vmem>>, vector<1x16xf32>,
        %get3A_255 = arith.constant 192 : index
        %get3A_256 = tpu.vector_load %arg9[%get3A_255] {strides = array<i32>} : memref<512xf32, #tpu.memory_space<vmem>>, vector<16xf32>,
        %get3A_257 = vector.shape_cast %get3A_256 : vector<16xf32> to vector<16xf32>
        %swap3A_258 = arith.constant 3 : i32
        %swap3A_259 = arith.index_cast %swap3A_258 : i32 to index
        %swap3A_260 = arith.constant 0 : index
        %swap3A_261 = tpu.vector_load %arg10[%swap3A_259, %swap3A_260] {strides = array<i32>} : memref<8x128xf32, #tpu.memory_space<vmem>>, vector<1x16xf32>,
        %swap3A_262 = vector.shape_cast %swap3A_261 : vector<1x16xf32> to vector<16xf32>
        %swap3A_263 = vector.shape_cast %get3A_257 : vector<16xf32> to vector<1x16xf32>
        tpu.vector_store %arg10[%swap3A_259, %swap3A_260], %swap3A_263 {strides = array<i32>} : memref<8x128xf32, #tpu.memory_space<vmem>>, vector<1x16xf32>,
        %get3A_264 = arith.constant 208 : index
        %get3A_265 = tpu.vector_load %arg9[%get3A_264] {strides = array<i32>} : memref<512xf32, #tpu.memory_space<vmem>>, vector<16xf32>,
        %get3A_266 = vector.shape_cast %get3A_265 : vector<16xf32> to vector<16xf32>
        %swap3A_267 = arith.constant 3 : i32
        %swap3A_268 = arith.index_cast %swap3A_267 : i32 to index
        %swap3A_269 = arith.constant 16 : index
        %swap3A_270 = tpu.vector_load %arg10[%swap3A_268, %swap3A_269] {strides = array<i32>} : memref<8x128xf32, #tpu.memory_space<vmem>>, vector<1x16xf32>,
        %swap3A_271 = vector.shape_cast %swap3A_270 : vector<1x16xf32> to vector<16xf32>
        %swap3A_272 = vector.shape_cast %get3A_266 : vector<16xf32> to vector<1x16xf32>
        tpu.vector_store %arg10[%swap3A_268, %swap3A_269], %swap3A_272 {strides = array<i32>} : memref<8x128xf32, #tpu.memory_space<vmem>>, vector<1x16xf32>,
        %get3A_273 = arith.constant 224 : index
        %get3A_274 = tpu.vector_load %arg9[%get3A_273] {strides = array<i32>} : memref<512xf32, #tpu.memory_space<vmem>>, vector<16xf32>,
        %get3A_275 = vector.shape_cast %get3A_274 : vector<16xf32> to vector<16xf32>
        %swap3A_276 = arith.constant 3 : i32
        %swap3A_277 = arith.index_cast %swap3A_276 : i32 to index
        %swap3A_278 = arith.constant 32 : index
        %swap3A_279 = tpu.vector_load %arg10[%swap3A_277, %swap3A_278] {strides = array<i32>} : memref<8x128xf32, #tpu.memory_space<vmem>>, vector<1x16xf32>,
        %swap3A_280 = vector.shape_cast %swap3A_279 : vector<1x16xf32> to vector<16xf32>
        %swap3A_281 = vector.shape_cast %get3A_275 : vector<16xf32> to vector<1x16xf32>
        tpu.vector_store %arg10[%swap3A_277, %swap3A_278], %swap3A_281 {strides = array<i32>} : memref<8x128xf32, #tpu.memory_space<vmem>>, vector<1x16xf32>,
        %get3A_282 = arith.constant 240 : index
        %get3A_283 = tpu.vector_load %arg9[%get3A_282] {strides = array<i32>} : memref<512xf32, #tpu.memory_space<vmem>>, vector<16xf32>,
        %get3A_284 = vector.shape_cast %get3A_283 : vector<16xf32> to vector<16xf32>
        %swap3A_285 = arith.constant 3 : i32
        %swap3A_286 = arith.index_cast %swap3A_285 : i32 to index
        %swap3A_287 = arith.constant 48 : index
        %swap3A_288 = tpu.vector_load %arg10[%swap3A_286, %swap3A_287] {strides = array<i32>} : memref<8x128xf32, #tpu.memory_space<vmem>>, vector<1x16xf32>,
        %swap3A_289 = vector.shape_cast %swap3A_288 : vector<1x16xf32> to vector<16xf32>
        %swap3A_290 = vector.shape_cast %get3A_284 : vector<16xf32> to vector<1x16xf32>
        tpu.vector_store %arg10[%swap3A_286, %swap3A_287], %swap3A_290 {strides = array<i32>} : memref<8x128xf32, #tpu.memory_space<vmem>>, vector<1x16xf32>,
        %get3A_291 = arith.constant 256 : index
        %get3A_292 = tpu.vector_load %arg9[%get3A_291] {strides = array<i32>} : memref<512xf32, #tpu.memory_space<vmem>>, vector<16xf32>,
        %get3A_293 = vector.shape_cast %get3A_292 : vector<16xf32> to vector<16xf32>
        %swap3A_294 = arith.constant 4 : i32
        %swap3A_295 = arith.index_cast %swap3A_294 : i32 to index
        %swap3A_296 = arith.constant 0 : index
        %swap3A_297 = tpu.vector_load %arg10[%swap3A_295, %swap3A_296] {strides = array<i32>} : memref<8x128xf32, #tpu.memory_space<vmem>>, vector<1x16xf32>,
        %swap3A_298 = vector.shape_cast %swap3A_297 : vector<1x16xf32> to vector<16xf32>
        %swap3A_299 = vector.shape_cast %get3A_293 : vector<16xf32> to vector<1x16xf32>
        tpu.vector_store %arg10[%swap3A_295, %swap3A_296], %swap3A_299 {strides = array<i32>} : memref<8x128xf32, #tpu.memory_space<vmem>>, vector<1x16xf32>,
        %get3A_300 = arith.constant 272 : index
        %get3A_301 = tpu.vector_load %arg9[%get3A_300] {strides = array<i32>} : memref<512xf32, #tpu.memory_space<vmem>>, vector<16xf32>,
        %get3A_302 = vector.shape_cast %get3A_301 : vector<16xf32> to vector<16xf32>
        %swap3A_303 = arith.constant 4 : i32
        %swap3A_304 = arith.index_cast %swap3A_303 : i32 to index
        %swap3A_305 = arith.constant 16 : index
        %swap3A_306 = tpu.vector_load %arg10[%swap3A_304, %swap3A_305] {strides = array<i32>} : memref<8x128xf32, #tpu.memory_space<vmem>>, vector<1x16xf32>,
        %swap3A_307 = vector.shape_cast %swap3A_306 : vector<1x16xf32> to vector<16xf32>
        %swap3A_308 = vector.shape_cast %get3A_302 : vector<16xf32> to vector<1x16xf32>
        tpu.vector_store %arg10[%swap3A_304, %swap3A_305], %swap3A_308 {strides = array<i32>} : memref<8x128xf32, #tpu.memory_space<vmem>>, vector<1x16xf32>,
        %get3A_309 = arith.constant 288 : index
        %get3A_310 = tpu.vector_load %arg9[%get3A_309] {strides = array<i32>} : memref<512xf32, #tpu.memory_space<vmem>>, vector<16xf32>,
        %get3A_311 = vector.shape_cast %get3A_310 : vector<16xf32> to vector<16xf32>
        %swap3A_312 = arith.constant 4 : i32
        %swap3A_313 = arith.index_cast %swap3A_312 : i32 to index
        %swap3A_314 = arith.constant 32 : index
        %swap3A_315 = tpu.vector_load %arg10[%swap3A_313, %swap3A_314] {strides = array<i32>} : memref<8x128xf32, #tpu.memory_space<vmem>>, vector<1x16xf32>,
        %swap3A_316 = vector.shape_cast %swap3A_315 : vector<1x16xf32> to vector<16xf32>
        %swap3A_317 = vector.shape_cast %get3A_311 : vector<16xf32> to vector<1x16xf32>
        tpu.vector_store %arg10[%swap3A_313, %swap3A_314], %swap3A_317 {strides = array<i32>} : memref<8x128xf32, #tpu.memory_space<vmem>>, vector<1x16xf32>,
        %get3A_318 = arith.constant 304 : index
        %get3A_319 = tpu.vector_load %arg9[%get3A_318] {strides = array<i32>} : memref<512xf32, #tpu.memory_space<vmem>>, vector<16xf32>,
        %get3A_320 = vector.shape_cast %get3A_319 : vector<16xf32> to vector<16xf32>
        %swap3A_321 = arith.constant 4 : i32
        %swap3A_322 = arith.index_cast %swap3A_321 : i32 to index
        %swap3A_323 = arith.constant 48 : index
        %swap3A_324 = tpu.vector_load %arg10[%swap3A_322, %swap3A_323] {strides = array<i32>} : memref<8x128xf32, #tpu.memory_space<vmem>>, vector<1x16xf32>,
        %swap3A_325 = vector.shape_cast %swap3A_324 : vector<1x16xf32> to vector<16xf32>
        %swap3A_326 = vector.shape_cast %get3A_320 : vector<16xf32> to vector<1x16xf32>
        tpu.vector_store %arg10[%swap3A_322, %swap3A_323], %swap3A_326 {strides = array<i32>} : memref<8x128xf32, #tpu.memory_space<vmem>>, vector<1x16xf32>,
        %get3A_327 = arith.constant 320 : index
        %get3A_328 = tpu.vector_load %arg9[%get3A_327] {strides = array<i32>} : memref<512xf32, #tpu.memory_space<vmem>>, vector<16xf32>,
        %get3A_329 = vector.shape_cast %get3A_328 : vector<16xf32> to vector<16xf32>
        %swap3A_330 = arith.constant 5 : i32
        %swap3A_331 = arith.index_cast %swap3A_330 : i32 to index
        %swap3A_332 = arith.constant 0 : index
        %swap3A_333 = tpu.vector_load %arg10[%swap3A_331, %swap3A_332] {strides = array<i32>} : memref<8x128xf32, #tpu.memory_space<vmem>>, vector<1x16xf32>,
        %swap3A_334 = vector.shape_cast %swap3A_333 : vector<1x16xf32> to vector<16xf32>
        %swap3A_335 = vector.shape_cast %get3A_329 : vector<16xf32> to vector<1x16xf32>
        tpu.vector_store %arg10[%swap3A_331, %swap3A_332], %swap3A_335 {strides = array<i32>} : memref<8x128xf32, #tpu.memory_space<vmem>>, vector<1x16xf32>,
        %get3A_336 = arith.constant 336 : index
        %get3A_337 = tpu.vector_load %arg9[%get3A_336] {strides = array<i32>} : memref<512xf32, #tpu.memory_space<vmem>>, vector<16xf32>,
        %get3A_338 = vector.shape_cast %get3A_337 : vector<16xf32> to vector<16xf32>
        %swap3A_339 = arith.constant 5 : i32
        %swap3A_340 = arith.index_cast %swap3A_339 : i32 to index
        %swap3A_341 = arith.constant 16 : index
        %swap3A_342 = tpu.vector_load %arg10[%swap3A_340, %swap3A_341] {strides = array<i32>} : memref<8x128xf32, #tpu.memory_space<vmem>>, vector<1x16xf32>,
        %swap3A_343 = vector.shape_cast %swap3A_342 : vector<1x16xf32> to vector<16xf32>
        %swap3A_344 = vector.shape_cast %get3A_338 : vector<16xf32> to vector<1x16xf32>
        tpu.vector_store %arg10[%swap3A_340, %swap3A_341], %swap3A_344 {strides = array<i32>} : memref<8x128xf32, #tpu.memory_space<vmem>>, vector<1x16xf32>,
        %get3A_345 = arith.constant 352 : index
        %get3A_346 = tpu.vector_load %arg9[%get3A_345] {strides = array<i32>} : memref<512xf32, #tpu.memory_space<vmem>>, vector<16xf32>,
        %get3A_347 = vector.shape_cast %get3A_346 : vector<16xf32> to vector<16xf32>
        %swap3A_348 = arith.constant 5 : i32
        %swap3A_349 = arith.index_cast %swap3A_348 : i32 to index
        %swap3A_350 = arith.constant 32 : index
        %swap3A_351 = tpu.vector_load %arg10[%swap3A_349, %swap3A_350] {strides = array<i32>} : memref<8x128xf32, #tpu.memory_space<vmem>>, vector<1x16xf32>,
        %swap3A_352 = vector.shape_cast %swap3A_351 : vector<1x16xf32> to vector<16xf32>
        %swap3A_353 = vector.shape_cast %get3A_347 : vector<16xf32> to vector<1x16xf32>
        tpu.vector_store %arg10[%swap3A_349, %swap3A_350], %swap3A_353 {strides = array<i32>} : memref<8x128xf32, #tpu.memory_space<vmem>>, vector<1x16xf32>,
        %get3A_354 = arith.constant 368 : index
        %get3A_355 = tpu.vector_load %arg9[%get3A_354] {strides = array<i32>} : memref<512xf32, #tpu.memory_space<vmem>>, vector<16xf32>,
        %get3A_356 = vector.shape_cast %get3A_355 : vector<16xf32> to vector<16xf32>
        %swap3A_357 = arith.constant 5 : i32
        %swap3A_358 = arith.index_cast %swap3A_357 : i32 to index
        %swap3A_359 = arith.constant 48 : index
        %swap3A_360 = tpu.vector_load %arg10[%swap3A_358, %swap3A_359] {strides = array<i32>} : memref<8x128xf32, #tpu.memory_space<vmem>>, vector<1x16xf32>,
        %swap3A_361 = vector.shape_cast %swap3A_360 : vector<1x16xf32> to vector<16xf32>
        %swap3A_362 = vector.shape_cast %get3A_356 : vector<16xf32> to vector<1x16xf32>
        tpu.vector_store %arg10[%swap3A_358, %swap3A_359], %swap3A_362 {strides = array<i32>} : memref<8x128xf32, #tpu.memory_space<vmem>>, vector<1x16xf32>,
        %get3A_363 = arith.constant 384 : index
        %get3A_364 = tpu.vector_load %arg9[%get3A_363] {strides = array<i32>} : memref<512xf32, #tpu.memory_space<vmem>>, vector<16xf32>,
        %get3A_365 = vector.shape_cast %get3A_364 : vector<16xf32> to vector<16xf32>
        %swap3A_366 = arith.constant 6 : i32
        %swap3A_367 = arith.index_cast %swap3A_366 : i32 to index
        %swap3A_368 = arith.constant 0 : index
        %swap3A_369 = tpu.vector_load %arg10[%swap3A_367, %swap3A_368] {strides = array<i32>} : memref<8x128xf32, #tpu.memory_space<vmem>>, vector<1x16xf32>,
        %swap3A_370 = vector.shape_cast %swap3A_369 : vector<1x16xf32> to vector<16xf32>
        %swap3A_371 = vector.shape_cast %get3A_365 : vector<16xf32> to vector<1x16xf32>
        tpu.vector_store %arg10[%swap3A_367, %swap3A_368], %swap3A_371 {strides = array<i32>} : memref<8x128xf32, #tpu.memory_space<vmem>>, vector<1x16xf32>,
        %get3A_372 = arith.constant 400 : index
        %get3A_373 = tpu.vector_load %arg9[%get3A_372] {strides = array<i32>} : memref<512xf32, #tpu.memory_space<vmem>>, vector<16xf32>,
        %get3A_374 = vector.shape_cast %get3A_373 : vector<16xf32> to vector<16xf32>
        %swap3A_375 = arith.constant 6 : i32
        %swap3A_376 = arith.index_cast %swap3A_375 : i32 to index
        %swap3A_377 = arith.constant 16 : index
        %swap3A_378 = tpu.vector_load %arg10[%swap3A_376, %swap3A_377] {strides = array<i32>} : memref<8x128xf32, #tpu.memory_space<vmem>>, vector<1x16xf32>,
        %swap3A_379 = vector.shape_cast %swap3A_378 : vector<1x16xf32> to vector<16xf32>
        %swap3A_380 = vector.shape_cast %get3A_374 : vector<16xf32> to vector<1x16xf32>
        tpu.vector_store %arg10[%swap3A_376, %swap3A_377], %swap3A_380 {strides = array<i32>} : memref<8x128xf32, #tpu.memory_space<vmem>>, vector<1x16xf32>,
        %get3A_381 = arith.constant 416 : index
        %get3A_382 = tpu.vector_load %arg9[%get3A_381] {strides = array<i32>} : memref<512xf32, #tpu.memory_space<vmem>>, vector<16xf32>,
        %get3A_383 = vector.shape_cast %get3A_382 : vector<16xf32> to vector<16xf32>
        %swap3A_384 = arith.constant 6 : i32
        %swap3A_385 = arith.index_cast %swap3A_384 : i32 to index
        %swap3A_386 = arith.constant 32 : index
        %swap3A_387 = tpu.vector_load %arg10[%swap3A_385, %swap3A_386] {strides = array<i32>} : memref<8x128xf32, #tpu.memory_space<vmem>>, vector<1x16xf32>,
        %swap3A_388 = vector.shape_cast %swap3A_387 : vector<1x16xf32> to vector<16xf32>
        %swap3A_389 = vector.shape_cast %get3A_383 : vector<16xf32> to vector<1x16xf32>
        tpu.vector_store %arg10[%swap3A_385, %swap3A_386], %swap3A_389 {strides = array<i32>} : memref<8x128xf32, #tpu.memory_space<vmem>>, vector<1x16xf32>,
        %get3A_390 = arith.constant 432 : index
        %get3A_391 = tpu.vector_load %arg9[%get3A_390] {strides = array<i32>} : memref<512xf32, #tpu.memory_space<vmem>>, vector<16xf32>,
        %get3A_392 = vector.shape_cast %get3A_391 : vector<16xf32> to vector<16xf32>
        %swap3A_393 = arith.constant 6 : i32
        %swap3A_394 = arith.index_cast %swap3A_393 : i32 to index
        %swap3A_395 = arith.constant 48 : index
        %swap3A_396 = tpu.vector_load %arg10[%swap3A_394, %swap3A_395] {strides = array<i32>} : memref<8x128xf32, #tpu.memory_space<vmem>>, vector<1x16xf32>,
        %swap3A_397 = vector.shape_cast %swap3A_396 : vector<1x16xf32> to vector<16xf32>
        %swap3A_398 = vector.shape_cast %get3A_392 : vector<16xf32> to vector<1x16xf32>
        tpu.vector_store %arg10[%swap3A_394, %swap3A_395], %swap3A_398 {strides = array<i32>} : memref<8x128xf32, #tpu.memory_space<vmem>>, vector<1x16xf32>,
        %get3A_399 = arith.constant 448 : index
        %get3A_400 = tpu.vector_load %arg9[%get3A_399] {strides = array<i32>} : memref<512xf32, #tpu.memory_space<vmem>>, vector<16xf32>,
        %get3A_401 = vector.shape_cast %get3A_400 : vector<16xf32> to vector<16xf32>
        %swap3A_402 = arith.constant 7 : i32
        %swap3A_403 = arith.index_cast %swap3A_402 : i32 to index
        %swap3A_404 = arith.constant 0 : index
        %swap3A_405 = tpu.vector_load %arg10[%swap3A_403, %swap3A_404] {strides = array<i32>} : memref<8x128xf32, #tpu.memory_space<vmem>>, vector<1x16xf32>,
        %swap3A_406 = vector.shape_cast %swap3A_405 : vector<1x16xf32> to vector<16xf32>
        %swap3A_407 = vector.shape_cast %get3A_401 : vector<16xf32> to vector<1x16xf32>
        tpu.vector_store %arg10[%swap3A_403, %swap3A_404], %swap3A_407 {strides = array<i32>} : memref<8x128xf32, #tpu.memory_space<vmem>>, vector<1x16xf32>,
        %get3A_408 = arith.constant 464 : index
        %get3A_409 = tpu.vector_load %arg9[%get3A_408] {strides = array<i32>} : memref<512xf32, #tpu.memory_space<vmem>>, vector<16xf32>,
        %get3A_410 = vector.shape_cast %get3A_409 : vector<16xf32> to vector<16xf32>
        %swap3A_411 = arith.constant 7 : i32
        %swap3A_412 = arith.index_cast %swap3A_411 : i32 to index
        %swap3A_413 = arith.constant 16 : index
        %swap3A_414 = tpu.vector_load %arg10[%swap3A_412, %swap3A_413] {strides = array<i32>} : memref<8x128xf32, #tpu.memory_space<vmem>>, vector<1x16xf32>,
        %swap3A_415 = vector.shape_cast %swap3A_414 : vector<1x16xf32> to vector<16xf32>
        %swap3A_416 = vector.shape_cast %get3A_410 : vector<16xf32> to vector<1x16xf32>
        tpu.vector_store %arg10[%swap3A_412, %swap3A_413], %swap3A_416 {strides = array<i32>} : memref<8x128xf32, #tpu.memory_space<vmem>>, vector<1x16xf32>,
        %get3A_417 = arith.constant 480 : index
        %get3A_418 = tpu.vector_load %arg9[%get3A_417] {strides = array<i32>} : memref<512xf32, #tpu.memory_space<vmem>>, vector<16xf32>,
        %get3A_419 = vector.shape_cast %get3A_418 : vector<16xf32> to vector<16xf32>
        %swap3A_420 = arith.constant 7 : i32
        %swap3A_421 = arith.index_cast %swap3A_420 : i32 to index
        %swap3A_422 = arith.constant 32 : index
        %swap3A_423 = tpu.vector_load %arg10[%swap3A_421, %swap3A_422] {strides = array<i32>} : memref<8x128xf32, #tpu.memory_space<vmem>>, vector<1x16xf32>,
        %swap3A_424 = vector.shape_cast %swap3A_423 : vector<1x16xf32> to vector<16xf32>
        %swap3A_425 = vector.shape_cast %get3A_419 : vector<16xf32> to vector<1x16xf32>
        tpu.vector_store %arg10[%swap3A_421, %swap3A_422], %swap3A_425 {strides = array<i32>} : memref<8x128xf32, #tpu.memory_space<vmem>>, vector<1x16xf32>,
        %get3A_426 = arith.constant 496 : index
        %get3A_427 = tpu.vector_load %arg9[%get3A_426] {strides = array<i32>} : memref<512xf32, #tpu.memory_space<vmem>>, vector<16xf32>,
        %get3A_428 = vector.shape_cast %get3A_427 : vector<16xf32> to vector<16xf32>
        %swap3A_429 = arith.constant 7 : i32
        %swap3A_430 = arith.index_cast %swap3A_429 : i32 to index
        %swap3A_431 = arith.constant 48 : index
        %swap3A_432 = tpu.vector_load %arg10[%swap3A_430, %swap3A_431] {strides = array<i32>} : memref<8x128xf32, #tpu.memory_space<vmem>>, vector<1x16xf32>,
        %swap3A_433 = vector.shape_cast %swap3A_432 : vector<1x16xf32> to vector<16xf32>
        %swap3A_434 = vector.shape_cast %get3A_428 : vector<16xf32> to vector<1x16xf32>
        tpu.vector_store %arg10[%swap3A_430, %swap3A_431], %swap3A_434 {strides = array<i32>} : memref<8x128xf32, #tpu.memory_space<vmem>>, vector<1x16xf32>,
        %mul3A_435 = arith.constant 7813 : i32
        %mul3A_436 = arith.muli %select_n3A, %mul3A_435 : i32
        %add3A_437 = arith.constant 7813 : i32
        %add3A_438 = arith.addi %mul3A_436, %add3A_437 : i32
        %sub3A_439 = arith.constant 1 : i32
        %sub3A_440 = arith.subi %add3A_438, %sub3A_439 : i32
        %dma_start3A_441 = arith.constant 0 : i32
        %dma_start3A_442 = arith.constant 0 : i32
        %dma_start3A_443 = tpu.memref_slice %arg7[%sub3A_440, %dma_start3A_441, %dma_start3A_442] : memref<15626x8x128xf32, #tpu.memory_space<hbm>> -> memref<1x8x128xf32, #tpu.memory_space<hbm>>
        %dma_start3A_444 = tpu.memref_squeeze %dma_start3A_443 : memref<1x8x128xf32, #tpu.memory_space<hbm>> -> memref<8x128xf32, #tpu.memory_space<hbm>>
        %dma_start3A_445 = arith.constant 0 : i32
        %dma_start3A_446 = arith.constant 0 : i32
        %dma_start3A_447 = tpu.memref_slice %arg7[%sub3A_440, %dma_start3A_445, %dma_start3A_446] : memref<15626x8x128xf32, #tpu.memory_space<hbm>> -> memref<1x8x128xf32, #tpu.memory_space<hbm>>
        %dma_start3A_448 = tpu.memref_squeeze %dma_start3A_447 : memref<1x8x128xf32, #tpu.memory_space<hbm>> -> memref<8x128xf32, #tpu.memory_space<hbm>>
        tpu.enqueue_dma source(%arg10 : memref<8x128xf32, #tpu.memory_space<vmem>>) target(%dma_start3A_448 : memref<8x128xf32, #tpu.memory_space<hbm>>) target_semaphore(%arg12 : memref<!tpu.dma_semaphore, #tpu.memory_space<semaphore_mem>>)
        %dma_wait3A = arith.constant 0 : i32
        %dma_wait3A_449 = arith.constant 0 : i32
        %dma_wait3A_450 = tpu.memref_slice %arg8[%dma_wait3A, %dma_wait3A_449] : memref<8x1024xf32, #tpu.memory_space<vmem>> -> memref<8x512xf32, #tpu.memory_space<vmem>>
        %dma_wait3A_451 = arith.constant 0 : i32
        %dma_wait3A_452 = arith.constant 0 : i32
        %dma_wait3A_453 = tpu.memref_slice %arg3[%dma_wait3A_451, %dma_wait3A_452] : memref<16x1000000xf32, #tpu.memory_space<hbm>> -> memref<8x512xf32, #tpu.memory_space<hbm>>
        %dma_wait3A_454 = arith.constant 0 : i32
        %dma_wait3A_455 = arith.constant 0 : i32
        %dma_wait3A_456 = tpu.memref_slice %arg8[%dma_wait3A_454, %dma_wait3A_455] : memref<8x1024xf32, #tpu.memory_space<vmem>> -> memref<8x512xf32, #tpu.memory_space<vmem>>
        %dma_wait3A_457 = arith.constant 0 : i32
        %dma_wait3A_458 = arith.constant 0 : i32
        %dma_wait3A_459 = tpu.memref_slice %arg3[%dma_wait3A_457, %dma_wait3A_458] : memref<16x1000000xf32, #tpu.memory_space<hbm>> -> memref<8x512xf32, #tpu.memory_space<hbm>>
        tpu.wait_dma2 semaphore(%arg12 : memref<!tpu.dma_semaphore, #tpu.memory_space<semaphore_mem>>) src(%dma_wait3A_459 : memref<8x512xf32, #tpu.memory_space<hbm>>) dst(%dma_wait3A_456 : memref<8x512xf32, #tpu.memory_space<vmem>>)
        %dma_wait3A_460 = arith.constant 0 : i32
        %dma_wait3A_461 = arith.constant 0 : i32
        %dma_wait3A_462 = tpu.memref_slice %arg3[%dma_wait3A_460, %dma_wait3A_461] : memref<16x1000000xf32, #tpu.memory_space<hbm>> -> memref<8x128xf32, #tpu.memory_space<hbm>>
        %dma_wait3A_463 = arith.constant 0 : i32
        %dma_wait3A_464 = arith.constant 0 : i32
        %dma_wait3A_465 = tpu.memref_slice %arg3[%dma_wait3A_463, %dma_wait3A_464] : memref<16x1000000xf32, #tpu.memory_space<hbm>> -> memref<8x128xf32, #tpu.memory_space<hbm>>
        tpu.wait_dma2 semaphore(%arg12 : memref<!tpu.dma_semaphore, #tpu.memory_space<semaphore_mem>>) src(%dma_wait3A_465 : memref<8x128xf32, #tpu.memory_space<hbm>>) dst(%arg10 : memref<8x128xf32, #tpu.memory_space<vmem>>)
      } else {
      }
      %scan3A_63 = arith.constant 0 : i32
      scf.yield %scan3A_63 : i32
    }
    %scan3A_13 = arith.constant 62 : i32
    return
  }
}

#map = affine_map<(d0, d1) -> (0)>
#map1 = affine_map<(d0, d1) -> (0, 0)>
module attributes {stable_mosaic.version = 14 : i64} {
  func.func @_sc_gather(%arg0: i32, %arg1: i32, %arg2: memref<16001024xf32, #tpu.memory_space<hbm>>, %arg3: memref<16001024xf32, #tpu.memory_space<hbm>>, %arg4: memref<416x100000xf32, #tpu.memory_space<hbm>>, %arg5: memref<4096xi32, #tpu.memory_space<hbm>>, %arg6: memref<4096xi32, #tpu.memory_space<hbm>>, %arg7: memref<26x4096xi32, #tpu.memory_space<hbm>>, %arg8: memref<448x4096xf32, #tpu.memory_space<hbm>>, %arg9: memref<128xi32, #tpu.memory_space<vmem>>, %arg10: memref<128xi32, #tpu.memory_space<vmem>>, %arg11: memref<128xi32, #tpu.memory_space<vmem>>, %arg12: memref<128xi32, #tpu.memory_space<vmem>>, %arg13: memref<26x128xi32, #tpu.memory_space<vmem>>, %arg14: memref<32x128xi32, #tpu.memory_space<vmem>>, %arg15: memref<448x128xf32, #tpu.memory_space<vmem>>, %arg16: memref<!tpu.dma_semaphore, #tpu.memory_space<semaphore_mem>>) attributes {dimension_semantics = [#tpu.dimension_semantics<core_parallel>, #tpu.dimension_semantics<subcore_parallel>], iteration_bounds = array<i64: 2, 16>, scalar_prefetch = 0 : i64, scratch_operands = 8 : i64, tpu.core_type = #tpu.core_type<sc_vector_subcore>, window_params = [{transform_indices = #map}, {transform_indices = #map}, {transform_indices = #map1}, {transform_indices = #map}, {transform_indices = #map}, {transform_indices = #map1}, {transform_indices = #map1}]} {
    %mul3A = arith.constant 2 : i32
    %mul3A_0 = arith.muli %arg1, %mul3A : i32
    %add3A = arith.addi %mul3A_0, %arg0 : i32
    %mul3A_1 = arith.constant 128 : i32
    %mul3A_2 = arith.muli %add3A, %mul3A_1 : i32
    "tpu.region"() ({
      %run_scoped3A = tpu.sem_alloc : memref<!tpu.dma_semaphore, #tpu.memory_space<semaphore_mem>>
      %dma_start3A = tpu.memref_slice %arg5[%mul3A_2] : memref<4096xi32, #tpu.memory_space<hbm>> -> memref<128xi32, #tpu.memory_space<hbm>>
      %dma_start3A_47 = tpu.memref_slice %arg5[%mul3A_2] : memref<4096xi32, #tpu.memory_space<hbm>> -> memref<128xi32, #tpu.memory_space<hbm>>
      tpu.enqueue_dma source(%dma_start3A_47 : memref<128xi32, #tpu.memory_space<hbm>>) target(%arg9 : memref<128xi32, #tpu.memory_space<vmem>>) target_semaphore(%run_scoped3A : memref<!tpu.dma_semaphore, #tpu.memory_space<semaphore_mem>>)
      %dma_wait3A_48 = tpu.memref_slice %arg5[%mul3A_2] : memref<4096xi32, #tpu.memory_space<hbm>> -> memref<128xi32, #tpu.memory_space<hbm>>
      %dma_wait3A_49 = tpu.memref_slice %arg5[%mul3A_2] : memref<4096xi32, #tpu.memory_space<hbm>> -> memref<128xi32, #tpu.memory_space<hbm>>
      tpu.wait_dma2 semaphore(%run_scoped3A : memref<!tpu.dma_semaphore, #tpu.memory_space<semaphore_mem>>) src(%dma_wait3A_49 : memref<128xi32, #tpu.memory_space<hbm>>) dst(%arg9 : memref<128xi32, #tpu.memory_space<vmem>>)
      tpu.yield
    }) : () -> ()
    "tpu.region"() ({
      %run_scoped3A = tpu.sem_alloc : memref<!tpu.dma_semaphore, #tpu.memory_space<semaphore_mem>>
      %dma_start3A = tpu.memref_slice %arg6[%mul3A_2] : memref<4096xi32, #tpu.memory_space<hbm>> -> memref<128xi32, #tpu.memory_space<hbm>>
      %dma_start3A_47 = tpu.memref_slice %arg6[%mul3A_2] : memref<4096xi32, #tpu.memory_space<hbm>> -> memref<128xi32, #tpu.memory_space<hbm>>
      tpu.enqueue_dma source(%dma_start3A_47 : memref<128xi32, #tpu.memory_space<hbm>>) target(%arg10 : memref<128xi32, #tpu.memory_space<vmem>>) target_semaphore(%run_scoped3A : memref<!tpu.dma_semaphore, #tpu.memory_space<semaphore_mem>>)
      %dma_wait3A_48 = tpu.memref_slice %arg6[%mul3A_2] : memref<4096xi32, #tpu.memory_space<hbm>> -> memref<128xi32, #tpu.memory_space<hbm>>
      %dma_wait3A_49 = tpu.memref_slice %arg6[%mul3A_2] : memref<4096xi32, #tpu.memory_space<hbm>> -> memref<128xi32, #tpu.memory_space<hbm>>
      tpu.wait_dma2 semaphore(%run_scoped3A : memref<!tpu.dma_semaphore, #tpu.memory_space<semaphore_mem>>) src(%dma_wait3A_49 : memref<128xi32, #tpu.memory_space<hbm>>) dst(%arg10 : memref<128xi32, #tpu.memory_space<vmem>>)
      tpu.yield
    }) : () -> ()
    "tpu.region"() ({
      %run_scoped3A = tpu.sem_alloc : memref<!tpu.dma_semaphore, #tpu.memory_space<semaphore_mem>>
      %dma_start3A = arith.constant 0 : i32
      %dma_start3A_47 = tpu.memref_slice %arg7[%dma_start3A, %mul3A_2] : memref<26x4096xi32, #tpu.memory_space<hbm>> -> memref<26x128xi32, #tpu.memory_space<hbm>>
      %dma_start3A_48 = arith.constant 0 : i32
      %dma_start3A_49 = tpu.memref_slice %arg7[%dma_start3A_48, %mul3A_2] : memref<26x4096xi32, #tpu.memory_space<hbm>> -> memref<26x128xi32, #tpu.memory_space<hbm>>
      tpu.enqueue_dma source(%dma_start3A_49 : memref<26x128xi32, #tpu.memory_space<hbm>>) target(%arg13 : memref<26x128xi32, #tpu.memory_space<vmem>>) target_semaphore(%run_scoped3A : memref<!tpu.dma_semaphore, #tpu.memory_space<semaphore_mem>>)
      %dma_wait3A_50 = arith.constant 0 : i32
      %dma_wait3A_51 = tpu.memref_slice %arg7[%dma_wait3A_50, %mul3A_2] : memref<26x4096xi32, #tpu.memory_space<hbm>> -> memref<26x128xi32, #tpu.memory_space<hbm>>
      %dma_wait3A_52 = arith.constant 0 : i32
      %dma_wait3A_53 = tpu.memref_slice %arg7[%dma_wait3A_52, %mul3A_2] : memref<26x4096xi32, #tpu.memory_space<hbm>> -> memref<26x128xi32, #tpu.memory_space<hbm>>
      tpu.wait_dma2 semaphore(%run_scoped3A : memref<!tpu.dma_semaphore, #tpu.memory_space<semaphore_mem>>) src(%dma_wait3A_53 : memref<26x128xi32, #tpu.memory_space<hbm>>) dst(%arg13 : memref<26x128xi32, #tpu.memory_space<vmem>>)
      tpu.yield
    }) : () -> ()
    %scan3A = arith.constant 0 : i32
    %scan3A_3 = arith.constant 0 : i32
    %scan3A_4 = arith.constant 8 : i32
    %scan3A_5 = arith.addi %scan3A_3, %scan3A_4 : i32
    %scan3A_6 = arith.constant 1 : i32
    %scan3A_7 = scf.for %scan3A_47 = %scan3A_3 to %scan3A_5 step %scan3A_6 iter_args(%scan3A_48 = %scan3A) -> (i32)  : i32 {
      %mul3A_49 = arith.constant 16 : i32
      %mul3A_50 = arith.muli %mul3A_49, %scan3A_47 : i32
      %get3A = arith.index_cast %mul3A_50 : i32 to index
      %get3A_51 = tpu.vector_load %arg9[%get3A] {strides = array<i32>} : memref<128xi32, #tpu.memory_space<vmem>>, vector<16xi32>,
      %get3A_52 = vector.shape_cast %get3A_51 : vector<16xi32> to vector<16xi32>
      %shift_right_logical3A = arith.constant 7 : i32
      %shift_right_logical3A_53 = vector.broadcast %shift_right_logical3A : i32 to vector<16xi32>
      %shift_right_logical3A_54 = arith.shrui %get3A_52, %shift_right_logical3A_53 : vector<16xi32>
      %shift_left3A = arith.constant 10 : i32
      %shift_left3A_55 = vector.broadcast %shift_left3A : i32 to vector<16xi32>
      %shift_left3A_56 = arith.shli %shift_right_logical3A_54, %shift_left3A_55 : vector<16xi32>
      %and3A = arith.constant 127 : i32
      %and3A_57 = vector.broadcast %and3A : i32 to vector<16xi32>
      %and3A_58 = arith.andi %get3A_52, %and3A_57 : vector<16xi32>
      %add3A_59 = arith.addi %shift_left3A_56, %and3A_58 : vector<16xi32>
      %mul3A_60 = arith.constant 16 : i32
      %mul3A_61 = arith.muli %mul3A_60, %scan3A_47 : i32
      %swap3A = arith.index_cast %mul3A_61 : i32 to index
      %swap3A_62 = tpu.vector_load %arg11[%swap3A] {strides = array<i32>} : memref<128xi32, #tpu.memory_space<vmem>>, vector<16xi32>,
      %swap3A_63 = vector.shape_cast %swap3A_62 : vector<16xi32> to vector<16xi32>
      %swap3A_64 = vector.shape_cast %add3A_59 : vector<16xi32> to vector<16xi32>
      tpu.vector_store %arg11[%swap3A], %swap3A_64 {strides = array<i32>} : memref<128xi32, #tpu.memory_space<vmem>>, vector<16xi32>,
      %scan3A_65 = arith.constant 0 : i32
      scf.yield %scan3A_65 : i32
    }
    %scan3A_8 = arith.constant 8 : i32
    %scan3A_9 = arith.constant 0 : i32
    %scan3A_10 = arith.constant 0 : i32
    %scan3A_11 = arith.constant 8 : i32
    %scan3A_12 = arith.addi %scan3A_10, %scan3A_11 : i32
    %scan3A_13 = arith.constant 1 : i32
    %scan3A_14 = scf.for %scan3A_47 = %scan3A_10 to %scan3A_12 step %scan3A_13 iter_args(%scan3A_48 = %scan3A_9) -> (i32)  : i32 {
      %mul3A_49 = arith.constant 16 : i32
      %mul3A_50 = arith.muli %mul3A_49, %scan3A_47 : i32
      %get3A = arith.index_cast %mul3A_50 : i32 to index
      %get3A_51 = tpu.vector_load %arg10[%get3A] {strides = array<i32>} : memref<128xi32, #tpu.memory_space<vmem>>, vector<16xi32>,
      %get3A_52 = vector.shape_cast %get3A_51 : vector<16xi32> to vector<16xi32>
      %shift_right_logical3A = arith.constant 7 : i32
      %shift_right_logical3A_53 = vector.broadcast %shift_right_logical3A : i32 to vector<16xi32>
      %shift_right_logical3A_54 = arith.shrui %get3A_52, %shift_right_logical3A_53 : vector<16xi32>
      %shift_left3A = arith.constant 10 : i32
      %shift_left3A_55 = vector.broadcast %shift_left3A : i32 to vector<16xi32>
      %shift_left3A_56 = arith.shli %shift_right_logical3A_54, %shift_left3A_55 : vector<16xi32>
      %and3A = arith.constant 127 : i32
      %and3A_57 = vector.broadcast %and3A : i32 to vector<16xi32>
      %and3A_58 = arith.andi %get3A_52, %and3A_57 : vector<16xi32>
      %add3A_59 = arith.addi %shift_left3A_56, %and3A_58 : vector<16xi32>
      %mul3A_60 = arith.constant 16 : i32
      %mul3A_61 = arith.muli %mul3A_60, %scan3A_47 : i32
      %swap3A = arith.index_cast %mul3A_61 : i32 to index
      %swap3A_62 = tpu.vector_load %arg12[%swap3A] {strides = array<i32>} : memref<128xi32, #tpu.memory_space<vmem>>, vector<16xi32>,
      %swap3A_63 = vector.shape_cast %swap3A_62 : vector<16xi32> to vector<16xi32>
      %swap3A_64 = vector.shape_cast %add3A_59 : vector<16xi32> to vector<16xi32>
      tpu.vector_store %arg12[%swap3A], %swap3A_64 {strides = array<i32>} : memref<128xi32, #tpu.memory_space<vmem>>, vector<16xi32>,
      %scan3A_65 = arith.constant 0 : i32
      scf.yield %scan3A_65 : i32
    }
    %scan3A_15 = arith.constant 8 : i32
    %scan3A_16 = arith.constant 0 : i32
    %scan3A_17 = arith.constant 0 : i32
    %scan3A_18 = arith.constant 16 : i32
    %scan3A_19 = arith.addi %scan3A_17, %scan3A_18 : i32
    %scan3A_20 = arith.constant 1 : i32
    %scan3A_21 = scf.for %scan3A_47 = %scan3A_17 to %scan3A_19 step %scan3A_20 iter_args(%scan3A_48 = %scan3A_16) -> (i32)  : i32 {
      %jit3A = arith.constant 8 : i32
      %div3A = arith.divsi %scan3A_47, %jit3A : i32
      %sign3A = arith.constant 0 : i32
      %sign3A_49 = arith.cmpi sgt, %scan3A_47, %sign3A : i32
      %sign3A_50 = arith.extui %sign3A_49 : i1 to i32
      %sign3A_51 = arith.constant 0 : i32
      %sign3A_52 = arith.cmpi slt, %scan3A_47, %sign3A_51 : i32
      %sign3A_53 = arith.extui %sign3A_52 : i1 to i32
      %sign3A_54 = arith.subi %sign3A_50, %sign3A_53 : i32
      %sign3A_55 = arith.constant 0 : i32
      %sign3A_56 = arith.cmpi sgt, %jit3A, %sign3A_55 : i32
      %sign3A_57 = arith.extui %sign3A_56 : i1 to i32
      %sign3A_58 = arith.constant 0 : i32
      %sign3A_59 = arith.cmpi slt, %jit3A, %sign3A_58 : i32
      %sign3A_60 = arith.extui %sign3A_59 : i1 to i32
      %sign3A_61 = arith.subi %sign3A_57, %sign3A_60 : i32
      %ne3A = arith.cmpi ne, %sign3A_54, %sign3A_61 : i32
      %rem3A = arith.remsi %scan3A_47, %jit3A : i32
      %ne3A_62 = arith.constant 0 : i32
      %ne3A_63 = arith.cmpi ne, %rem3A, %ne3A_62 : i32
      %and3A = arith.andi %ne3A, %ne3A_63 : i1
      %sub3A = arith.constant 1 : i32
      %sub3A_64 = arith.subi %div3A, %sub3A : i32
      %select_n3A = arith.select %and3A, %sub3A_64, %div3A : i32
      %mul3A_65 = arith.constant 8000512 : i32
      %mul3A_66 = arith.muli %select_n3A, %mul3A_65 : i32
      %jit3A_67 = arith.constant 8 : i32
      %eq3A = arith.constant 0 : i32
      %eq3A_68 = arith.cmpi eq, %jit3A_67, %eq3A : i32
      %jit3A_69 = arith.constant 1 : i32
      %select_n3A_70 = arith.select %eq3A_68, %jit3A_69, %jit3A_67 : i32
      %rem3A_71 = arith.remsi %scan3A_47, %select_n3A_70 : i32
      %ne3A_72 = arith.constant 0 : i32
      %ne3A_73 = arith.cmpi ne, %rem3A_71, %ne3A_72 : i32
      %lt3A = arith.constant 0 : i32
      %lt3A_74 = arith.cmpi slt, %rem3A_71, %lt3A : i32
      %lt3A_75 = arith.constant 0 : i32
      %lt3A_76 = arith.cmpi slt, %select_n3A_70, %lt3A_75 : i32
      %ne3A_77 = arith.xori %lt3A_74, %lt3A_76 : i1
      %and3A_78 = arith.andi %ne3A_77, %ne3A_73 : i1
      %add3A_79 = arith.addi %rem3A_71, %select_n3A_70 : i32
      %select_n3A_80 = arith.select %and3A_78, %add3A_79, %rem3A_71 : i32
      %mul3A_81 = arith.constant 128 : i32
      %mul3A_82 = arith.muli %select_n3A_80, %mul3A_81 : i32
      %add3A_83 = arith.addi %mul3A_66, %mul3A_82 : i32
      %get3A = arith.constant 0 : index
      %get3A_84 = tpu.vector_load %arg11[%get3A] {strides = array<i32>} : memref<128xi32, #tpu.memory_space<vmem>>, vector<16xi32>,
      %get3A_85 = vector.shape_cast %get3A_84 : vector<16xi32> to vector<16xi32>
      %add3A_86 = vector.broadcast %add3A_83 : i32 to vector<16xi32>
      %add3A_87 = arith.addi %get3A_85, %add3A_86 : vector<16xi32>
      %swap3A = arith.index_cast %scan3A_47 : i32 to index
      %swap3A_88 = arith.constant 0 : index
      %swap3A_89 = tpu.vector_load %arg14[%swap3A, %swap3A_88] {strides = array<i32>} : memref<32x128xi32, #tpu.memory_space<vmem>>, vector<1x16xi32>,
      %swap3A_90 = vector.shape_cast %swap3A_89 : vector<1x16xi32> to vector<16xi32>
      %swap3A_91 = vector.shape_cast %add3A_87 : vector<16xi32> to vector<1x16xi32>
      tpu.vector_store %arg14[%swap3A, %swap3A_88], %swap3A_91 {strides = array<i32>} : memref<32x128xi32, #tpu.memory_space<vmem>>, vector<1x16xi32>,
      %get3A_92 = arith.constant 0 : index
      %get3A_93 = tpu.vector_load %arg12[%get3A_92] {strides = array<i32>} : memref<128xi32, #tpu.memory_space<vmem>>, vector<16xi32>,
      %get3A_94 = vector.shape_cast %get3A_93 : vector<16xi32> to vector<16xi32>
      %add3A_95 = vector.broadcast %add3A_83 : i32 to vector<16xi32>
      %add3A_96 = arith.addi %get3A_94, %add3A_95 : vector<16xi32>
      %add3A_97 = arith.constant 16 : i32
      %add3A_98 = arith.addi %add3A_97, %scan3A_47 : i32
      %swap3A_99 = arith.index_cast %add3A_98 : i32 to index
      %swap3A_100 = arith.constant 0 : index
      %swap3A_101 = tpu.vector_load %arg14[%swap3A_99, %swap3A_100] {strides = array<i32>} : memref<32x128xi32, #tpu.memory_space<vmem>>, vector<1x16xi32>,
      %swap3A_102 = vector.shape_cast %swap3A_101 : vector<1x16xi32> to vector<16xi32>
      %swap3A_103 = vector.shape_cast %add3A_96 : vector<16xi32> to vector<1x16xi32>
      tpu.vector_store %arg14[%swap3A_99, %swap3A_100], %swap3A_103 {strides = array<i32>} : memref<32x128xi32, #tpu.memory_space<vmem>>, vector<1x16xi32>,
      %get3A_104 = arith.constant 16 : index
      %get3A_105 = tpu.vector_load %arg11[%get3A_104] {strides = array<i32>} : memref<128xi32, #tpu.memory_space<vmem>>, vector<16xi32>,
      %get3A_106 = vector.shape_cast %get3A_105 : vector<16xi32> to vector<16xi32>
      %add3A_107 = vector.broadcast %add3A_83 : i32 to vector<16xi32>
      %add3A_108 = arith.addi %get3A_106, %add3A_107 : vector<16xi32>
      %swap3A_109 = arith.index_cast %scan3A_47 : i32 to index
      %swap3A_110 = arith.constant 16 : index
      %swap3A_111 = tpu.vector_load %arg14[%swap3A_109, %swap3A_110] {strides = array<i32>} : memref<32x128xi32, #tpu.memory_space<vmem>>, vector<1x16xi32>,
      %swap3A_112 = vector.shape_cast %swap3A_111 : vector<1x16xi32> to vector<16xi32>
      %swap3A_113 = vector.shape_cast %add3A_108 : vector<16xi32> to vector<1x16xi32>
      tpu.vector_store %arg14[%swap3A_109, %swap3A_110], %swap3A_113 {strides = array<i32>} : memref<32x128xi32, #tpu.memory_space<vmem>>, vector<1x16xi32>,
      %get3A_114 = arith.constant 16 : index
      %get3A_115 = tpu.vector_load %arg12[%get3A_114] {strides = array<i32>} : memref<128xi32, #tpu.memory_space<vmem>>, vector<16xi32>,
      %get3A_116 = vector.shape_cast %get3A_115 : vector<16xi32> to vector<16xi32>
      %add3A_117 = vector.broadcast %add3A_83 : i32 to vector<16xi32>
      %add3A_118 = arith.addi %get3A_116, %add3A_117 : vector<16xi32>
      %add3A_119 = arith.constant 16 : i32
      %add3A_120 = arith.addi %add3A_119, %scan3A_47 : i32
      %swap3A_121 = arith.index_cast %add3A_120 : i32 to index
      %swap3A_122 = arith.constant 16 : index
      %swap3A_123 = tpu.vector_load %arg14[%swap3A_121, %swap3A_122] {strides = array<i32>} : memref<32x128xi32, #tpu.memory_space<vmem>>, vector<1x16xi32>,
      %swap3A_124 = vector.shape_cast %swap3A_123 : vector<1x16xi32> to vector<16xi32>
      %swap3A_125 = vector.shape_cast %add3A_118 : vector<16xi32> to vector<1x16xi32>
      tpu.vector_store %arg14[%swap3A_121, %swap3A_122], %swap3A_125 {strides = array<i32>} : memref<32x128xi32, #tpu.memory_space<vmem>>, vector<1x16xi32>,
      %get3A_126 = arith.constant 32 : index
      %get3A_127 = tpu.vector_load %arg11[%get3A_126] {strides = array<i32>} : memref<128xi32, #tpu.memory_space<vmem>>, vector<16xi32>,
      %get3A_128 = vector.shape_cast %get3A_127 : vector<16xi32> to vector<16xi32>
      %add3A_129 = vector.broadcast %add3A_83 : i32 to vector<16xi32>
      %add3A_130 = arith.addi %get3A_128, %add3A_129 : vector<16xi32>
      %swap3A_131 = arith.index_cast %scan3A_47 : i32 to index
      %swap3A_132 = arith.constant 32 : index
      %swap3A_133 = tpu.vector_load %arg14[%swap3A_131, %swap3A_132] {strides = array<i32>} : memref<32x128xi32, #tpu.memory_space<vmem>>, vector<1x16xi32>,
      %swap3A_134 = vector.shape_cast %swap3A_133 : vector<1x16xi32> to vector<16xi32>
      %swap3A_135 = vector.shape_cast %add3A_130 : vector<16xi32> to vector<1x16xi32>
      tpu.vector_store %arg14[%swap3A_131, %swap3A_132], %swap3A_135 {strides = array<i32>} : memref<32x128xi32, #tpu.memory_space<vmem>>, vector<1x16xi32>,
      %get3A_136 = arith.constant 32 : index
      %get3A_137 = tpu.vector_load %arg12[%get3A_136] {strides = array<i32>} : memref<128xi32, #tpu.memory_space<vmem>>, vector<16xi32>,
      %get3A_138 = vector.shape_cast %get3A_137 : vector<16xi32> to vector<16xi32>
      %add3A_139 = vector.broadcast %add3A_83 : i32 to vector<16xi32>
      %add3A_140 = arith.addi %get3A_138, %add3A_139 : vector<16xi32>
      %add3A_141 = arith.constant 16 : i32
      %add3A_142 = arith.addi %add3A_141, %scan3A_47 : i32
      %swap3A_143 = arith.index_cast %add3A_142 : i32 to index
      %swap3A_144 = arith.constant 32 : index
      %swap3A_145 = tpu.vector_load %arg14[%swap3A_143, %swap3A_144] {strides = array<i32>} : memref<32x128xi32, #tpu.memory_space<vmem>>, vector<1x16xi32>,
      %swap3A_146 = vector.shape_cast %swap3A_145 : vector<1x16xi32> to vector<16xi32>
      %swap3A_147 = vector.shape_cast %add3A_140 : vector<16xi32> to vector<1x16xi32>
      tpu.vector_store %arg14[%swap3A_143, %swap3A_144], %swap3A_147 {strides = array<i32>} : memref<32x128xi32, #tpu.memory_space<vmem>>, vector<1x16xi32>,
      %get3A_148 = arith.constant 48 : index
      %get3A_149 = tpu.vector_load %arg11[%get3A_148] {strides = array<i32>} : memref<128xi32, #tpu.memory_space<vmem>>, vector<16xi32>,
      %get3A_150 = vector.shape_cast %get3A_149 : vector<16xi32> to vector<16xi32>
      %add3A_151 = vector.broadcast %add3A_83 : i32 to vector<16xi32>
      %add3A_152 = arith.addi %get3A_150, %add3A_151 : vector<16xi32>
      %swap3A_153 = arith.index_cast %scan3A_47 : i32 to index
      %swap3A_154 = arith.constant 48 : index
      %swap3A_155 = tpu.vector_load %arg14[%swap3A_153, %swap3A_154] {strides = array<i32>} : memref<32x128xi32, #tpu.memory_space<vmem>>, vector<1x16xi32>,
      %swap3A_156 = vector.shape_cast %swap3A_155 : vector<1x16xi32> to vector<16xi32>
      %swap3A_157 = vector.shape_cast %add3A_152 : vector<16xi32> to vector<1x16xi32>
      tpu.vector_store %arg14[%swap3A_153, %swap3A_154], %swap3A_157 {strides = array<i32>} : memref<32x128xi32, #tpu.memory_space<vmem>>, vector<1x16xi32>,
      %get3A_158 = arith.constant 48 : index
      %get3A_159 = tpu.vector_load %arg12[%get3A_158] {strides = array<i32>} : memref<128xi32, #tpu.memory_space<vmem>>, vector<16xi32>,
      %get3A_160 = vector.shape_cast %get3A_159 : vector<16xi32> to vector<16xi32>
      %add3A_161 = vector.broadcast %add3A_83 : i32 to vector<16xi32>
      %add3A_162 = arith.addi %get3A_160, %add3A_161 : vector<16xi32>
      %add3A_163 = arith.constant 16 : i32
      %add3A_164 = arith.addi %add3A_163, %scan3A_47 : i32
      %swap3A_165 = arith.index_cast %add3A_164 : i32 to index
      %swap3A_166 = arith.constant 48 : index
      %swap3A_167 = tpu.vector_load %arg14[%swap3A_165, %swap3A_166] {strides = array<i32>} : memref<32x128xi32, #tpu.memory_space<vmem>>, vector<1x16xi32>,
      %swap3A_168 = vector.shape_cast %swap3A_167 : vector<1x16xi32> to vector<16xi32>
      %swap3A_169 = vector.shape_cast %add3A_162 : vector<16xi32> to vector<1x16xi32>
      tpu.vector_store %arg14[%swap3A_165, %swap3A_166], %swap3A_169 {strides = array<i32>} : memref<32x128xi32, #tpu.memory_space<vmem>>, vector<1x16xi32>,
      %get3A_170 = arith.constant 64 : index
      %get3A_171 = tpu.vector_load %arg11[%get3A_170] {strides = array<i32>} : memref<128xi32, #tpu.memory_space<vmem>>, vector<16xi32>,
      %get3A_172 = vector.shape_cast %get3A_171 : vector<16xi32> to vector<16xi32>
      %add3A_173 = vector.broadcast %add3A_83 : i32 to vector<16xi32>
      %add3A_174 = arith.addi %get3A_172, %add3A_173 : vector<16xi32>
      %swap3A_175 = arith.index_cast %scan3A_47 : i32 to index
      %swap3A_176 = arith.constant 64 : index
      %swap3A_177 = tpu.vector_load %arg14[%swap3A_175, %swap3A_176] {strides = array<i32>} : memref<32x128xi32, #tpu.memory_space<vmem>>, vector<1x16xi32>,
      %swap3A_178 = vector.shape_cast %swap3A_177 : vector<1x16xi32> to vector<16xi32>
      %swap3A_179 = vector.shape_cast %add3A_174 : vector<16xi32> to vector<1x16xi32>
      tpu.vector_store %arg14[%swap3A_175, %swap3A_176], %swap3A_179 {strides = array<i32>} : memref<32x128xi32, #tpu.memory_space<vmem>>, vector<1x16xi32>,
      %get3A_180 = arith.constant 64 : index
      %get3A_181 = tpu.vector_load %arg12[%get3A_180] {strides = array<i32>} : memref<128xi32, #tpu.memory_space<vmem>>, vector<16xi32>,
      %get3A_182 = vector.shape_cast %get3A_181 : vector<16xi32> to vector<16xi32>
      %add3A_183 = vector.broadcast %add3A_83 : i32 to vector<16xi32>
      %add3A_184 = arith.addi %get3A_182, %add3A_183 : vector<16xi32>
      %add3A_185 = arith.constant 16 : i32
      %add3A_186 = arith.addi %add3A_185, %scan3A_47 : i32
      %swap3A_187 = arith.index_cast %add3A_186 : i32 to index
      %swap3A_188 = arith.constant 64 : index
      %swap3A_189 = tpu.vector_load %arg14[%swap3A_187, %swap3A_188] {strides = array<i32>} : memref<32x128xi32, #tpu.memory_space<vmem>>, vector<1x16xi32>,
      %swap3A_190 = vector.shape_cast %swap3A_189 : vector<1x16xi32> to vector<16xi32>
      %swap3A_191 = vector.shape_cast %add3A_184 : vector<16xi32> to vector<1x16xi32>
      tpu.vector_store %arg14[%swap3A_187, %swap3A_188], %swap3A_191 {strides = array<i32>} : memref<32x128xi32, #tpu.memory_space<vmem>>, vector<1x16xi32>,
      %get3A_192 = arith.constant 80 : index
      %get3A_193 = tpu.vector_load %arg11[%get3A_192] {strides = array<i32>} : memref<128xi32, #tpu.memory_space<vmem>>, vector<16xi32>,
      %get3A_194 = vector.shape_cast %get3A_193 : vector<16xi32> to vector<16xi32>
      %add3A_195 = vector.broadcast %add3A_83 : i32 to vector<16xi32>
      %add3A_196 = arith.addi %get3A_194, %add3A_195 : vector<16xi32>
      %swap3A_197 = arith.index_cast %scan3A_47 : i32 to index
      %swap3A_198 = arith.constant 80 : index
      %swap3A_199 = tpu.vector_load %arg14[%swap3A_197, %swap3A_198] {strides = array<i32>} : memref<32x128xi32, #tpu.memory_space<vmem>>, vector<1x16xi32>,
      %swap3A_200 = vector.shape_cast %swap3A_199 : vector<1x16xi32> to vector<16xi32>
      %swap3A_201 = vector.shape_cast %add3A_196 : vector<16xi32> to vector<1x16xi32>
      tpu.vector_store %arg14[%swap3A_197, %swap3A_198], %swap3A_201 {strides = array<i32>} : memref<32x128xi32, #tpu.memory_space<vmem>>, vector<1x16xi32>,
      %get3A_202 = arith.constant 80 : index
      %get3A_203 = tpu.vector_load %arg12[%get3A_202] {strides = array<i32>} : memref<128xi32, #tpu.memory_space<vmem>>, vector<16xi32>,
      %get3A_204 = vector.shape_cast %get3A_203 : vector<16xi32> to vector<16xi32>
      %add3A_205 = vector.broadcast %add3A_83 : i32 to vector<16xi32>
      %add3A_206 = arith.addi %get3A_204, %add3A_205 : vector<16xi32>
      %add3A_207 = arith.constant 16 : i32
      %add3A_208 = arith.addi %add3A_207, %scan3A_47 : i32
      %swap3A_209 = arith.index_cast %add3A_208 : i32 to index
      %swap3A_210 = arith.constant 80 : index
      %swap3A_211 = tpu.vector_load %arg14[%swap3A_209, %swap3A_210] {strides = array<i32>} : memref<32x128xi32, #tpu.memory_space<vmem>>, vector<1x16xi32>,
      %swap3A_212 = vector.shape_cast %swap3A_211 : vector<1x16xi32> to vector<16xi32>
      %swap3A_213 = vector.shape_cast %add3A_206 : vector<16xi32> to vector<1x16xi32>
      tpu.vector_store %arg14[%swap3A_209, %swap3A_210], %swap3A_213 {strides = array<i32>} : memref<32x128xi32, #tpu.memory_space<vmem>>, vector<1x16xi32>,
      %get3A_214 = arith.constant 96 : index
      %get3A_215 = tpu.vector_load %arg11[%get3A_214] {strides = array<i32>} : memref<128xi32, #tpu.memory_space<vmem>>, vector<16xi32>,
      %get3A_216 = vector.shape_cast %get3A_215 : vector<16xi32> to vector<16xi32>
      %add3A_217 = vector.broadcast %add3A_83 : i32 to vector<16xi32>
      %add3A_218 = arith.addi %get3A_216, %add3A_217 : vector<16xi32>
      %swap3A_219 = arith.index_cast %scan3A_47 : i32 to index
      %swap3A_220 = arith.constant 96 : index
      %swap3A_221 = tpu.vector_load %arg14[%swap3A_219, %swap3A_220] {strides = array<i32>} : memref<32x128xi32, #tpu.memory_space<vmem>>, vector<1x16xi32>,
      %swap3A_222 = vector.shape_cast %swap3A_221 : vector<1x16xi32> to vector<16xi32>
      %swap3A_223 = vector.shape_cast %add3A_218 : vector<16xi32> to vector<1x16xi32>
      tpu.vector_store %arg14[%swap3A_219, %swap3A_220], %swap3A_223 {strides = array<i32>} : memref<32x128xi32, #tpu.memory_space<vmem>>, vector<1x16xi32>,
      %get3A_224 = arith.constant 96 : index
      %get3A_225 = tpu.vector_load %arg12[%get3A_224] {strides = array<i32>} : memref<128xi32, #tpu.memory_space<vmem>>, vector<16xi32>,
      %get3A_226 = vector.shape_cast %get3A_225 : vector<16xi32> to vector<16xi32>
      %add3A_227 = vector.broadcast %add3A_83 : i32 to vector<16xi32>
      %add3A_228 = arith.addi %get3A_226, %add3A_227 : vector<16xi32>
      %add3A_229 = arith.constant 16 : i32
      %add3A_230 = arith.addi %add3A_229, %scan3A_47 : i32
      %swap3A_231 = arith.index_cast %add3A_230 : i32 to index
      %swap3A_232 = arith.constant 96 : index
      %swap3A_233 = tpu.vector_load %arg14[%swap3A_231, %swap3A_232] {strides = array<i32>} : memref<32x128xi32, #tpu.memory_space<vmem>>, vector<1x16xi32>,
      %swap3A_234 = vector.shape_cast %swap3A_233 : vector<1x16xi32> to vector<16xi32>
      %swap3A_235 = vector.shape_cast %add3A_228 : vector<16xi32> to vector<1x16xi32>
      tpu.vector_store %arg14[%swap3A_231, %swap3A_232], %swap3A_235 {strides = array<i32>} : memref<32x128xi32, #tpu.memory_space<vmem>>, vector<1x16xi32>,
      %get3A_236 = arith.constant 112 : index
      %get3A_237 = tpu.vector_load %arg11[%get3A_236] {strides = array<i32>} : memref<128xi32, #tpu.memory_space<vmem>>, vector<16xi32>,
      %get3A_238 = vector.shape_cast %get3A_237 : vector<16xi32> to vector<16xi32>
      %add3A_239 = vector.broadcast %add3A_83 : i32 to vector<16xi32>
      %add3A_240 = arith.addi %get3A_238, %add3A_239 : vector<16xi32>
      %swap3A_241 = arith.index_cast %scan3A_47 : i32 to index
      %swap3A_242 = arith.constant 112 : index
      %swap3A_243 = tpu.vector_load %arg14[%swap3A_241, %swap3A_242] {strides = array<i32>} : memref<32x128xi32, #tpu.memory_space<vmem>>, vector<1x16xi32>,
      %swap3A_244 = vector.shape_cast %swap3A_243 : vector<1x16xi32> to vector<16xi32>
      %swap3A_245 = vector.shape_cast %add3A_240 : vector<16xi32> to vector<1x16xi32>
      tpu.vector_store %arg14[%swap3A_241, %swap3A_242], %swap3A_245 {strides = array<i32>} : memref<32x128xi32, #tpu.memory_space<vmem>>, vector<1x16xi32>,
      %get3A_246 = arith.constant 112 : index
      %get3A_247 = tpu.vector_load %arg12[%get3A_246] {strides = array<i32>} : memref<128xi32, #tpu.memory_space<vmem>>, vector<16xi32>,
      %get3A_248 = vector.shape_cast %get3A_247 : vector<16xi32> to vector<16xi32>
      %add3A_249 = vector.broadcast %add3A_83 : i32 to vector<16xi32>
      %add3A_250 = arith.addi %get3A_248, %add3A_249 : vector<16xi32>
      %add3A_251 = arith.constant 16 : i32
      %add3A_252 = arith.addi %add3A_251, %scan3A_47 : i32
      %swap3A_253 = arith.index_cast %add3A_252 : i32 to index
      %swap3A_254 = arith.constant 112 : index
      %swap3A_255 = tpu.vector_load %arg14[%swap3A_253, %swap3A_254] {strides = array<i32>} : memref<32x128xi32, #tpu.memory_space<vmem>>, vector<1x16xi32>,
      %swap3A_256 = vector.shape_cast %swap3A_255 : vector<1x16xi32> to vector<16xi32>
      %swap3A_257 = vector.shape_cast %add3A_250 : vector<16xi32> to vector<1x16xi32>
      tpu.vector_store %arg14[%swap3A_253, %swap3A_254], %swap3A_257 {strides = array<i32>} : memref<32x128xi32, #tpu.memory_space<vmem>>, vector<1x16xi32>,
      %scan3A_258 = arith.constant 0 : i32
      scf.yield %scan3A_258 : i32
    }
    %scan3A_22 = arith.constant 16 : i32
    %scan3A_23 = arith.constant 0 : i32
    %scan3A_24 = arith.constant 0 : i32
    %scan3A_25 = arith.constant 16 : i32
    %scan3A_26 = arith.addi %scan3A_24, %scan3A_25 : i32
    %scan3A_27 = arith.constant 1 : i32
    %scan3A_28 = scf.for %scan3A_47 = %scan3A_24 to %scan3A_26 step %scan3A_27 iter_args(%scan3A_48 = %scan3A_23) -> (i32)  : i32 {
      %dma_start3A = arith.constant 0 : i32
      %dma_start3A_49 = tpu.memref_slice %arg15[%scan3A_47, %dma_start3A] : memref<448x128xf32, #tpu.memory_space<vmem>> -> memref<1x128xf32, #tpu.memory_space<vmem>>
      %dma_start3A_50 = tpu.memref_squeeze %dma_start3A_49 : memref<1x128xf32, #tpu.memory_space<vmem>> -> memref<128xf32, #tpu.memory_space<vmem>>
      %dma_start3A_51 = arith.constant 0 : i32
      %dma_start3A_52 = tpu.memref_slice %arg14[%scan3A_47, %dma_start3A_51] : memref<32x128xi32, #tpu.memory_space<vmem>> -> memref<1x128xi32, #tpu.memory_space<vmem>>
      %dma_start3A_53 = tpu.memref_squeeze %dma_start3A_52 : memref<1x128xi32, #tpu.memory_space<vmem>> -> memref<128xi32, #tpu.memory_space<vmem>>
      %dma_start3A_54 = arith.constant 0 : i32
      %dma_start3A_55 = tpu.memref_slice %arg2[%dma_start3A_54] : memref<16001024xf32, #tpu.memory_space<hbm>> -> memref<16001024xf32, #tpu.memory_space<hbm>>
      tpu.enqueue_indirect_dma source(%dma_start3A_55 : memref<16001024xf32, #tpu.memory_space<hbm>>) target(%dma_start3A_50 : memref<128xf32, #tpu.memory_space<vmem>>) offsets(%dma_start3A_53 : memref<128xi32, #tpu.memory_space<vmem>>) semaphore(%arg16 : memref<!tpu.dma_semaphore, #tpu.memory_space<semaphore_mem>>)
      %scan3A_56 = arith.constant 0 : i32
      scf.yield %scan3A_56 : i32
    }
    %scan3A_29 = arith.constant 16 : i32
    %scan3A_30 = arith.constant 0 : i32
    %scan3A_31 = arith.constant 0 : i32
    %scan3A_32 = arith.constant 16 : i32
    %scan3A_33 = arith.addi %scan3A_31, %scan3A_32 : i32
    %scan3A_34 = arith.constant 1 : i32
    %scan3A_35 = scf.for %scan3A_47 = %scan3A_31 to %scan3A_33 step %scan3A_34 iter_args(%scan3A_48 = %scan3A_30) -> (i32)  : i32 {
      %add3A_49 = arith.constant 16 : i32
      %add3A_50 = arith.addi %add3A_49, %scan3A_47 : i32
      %add3A_51 = arith.constant 16 : i32
      %add3A_52 = arith.addi %add3A_51, %scan3A_47 : i32
      %dma_start3A = arith.constant 0 : i32
      %dma_start3A_53 = tpu.memref_slice %arg15[%add3A_52, %dma_start3A] : memref<448x128xf32, #tpu.memory_space<vmem>> -> memref<1x128xf32, #tpu.memory_space<vmem>>
      %dma_start3A_54 = tpu.memref_squeeze %dma_start3A_53 : memref<1x128xf32, #tpu.memory_space<vmem>> -> memref<128xf32, #tpu.memory_space<vmem>>
      %dma_start3A_55 = arith.constant 0 : i32
      %dma_start3A_56 = tpu.memref_slice %arg14[%add3A_50, %dma_start3A_55] : memref<32x128xi32, #tpu.memory_space<vmem>> -> memref<1x128xi32, #tpu.memory_space<vmem>>
      %dma_start3A_57 = tpu.memref_squeeze %dma_start3A_56 : memref<1x128xi32, #tpu.memory_space<vmem>> -> memref<128xi32, #tpu.memory_space<vmem>>
      %dma_start3A_58 = arith.constant 0 : i32
      %dma_start3A_59 = tpu.memref_slice %arg3[%dma_start3A_58] : memref<16001024xf32, #tpu.memory_space<hbm>> -> memref<16001024xf32, #tpu.memory_space<hbm>>
      tpu.enqueue_indirect_dma source(%dma_start3A_59 : memref<16001024xf32, #tpu.memory_space<hbm>>) target(%dma_start3A_54 : memref<128xf32, #tpu.memory_space<vmem>>) offsets(%dma_start3A_57 : memref<128xi32, #tpu.memory_space<vmem>>) semaphore(%arg16 : memref<!tpu.dma_semaphore, #tpu.memory_space<semaphore_mem>>)
      %scan3A_60 = arith.constant 0 : i32
      scf.yield %scan3A_60 : i32
    }
    %scan3A_36 = arith.constant 16 : i32
    %scan3A_37 = arith.constant 0 : i32
    %scan3A_38 = arith.constant 0 : i32
    %scan3A_39 = arith.constant 416 : i32
    %scan3A_40 = arith.addi %scan3A_38, %scan3A_39 : i32
    %scan3A_41 = arith.constant 1 : i32
    %scan3A_42 = scf.for %scan3A_47 = %scan3A_38 to %scan3A_40 step %scan3A_41 iter_args(%scan3A_48 = %scan3A_37) -> (i32)  : i32 {
      %jit3A = arith.constant 16 : i32
      %div3A = arith.divsi %scan3A_47, %jit3A : i32
      %sign3A = arith.constant 0 : i32
      %sign3A_49 = arith.cmpi sgt, %scan3A_47, %sign3A : i32
      %sign3A_50 = arith.extui %sign3A_49 : i1 to i32
      %sign3A_51 = arith.constant 0 : i32
      %sign3A_52 = arith.cmpi slt, %scan3A_47, %sign3A_51 : i32
      %sign3A_53 = arith.extui %sign3A_52 : i1 to i32
      %sign3A_54 = arith.subi %sign3A_50, %sign3A_53 : i32
      %sign3A_55 = arith.constant 0 : i32
      %sign3A_56 = arith.cmpi sgt, %jit3A, %sign3A_55 : i32
      %sign3A_57 = arith.extui %sign3A_56 : i1 to i32
      %sign3A_58 = arith.constant 0 : i32
      %sign3A_59 = arith.cmpi slt, %jit3A, %sign3A_58 : i32
      %sign3A_60 = arith.extui %sign3A_59 : i1 to i32
      %sign3A_61 = arith.subi %sign3A_57, %sign3A_60 : i32
      %ne3A = arith.cmpi ne, %sign3A_54, %sign3A_61 : i32
      %rem3A = arith.remsi %scan3A_47, %jit3A : i32
      %ne3A_62 = arith.constant 0 : i32
      %ne3A_63 = arith.cmpi ne, %rem3A, %ne3A_62 : i32
      %and3A = arith.andi %ne3A, %ne3A_63 : i1
      %sub3A = arith.constant 1 : i32
      %sub3A_64 = arith.subi %div3A, %sub3A : i32
      %select_n3A = arith.select %and3A, %sub3A_64, %div3A : i32
      %add3A_65 = arith.constant 32 : i32
      %add3A_66 = arith.addi %add3A_65, %scan3A_47 : i32
      %dma_start3A = arith.constant 0 : i32
      %dma_start3A_67 = tpu.memref_slice %arg15[%add3A_66, %dma_start3A] : memref<448x128xf32, #tpu.memory_space<vmem>> -> memref<1x128xf32, #tpu.memory_space<vmem>>
      %dma_start3A_68 = tpu.memref_squeeze %dma_start3A_67 : memref<1x128xf32, #tpu.memory_space<vmem>> -> memref<128xf32, #tpu.memory_space<vmem>>
      %dma_start3A_69 = arith.constant 0 : i32
      %dma_start3A_70 = tpu.memref_slice %arg13[%select_n3A, %dma_start3A_69] : memref<26x128xi32, #tpu.memory_space<vmem>> -> memref<1x128xi32, #tpu.memory_space<vmem>>
      %dma_start3A_71 = tpu.memref_squeeze %dma_start3A_70 : memref<1x128xi32, #tpu.memory_space<vmem>> -> memref<128xi32, #tpu.memory_space<vmem>>
      %dma_start3A_72 = arith.constant 0 : i32
      %dma_start3A_73 = tpu.memref_slice %arg4[%scan3A_47, %dma_start3A_72] : memref<416x100000xf32, #tpu.memory_space<hbm>> -> memref<1x100000xf32, #tpu.memory_space<hbm>>
      %dma_start3A_74 = tpu.memref_squeeze %dma_start3A_73 : memref<1x100000xf32, #tpu.memory_space<hbm>> -> memref<100000xf32, #tpu.memory_space<hbm>>
      %dma_start3A_75 = arith.constant 0 : i32
      %dma_start3A_76 = tpu.memref_slice %dma_start3A_74[%dma_start3A_75] : memref<100000xf32, #tpu.memory_space<hbm>> -> memref<100000xf32, #tpu.memory_space<hbm>>
      tpu.enqueue_indirect_dma source(%dma_start3A_76 : memref<100000xf32, #tpu.memory_space<hbm>>) target(%dma_start3A_68 : memref<128xf32, #tpu.memory_space<vmem>>) offsets(%dma_start3A_71 : memref<128xi32, #tpu.memory_space<vmem>>) semaphore(%arg16 : memref<!tpu.dma_semaphore, #tpu.memory_space<semaphore_mem>>)
      %scan3A_77 = arith.constant 0 : i32
      scf.yield %scan3A_77 : i32
    }
    %scan3A_43 = arith.constant 416 : i32
    %dma_wait3A = arith.constant 0 : i32
    %dma_wait3A_44 = tpu.memref_slice %arg8[%dma_wait3A, %mul3A_2] : memref<448x4096xf32, #tpu.memory_space<hbm>> -> memref<448x128xf32, #tpu.memory_space<hbm>>
    %dma_wait3A_45 = arith.constant 0 : i32
    %dma_wait3A_46 = tpu.memref_slice %arg8[%dma_wait3A_45, %mul3A_2] : memref<448x4096xf32, #tpu.memory_space<hbm>> -> memref<448x128xf32, #tpu.memory_space<hbm>>
    tpu.wait_dma2 semaphore(%arg16 : memref<!tpu.dma_semaphore, #tpu.memory_space<semaphore_mem>>) src(%dma_wait3A_46 : memref<448x128xf32, #tpu.memory_space<hbm>>) dst(%arg15 : memref<448x128xf32, #tpu.memory_space<vmem>>)
    "tpu.region"() ({
      %run_scoped3A = tpu.sem_alloc : memref<!tpu.dma_semaphore, #tpu.memory_space<semaphore_mem>>
      %dma_start3A = arith.constant 0 : i32
      %dma_start3A_47 = tpu.memref_slice %arg8[%dma_start3A, %mul3A_2] : memref<448x4096xf32, #tpu.memory_space<hbm>> -> memref<448x128xf32, #tpu.memory_space<hbm>>
      %dma_start3A_48 = arith.constant 0 : i32
      %dma_start3A_49 = tpu.memref_slice %arg8[%dma_start3A_48, %mul3A_2] : memref<448x4096xf32, #tpu.memory_space<hbm>> -> memref<448x128xf32, #tpu.memory_space<hbm>>
      tpu.enqueue_dma source(%arg15 : memref<448x128xf32, #tpu.memory_space<vmem>>) target(%dma_start3A_49 : memref<448x128xf32, #tpu.memory_space<hbm>>) target_semaphore(%run_scoped3A : memref<!tpu.dma_semaphore, #tpu.memory_space<semaphore_mem>>)
      %dma_wait3A_50 = arith.constant 0 : i32
      %dma_wait3A_51 = tpu.memref_slice %arg8[%dma_wait3A_50, %mul3A_2] : memref<448x4096xf32, #tpu.memory_space<hbm>> -> memref<448x128xf32, #tpu.memory_space<hbm>>
      %dma_wait3A_52 = arith.constant 0 : i32
      %dma_wait3A_53 = tpu.memref_slice %arg8[%dma_wait3A_52, %mul3A_2] : memref<448x4096xf32, #tpu.memory_space<hbm>> -> memref<448x128xf32, #tpu.memory_space<hbm>>
      tpu.wait_dma2 semaphore(%run_scoped3A : memref<!tpu.dma_semaphore, #tpu.memory_space<semaphore_mem>>) src(%arg15 : memref<448x128xf32, #tpu.memory_space<vmem>>) dst(%dma_wait3A_53 : memref<448x128xf32, #tpu.memory_space<hbm>>)
      tpu.yield
    }) : () -> ()
    return
  }
}

module attributes {stable_mosaic.version = 14 : i64} {
  func.func @_dense_t_body(%arg0: i32, %arg1: memref<448x512xf32, #tpu.memory_space<vmem>>, %arg2: memref<2x448x448xf32, #tpu.memory_space<vmem>>, %arg3: memref<2x448x1xf32, #tpu.memory_space<vmem>>, %arg4: memref<32x448xf32, #tpu.memory_space<vmem>>, %arg5: memref<32x1xf32, #tpu.memory_space<vmem>>, %arg6: memref<32x32xf32, #tpu.memory_space<vmem>>, %arg7: memref<32x1xf32, #tpu.memory_space<vmem>>, %arg8: memref<32x32xf32, #tpu.memory_space<vmem>>, %arg9: memref<32x1xf32, #tpu.memory_space<vmem>>, %arg10: memref<16x32xf32, #tpu.memory_space<vmem>>, %arg11: memref<16x1xf32, #tpu.memory_space<vmem>>, %arg12: memref<464x1xf32, #tpu.memory_space<vmem>>, %arg13: memref<512x1xf32, #tpu.memory_space<vmem>>) attributes {dimension_semantics = [#tpu.dimension_semantics<arbitrary>], iteration_bounds = array<i64: 8>, scalar_prefetch = 0 : i64, scratch_operands = 0 : i64, tpu.core_type = #tpu.core_type<tc>, window_params = [{transform_indices = @transform_0, window_bounds = array<i64: 448, 512>}, {pipeline_mode = #tpu.pipeline_mode<synchronous>, transform_indices = @transform_1, window_bounds = array<i64: 2, 448, 448>}, {pipeline_mode = #tpu.pipeline_mode<synchronous>, transform_indices = @transform_2, window_bounds = array<i64: 2, 448, 1>}, {pipeline_mode = #tpu.pipeline_mode<synchronous>, transform_indices = @transform_3, window_bounds = array<i64: 32, 448>}, {pipeline_mode = #tpu.pipeline_mode<synchronous>, transform_indices = @transform_4, window_bounds = array<i64: 32, 1>}, {pipeline_mode = #tpu.pipeline_mode<synchronous>, transform_indices = @transform_5, window_bounds = array<i64: 32, 32>}, {pipeline_mode = #tpu.pipeline_mode<synchronous>, transform_indices = @transform_6, window_bounds = array<i64: 32, 1>}, {pipeline_mode = #tpu.pipeline_mode<synchronous>, transform_indices = @transform_7, window_bounds = array<i64: 32, 32>}, {pipeline_mode = #tpu.pipeline_mode<synchronous>, transform_indices = @transform_8, window_bounds = array<i64: 32, 1>}, {pipeline_mode = #tpu.pipeline_mode<synchronous>, transform_indices = @transform_9, window_bounds = array<i64: 16, 32>}, {pipeline_mode = #tpu.pipeline_mode<synchronous>, transform_indices = @transform_10, window_bounds = array<i64: 16, 1>}, {pipeline_mode = #tpu.pipeline_mode<synchronous>, transform_indices = @transform_11, window_bounds = array<i64: 464, 1>}, {transform_indices = @transform_12, window_bounds = array<i64: 512, 1>}]} {
    %get3A = arith.constant 0 : index
    %get3A_0 = arith.constant 0 : index
    %get3A_1 = vector.load %arg1[%get3A, %get3A_0] : memref<448x512xf32, #tpu.memory_space<vmem>>, vector<448x512xf32>
    %get3A_2 = arith.constant 0 : index
    %get3A_3 = arith.constant 0 : index
    %get3A_4 = arith.constant 0 : index
    %get3A_5 = vector.load %arg2[%get3A_2, %get3A_3, %get3A_4] : memref<2x448x448xf32, #tpu.memory_space<vmem>>, vector<1x448x448xf32>
    %get3A_6 = vector.shape_cast %get3A_5 : vector<1x448x448xf32> to vector<448x448xf32>
    %dot_general3A = arith.constant dense<0.000000e+00> : vector<448x512xf32>
    %dot_general3A_7 = tpu.matmul %get3A_6, %get3A_1, %dot_general3A {dimension_numbers = #tpu.dot_dimension_numbers<[1], [0], [0], [1], [0, 0, 1, 1], [], []>, transpose_lhs_hint = false} : vector<448x448xf32>, vector<448x512xf32>, vector<448x512xf32> -> vector<448x512xf32>
    %get3A_8 = arith.constant 0 : index
    %get3A_9 = arith.constant 0 : index
    %get3A_10 = arith.constant 0 : index
    %get3A_11 = vector.load %arg3[%get3A_8, %get3A_9, %get3A_10] : memref<2x448x1xf32, #tpu.memory_space<vmem>>, vector<1x448x1xf32>
    %get3A_12 = vector.shape_cast %get3A_11 : vector<1x448x1xf32> to vector<448x1xf32>
    %add3A = vector.broadcast %get3A_12 : vector<448x1xf32> to vector<448x512xf32>
    %add3A_13 = arith.addf %dot_general3A_7, %add3A : vector<448x512xf32>
    %mul3A = arith.mulf %get3A_1, %add3A_13 : vector<448x512xf32>
    %add3A_14 = arith.addf %mul3A, %get3A_1 : vector<448x512xf32>
    %get3A_15 = arith.constant 1 : index
    %get3A_16 = arith.constant 0 : index
    %get3A_17 = arith.constant 0 : index
    %get3A_18 = vector.load %arg2[%get3A_15, %get3A_16, %get3A_17] : memref<2x448x448xf32, #tpu.memory_space<vmem>>, vector<1x448x448xf32>
    %get3A_19 = vector.shape_cast %get3A_18 : vector<1x448x448xf32> to vector<448x448xf32>
    %dot_general3A_20 = arith.constant dense<0.000000e+00> : vector<448x512xf32>
    %dot_general3A_21 = tpu.matmul %get3A_19, %add3A_14, %dot_general3A_20 {dimension_numbers = #tpu.dot_dimension_numbers<[1], [0], [0], [1], [0, 0, 1, 1], [], []>, transpose_lhs_hint = false} : vector<448x448xf32>, vector<448x512xf32>, vector<448x512xf32> -> vector<448x512xf32>
    %get3A_22 = arith.constant 1 : index
    %get3A_23 = arith.constant 0 : index
    %get3A_24 = arith.constant 0 : index
    %get3A_25 = vector.load %arg3[%get3A_22, %get3A_23, %get3A_24] : memref<2x448x1xf32, #tpu.memory_space<vmem>>, vector<1x448x1xf32>
    %get3A_26 = vector.shape_cast %get3A_25 : vector<1x448x1xf32> to vector<448x1xf32>
    %add3A_27 = vector.broadcast %get3A_26 : vector<448x1xf32> to vector<448x512xf32>
    %add3A_28 = arith.addf %dot_general3A_21, %add3A_27 : vector<448x512xf32>
    %mul3A_29 = arith.mulf %get3A_1, %add3A_28 : vector<448x512xf32>
    %add3A_30 = arith.addf %mul3A_29, %add3A_14 : vector<448x512xf32>
    %get3A_31 = arith.constant 0 : index
    %get3A_32 = arith.constant 0 : index
    %get3A_33 = vector.load %arg4[%get3A_31, %get3A_32] : memref<32x448xf32, #tpu.memory_space<vmem>>, vector<32x448xf32>
    %dot_general3A_34 = arith.constant dense<0.000000e+00> : vector<32x512xf32>
    %dot_general3A_35 = tpu.matmul %get3A_33, %get3A_1, %dot_general3A_34 {dimension_numbers = #tpu.dot_dimension_numbers<[1], [0], [0], [1], [0, 0, 1, 1], [], []>, transpose_lhs_hint = false} : vector<32x448xf32>, vector<448x512xf32>, vector<32x512xf32> -> vector<32x512xf32>
    %get3A_36 = arith.constant 0 : index
    %get3A_37 = arith.constant 0 : index
    %get3A_38 = vector.load %arg5[%get3A_36, %get3A_37] : memref<32x1xf32, #tpu.memory_space<vmem>>, vector<32x1xf32>
    %add3A_39 = vector.broadcast %get3A_38 : vector<32x1xf32> to vector<32x512xf32>
    %add3A_40 = arith.addf %dot_general3A_35, %add3A_39 : vector<32x512xf32>
    %max3A = arith.constant 0.000000e+00 : f32
    %max3A_41 = vector.broadcast %max3A : f32 to vector<32x512xf32>
    %max3A_42 = arith.maximumf %add3A_40, %max3A_41 : vector<32x512xf32>
    %get3A_43 = arith.constant 0 : index
    %get3A_44 = arith.constant 0 : index
    %get3A_45 = vector.load %arg6[%get3A_43, %get3A_44] : memref<32x32xf32, #tpu.memory_space<vmem>>, vector<32x32xf32>
    %dot_general3A_46 = arith.constant dense<0.000000e+00> : vector<32x512xf32>
    %dot_general3A_47 = tpu.matmul %get3A_45, %max3A_42, %dot_general3A_46 {dimension_numbers = #tpu.dot_dimension_numbers<[1], [0], [0], [1], [0, 0, 1, 1], [], []>, transpose_lhs_hint = false} : vector<32x32xf32>, vector<32x512xf32>, vector<32x512xf32> -> vector<32x512xf32>
    %get3A_48 = arith.constant 0 : index
    %get3A_49 = arith.constant 0 : index
    %get3A_50 = vector.load %arg7[%get3A_48, %get3A_49] : memref<32x1xf32, #tpu.memory_space<vmem>>, vector<32x1xf32>
    %add3A_51 = vector.broadcast %get3A_50 : vector<32x1xf32> to vector<32x512xf32>
    %add3A_52 = arith.addf %dot_general3A_47, %add3A_51 : vector<32x512xf32>
    %max3A_53 = arith.constant 0.000000e+00 : f32
    %max3A_54 = vector.broadcast %max3A_53 : f32 to vector<32x512xf32>
    %max3A_55 = arith.maximumf %add3A_52, %max3A_54 : vector<32x512xf32>
    %get3A_56 = arith.constant 0 : index
    %get3A_57 = arith.constant 0 : index
    %get3A_58 = vector.load %arg8[%get3A_56, %get3A_57] : memref<32x32xf32, #tpu.memory_space<vmem>>, vector<32x32xf32>
    %dot_general3A_59 = arith.constant dense<0.000000e+00> : vector<32x512xf32>
    %dot_general3A_60 = tpu.matmul %get3A_58, %max3A_55, %dot_general3A_59 {dimension_numbers = #tpu.dot_dimension_numbers<[1], [0], [0], [1], [0, 0, 1, 1], [], []>, transpose_lhs_hint = false} : vector<32x32xf32>, vector<32x512xf32>, vector<32x512xf32> -> vector<32x512xf32>
    %get3A_61 = arith.constant 0 : index
    %get3A_62 = arith.constant 0 : index
    %get3A_63 = vector.load %arg9[%get3A_61, %get3A_62] : memref<32x1xf32, #tpu.memory_space<vmem>>, vector<32x1xf32>
    %add3A_64 = vector.broadcast %get3A_63 : vector<32x1xf32> to vector<32x512xf32>
    %add3A_65 = arith.addf %dot_general3A_60, %add3A_64 : vector<32x512xf32>
    %max3A_66 = arith.constant 0.000000e+00 : f32
    %max3A_67 = vector.broadcast %max3A_66 : f32 to vector<32x512xf32>
    %max3A_68 = arith.maximumf %add3A_65, %max3A_67 : vector<32x512xf32>
    %get3A_69 = arith.constant 0 : index
    %get3A_70 = arith.constant 0 : index
    %get3A_71 = vector.load %arg10[%get3A_69, %get3A_70] : memref<16x32xf32, #tpu.memory_space<vmem>>, vector<16x32xf32>
    %dot_general3A_72 = arith.constant dense<0.000000e+00> : vector<16x512xf32>
    %dot_general3A_73 = tpu.matmul %get3A_71, %max3A_68, %dot_general3A_72 {dimension_numbers = #tpu.dot_dimension_numbers<[1], [0], [0], [1], [0, 0, 1, 1], [], []>, transpose_lhs_hint = false} : vector<16x32xf32>, vector<32x512xf32>, vector<16x512xf32> -> vector<16x512xf32>
    %get3A_74 = arith.constant 0 : index
    %get3A_75 = arith.constant 0 : index
    %get3A_76 = vector.load %arg11[%get3A_74, %get3A_75] : memref<16x1xf32, #tpu.memory_space<vmem>>, vector<16x1xf32>
    %add3A_77 = vector.broadcast %get3A_76 : vector<16x1xf32> to vector<16x512xf32>
    %add3A_78 = arith.addf %dot_general3A_73, %add3A_77 : vector<16x512xf32>
    %concatenate3A = tpu.concatenate %add3A_30, %add3A_78 in 0 : vector<448x512xf32>, vector<16x512xf32> -> vector<464x512xf32>
    %get3A_79 = arith.constant 0 : index
    %get3A_80 = arith.constant 0 : index
    %get3A_81 = vector.load %arg12[%get3A_79, %get3A_80] : memref<464x1xf32, #tpu.memory_space<vmem>>, vector<464x1xf32>
    %dot_general3A_82 = arith.constant dense<0.000000e+00> : vector<512x1xf32>
    %dot_general3A_83 = tpu.matmul %concatenate3A, %get3A_81, %dot_general3A_82 {dimension_numbers = #tpu.dot_dimension_numbers<[0], [0], [1], [1], [0, 1, 1, 1], [], []>, transpose_lhs_hint = false} : vector<464x512xf32>, vector<464x1xf32>, vector<512x1xf32> -> vector<512x1xf32>
    %neg3A = arith.constant 0.000000e+00 : f32
    %neg3A_84 = vector.broadcast %neg3A : f32 to vector<512x1xf32>
    %neg3A_85 = arith.subf %neg3A_84, %dot_general3A_83 : vector<512x1xf32>
    %exp3A = math.exp %neg3A_85 : vector<512x1xf32>
    %add3A_86 = arith.constant 1.000000e+00 : f32
    %add3A_87 = vector.broadcast %add3A_86 : f32 to vector<512x1xf32>
    %add3A_88 = arith.addf %add3A_87, %exp3A : vector<512x1xf32>
    %div3A = arith.constant 1.000000e+00 : f32
    %div3A_89 = vector.broadcast %div3A : f32 to vector<512x1xf32>
    %div3A_90 = arith.divf %div3A_89, %add3A_88 : vector<512x1xf32>
    %swap3A = arith.constant 0 : index
    %swap3A_91 = arith.constant 0 : index
    %swap3A_92 = vector.load %arg13[%swap3A, %swap3A_91] : memref<512x1xf32, #tpu.memory_space<vmem>>, vector<512x1xf32>
    tpu.vector_store %arg13[%swap3A, %swap3A_91], %div3A_90 {strides = array<i32>} : memref<512x1xf32, #tpu.memory_space<vmem>>, vector<512x1xf32>,
    return
  }
  func.func @transform_0(%arg0: i32) -> (i32, i32) {
    %c0_i32 = arith.constant 0 : i32
    %c0_i32_0 = arith.constant 0 : i32
    return %c0_i32, %arg0 : i32, i32
  }
  func.func @transform_1(%arg0: i32) -> (i32, i32, i32) {
    %c0_i32 = arith.constant 0 : i32
    %c0_i32_0 = arith.constant 0 : i32
    %c0_i32_1 = arith.constant 0 : i32
    %c0_i32_2 = arith.constant 0 : i32
    return %c0_i32, %c0_i32_0, %c0_i32_1 : i32, i32, i32
  }
  func.func @transform_2(%arg0: i32) -> (i32, i32, i32) {
    %c0_i32 = arith.constant 0 : i32
    %c0_i32_0 = arith.constant 0 : i32
    %c0_i32_1 = arith.constant 0 : i32
    %c0_i32_2 = arith.constant 0 : i32
    return %c0_i32, %c0_i32_0, %c0_i32_1 : i32, i32, i32
  }
  func.func @transform_3(%arg0: i32) -> (i32, i32) {
    %c0_i32 = arith.constant 0 : i32
    %c0_i32_0 = arith.constant 0 : i32
    %c0_i32_1 = arith.constant 0 : i32
    return %c0_i32, %c0_i32_0 : i32, i32
  }
  func.func @transform_4(%arg0: i32) -> (i32, i32) {
    %c0_i32 = arith.constant 0 : i32
    %c0_i32_0 = arith.constant 0 : i32
    %c0_i32_1 = arith.constant 0 : i32
    return %c0_i32, %c0_i32_0 : i32, i32
  }
  func.func @transform_5(%arg0: i32) -> (i32, i32) {
    %c0_i32 = arith.constant 0 : i32
    %c0_i32_0 = arith.constant 0 : i32
    %c0_i32_1 = arith.constant 0 : i32
    return %c0_i32, %c0_i32_0 : i32, i32
  }
  func.func @transform_6(%arg0: i32) -> (i32, i32) {
    %c0_i32 = arith.constant 0 : i32
    %c0_i32_0 = arith.constant 0 : i32
    %c0_i32_1 = arith.constant 0 : i32
    return %c0_i32, %c0_i32_0 : i32, i32
  }
  func.func @transform_7(%arg0: i32) -> (i32, i32) {
    %c0_i32 = arith.constant 0 : i32
    %c0_i32_0 = arith.constant 0 : i32
    %c0_i32_1 = arith.constant 0 : i32
    return %c0_i32, %c0_i32_0 : i32, i32
  }
  func.func @transform_8(%arg0: i32) -> (i32, i32) {
    %c0_i32 = arith.constant 0 : i32
    %c0_i32_0 = arith.constant 0 : i32
    %c0_i32_1 = arith.constant 0 : i32
    return %c0_i32, %c0_i32_0 : i32, i32
  }
  func.func @transform_9(%arg0: i32) -> (i32, i32) {
    %c0_i32 = arith.constant 0 : i32
    %c0_i32_0 = arith.constant 0 : i32
    %c0_i32_1 = arith.constant 0 : i32
    return %c0_i32, %c0_i32_0 : i32, i32
  }
  func.func @transform_10(%arg0: i32) -> (i32, i32) {
    %c0_i32 = arith.constant 0 : i32
    %c0_i32_0 = arith.constant 0 : i32
    %c0_i32_1 = arith.constant 0 : i32
    return %c0_i32, %c0_i32_0 : i32, i32
  }
  func.func @transform_11(%arg0: i32) -> (i32, i32) {
    %c0_i32 = arith.constant 0 : i32
    %c0_i32_0 = arith.constant 0 : i32
    %c0_i32_1 = arith.constant 0 : i32
    return %c0_i32, %c0_i32_0 : i32, i32
  }
  func.func @transform_12(%arg0: i32) -> (i32, i32) {
    %c0_i32 = arith.constant 0 : i32
    %c0_i32_0 = arith.constant 0 : i32
    return %arg0, %c0_i32 : i32, i32
  }
}

</mosaic_0001>

<sc_bundles>
// kernel: kernel.5.cloned.1.call-start
scs
__scs_entry_jumppad:
0x0: {  	(pc) =	sbr.rel $0x88, $3  }
0x1: {  	(tag) =	ssettag $0x0;
	lr =	simm.s32 $0x1  }
0x2: {  	[smem:$0x3F90] =	sst lr;
	_ =	strace $0xD0000000  }
0x3: {  	_ = 	snop  }
0x4: {  	_ = 	snop  }
0x5: {  	_ = 	snop  }
0x6: {  	_ = 	snop  }
0x7: {  	_ = 	snop  }
__scs_overlays_trampoline_lowered:
0x8: {  	[smem:$0x3F9F] =	sst s0  }
0x9: {  	[smem:$0x3FA0] =	sst s1  }
0xa: {  	[smem:$0x3FA1] =	sst s2  }
0xb: {  	[smem:$0x3FA2] =	sst s3  }
0xc: {  	[smem:$0x3FA3] =	sst s4  }
0xd: {  	[smem:$0x3FA4] =	sst s5  }
0xe: {  	[smem:$0x3FA5] =	sst s6  }
0xf: {  	[smem:$0x3FA6] =	sst s7  }
0x10: {  	[smem:$0x3FA7] =	sst s8  }
0x11: {  	[smem:$0x3FA8] =	sst s9;
	s0 =	simm.s32 @!p0 $0x0  }
0x12: {  	s1 =	sld [smem:$0x3F8E];
	s0 =	simm.s32 @p0 $0x1  }
0x13: {  	[smem:$0x3FA9] =	sst s0;
	s0 =	simm.s32 @!p1 $0x0  }
0x14: {  	s2 =	sld [smem:$0x3F8D];
	s0 =	simm.s32 @p1 $0x1  }
0x15: {  	[smem:$0x3FAA] =	sst s0;
	s0 =	simm.s32 @!p2 $0x0  }
0x16: {  	s3 =	sld [smem:$0x3FDB];
	s0 =	simm.s32 @p2 $0x1  }
0x17: {  	s4 =	simm.s32 $0x1BF5;
	[smem:$0x3FAC] =	sst s0  }
0x18: {  	s0 =	sld [smem:$0x3F8F];
	_ =	swait.ge [sflag:s4], $0x0  }
0x19: {  	s7 =	sld [smem:$0x3F90]  }
0x1a: {  	s8 =	sadd.s32 $0xFFFFE003, lr  }
0x1b: {  	s9 =	sadd.s32 $0xFFFFFEF7, lr;
	s5 =	simm.s32 $0xFFFFFFFF;
	p2 =	slt.u32 s8, $0xFFFFF086  }
0x1c: {  	p1 =	slt.u32 s9, $0xF7A;
	s5 =	simm.s32 @!p2 $0x0  }
0x1d: {  	s5 =	simm.s32 @p1 $0x1;
	p0 =	seq.s32 s7, s2  }
0x1e: {  	s7 =	smul.u32 @!p0 $0xF7A, s2;
	p2 =	seq.s32 @!p0 s5, $0x0  }
0x1f: {  	s9 =	smul.u32 $0xF7A, s1;
	s8 =	simm.s32 @!p0 $0x1BF5;
	p2 =	por !p2, p0  }
0x20: {  	[sflag:s8] =	ssyncset.s32 @!p0 $0xFFFFF086;
	s6 =	sadd.s32 @!p0 s3, s7;
	s7 =	simm.s32 @!p0 $0x108  }
0x21: {  	s3 =	sadd.s32 s3, s9;
	s6 =	sadd.s32 @!p0 $0x88, s6;
	s7 =	simm.s32 @p2 $0x1082  }
0x22: {  	[simem:s7], [sflag:s8] =	dma.local @!p0 [hbm:s6], $0xF7A  }
0x23: {  	s9 =	sor.u32 $0xD0000000, s2;
	s6 =	simm.s32 $0x108;
	_ =	swait.ge @!p0 [sflag:s8], $0x0  }
0x24: {  	s3 =	sadd.s32 $0x88, s3;
	s6 =	simm.s32 @!p1 $0x1082;
	[sflag:s4] =	ssyncset.s32 $0xFFFFF086  }
0x25: {  	[simem:s6], [sflag:s4] =	dma.local [hbm:s3], $0xF7A  }
0x26: {  	[smem:$0x3F90] =	sst s1;
	(tag) =	ssettag s2;
	_ =	strace s9  }
0x27: {  	s1 =	sld [smem:$0x3FA0]  }
0x28: {  	s2 =	sld [smem:$0x3FA1]  }
0x29: {  	s4 =	sld [smem:$0x3FA3]  }
0x2a: {  	p0 =	seq.s32 s5, $0x0;
	s5 =	sld [smem:$0x3FA4]  }
0x2b: {  	s6 =	sld [smem:$0x3FA5]  }
0x2c: {  	s7 =	sld [smem:$0x3FA6]  }
0x2d: {  	s3 =	simm.s32 $0x108;
	s8 =	sld [smem:$0x3FA7]  }
0x2e: {  	s3 =	simm.s32 @!p0 $0x1082;
	s9 =	sld [smem:$0x3FA8]  }
0x2f: {  	lr =	sadd.s32 s0, s3;
	s0 =	sld [smem:$0x3F9F]  }
0x30: {  	s3 =	sld [smem:$0x3FA2]  }
0x31: {  	[smem:$0x3FAB] =	sst s10  }
0x32: {  	s10 =	sld [smem:$0x3FA9];
	_ =	sdelay $0x3  }
0x33: {  	p0 =	seq.s32 s10, $0x1;
	s10 =	sld [smem:$0x3FAB];
	_ =	sdelay $0x3  }
0x34: {  	[smem:$0x3FAB] =	sst s10  }
0x35: {  	s10 =	sld [smem:$0x3FAA];
	_ =	sdelay $0x3  }
0x36: {  	p1 =	seq.s32 s10, $0x1;
	s10 =	sld [smem:$0x3FAB];
	_ =	sdelay $0x3  }
0x37: {  	[smem:$0x3FAB] =	sst s10  }
0x38: {  	s10 =	sld [smem:$0x3FAC]  }
0x39: {  	_ = 	snop;
	(pc) =	sbr.ind lr, $3  }
0x3a: {  	_ = 	snop  }
0x3b: {  	_ = 	snop  }
0x3c: {  	p2 =	seq.s32 s10, $0x1;
	s10 =	sld [smem:$0x3FAB]  }
0x3d: {  	_ =	shalt  }
0x3e: {  	_ =	shalt  }
0x3f: {  	_ =	shalt  }
0x40: {  	_ =	shalt  }
0x41: {  	_ =	shalt  }
0x42: {  	_ =	shalt  }
0x43: {  	_ =	shalt  }
0x44: {  	_ =	shalt  }
0x45: {  	_ =	shalt  }
0x46: {  	_ =	shalt  }
0x47: {  	_ =	shalt  }
0x48: {  	_ =	shalt  }
0x49: {  	_ =	shalt  }
0x4a: {  	_ =	shalt  }
0x4b: {  	_ =	shalt  }
0x4c: {  	_ =	shalt  }
0x4d: {  	_ =	shalt  }
0x4e: {  	_ =	shalt  }
0x4f: {  	_ =	shalt  }
0x50: {  	_ =	shalt  }
0x51: {  	_ =	shalt  }
0x52: {  	_ =	shalt  }
0x53: {  	_ =	shalt  }
0x54: {  	_ =	shalt  }
0x55: {  	_ =	shalt  }
0x56: {  	_ =	shalt  }
0x57: {  	_ =	shalt  }
0x58: {  	_ =	shalt  }
0x59: {  	_ =	shalt  }
0x5a: {  	_ =	shalt  }
0x5b: {  	_ =	shalt  }
0x5c: {  	_ =	shalt  }
0x5d: {  	_ =	shalt  }
0x5e: {  	_ =	shalt  }
0x5f: {  	_ =	shalt  }
0x60: {  	_ =	shalt  }
0x61: {  	_ =	shalt  }
0x62: {  	_ =	shalt  }
0x63: {  	_ =	shalt  }
0x64: {  	_ =	shalt  }
0x65: {  	_ =	shalt  }
0x66: {  	_ =	shalt  }
0x67: {  	_ =	shalt  }
0x68: {  	_ =	shalt  }
0x69: {  	_ =	shalt  }
0x6a: {  	_ =	shalt  }
0x6b: {  	_ =	shalt  }
0x6c: {  	_ =	shalt  }
0x6d: {  	_ =	shalt  }
0x6e: {  	_ =	shalt  }
0x6f: {  	_ =	shalt  }
0x70: {  	_ =	shalt  }
0x71: {  	_ =	shalt  }
0x72: {  	_ =	shalt  }
0x73: {  	_ =	shalt  }
0x74: {  	_ =	shalt  }
0x75: {  	_ =	shalt  }
0x76: {  	_ =	shalt  }
0x77: {  	_ =	shalt  }
0x78: {  	_ =	shalt  }
0x79: {  	_ =	shalt  }
0x7a: {  	_ =	shalt  }
0x7b: {  	_ =	shalt  }
0x7c: {  	_ =	shalt  }
0x7d: {  	_ =	shalt  }
0x7e: {  	_ =	shalt  }
0x7f: {  	_ =	shalt  }
0x80: {  	_ =	shalt  }
0x81: {  	_ =	shalt  }
0x82: {  	_ =	shalt  }
0x83: {  	_ =	shalt  }
0x84: {  	_ =	shalt  }
0x85: {  	_ =	shalt  }
0x86: {  	_ =	shalt  }
0x87: {  	_ =	shalt  }
.Lfunc_end0:
.L_simem_size_0:
called_computation_lowered:
.L_overlay_start_0:
0x88: {  	s2 =	sld [smem:$0x3FD9]  }
0x89: {  	s3 =	sld [smem:$0x3FFE];
	_ =	sdelay $0x1  }
0x8a: {  	s1 =	srdreg.scid  }
0x8b: {  	s0 =	sand.u32 $0x1, s1  }
0x8c: {  	s17 =	sshll.u32 s0, $0xA;
	s2 =	sadd.s32 s3, s2  }
0x8d: {  	s2 =	sadd.s32 s2, s17  }
0x8e: {  	[smem:$0x3FB7] =	sst s2  }
0x8f: {  	_ = 	snop  }
0x90: {  	s2 =	sld [smem:$0x3FC6]  }
0x91: {  	s18 =	sld [smem:$0x3FC5]  }
0x92: {  	s4 =	sld [smem:$0x3FD0];
	(tm) =	ssettm $0x1  }
0x93: {  	s5 =	sld [smem:$0x3FFB];
	_ =	sdelay $0x3  }
0x94: {  	_ =	strace s5  }
0x95: {  	s5 =	sld [smem:$0x3FFC];
	_ =	sdelay $0x3  }
0x96: {  	_ =	strace s5  }
0x97: {  	s5 =	sld [smem:$0x3FFD];
	_ =	sdelay $0x3  }
0x98: {  	_ =	strace s5  }
0x99: {  	_ =	strace $0x8FFFFFFF  }
0x9a: {  	s19 =	sld [smem:$0x3FDB];
	_ =	sdelay $0x1  }
0x9b: {  	s6 =	simm.s32 $_scs_section_size  }
0x9c: {  	s7 =	simm.s32 $_size__tile_overlayer_lowered;
	s8 =	simm.s32 $_tile_overlayer_lowered  }
0x9d: {  	s22 =	simm.s32 $0x1BFF;
	s21 =	sshll.u32 s8, $0x1;
	s5 =	sadd.s32 s6, s19  }
0x9e: {  	s9 =	simm.s32 $0x0;
	s20 =	sshll.u32 s7, $0x1;
	s7 =	sadd.s32 s21, s5  }
0x9f: {  	[timem:s9], [sflag:s22] =	dma.local [hbm:s7], s20  }
0xa0: {  	_ =	swait.ge [sflag:s22], s20  }
0xa1: {  	s6 =	ssub.s32 $0x0, s20;
	[sflag:s22] =	ssyncset.done $0x0  }
0xa2: {  	[sflag:s22] =	ssyncadd.s32 s6;
	_ =	sdelay $0x1  }
0xa3: {  	s23 =	simm.s32 $0x1B8B  }
0xa4: {  	_ =	swait.ge [sflag:s23], $0x1  }
0xa5: {  	[sflag:s23] =	ssyncset.done $0x0  }
0xa6: {  	s25 =	simm.s32 $0x1B8E;
	s24 =	sld [smem:$0x3FFE];
	[sflag:s23] =	ssyncadd.s32 $0xFFFFFFFF  }
0xa7: {  	s26 =	simm.s32 $execute0_lowered;
	[smem:$0x3FD2] =	sst s25  }
0xa8: {  	s7 =	sshll.u32 s26, $0x1;
	_ =	strace $0x80000046;
	[dreg:$0x1] =	wrdreg $0xFFFFFFFF  }
0xa9: {  	s28 =	simm.s32 $_size_execute0_lowered;
	s5 =	sadd.s32 s5, s7;
	[dreg:$0x0] =	wrdreg $0x0  }
0xaa: {  	s7 =	sshll.u32 s28, $0x1;
	[dreg:$0x2] =	wrdreg s5  }
0xab: {  	[dreg:$0x3] =	wrdreg s7  }
0xac: {  	[dreg:$0x4] =	wrdreg $0xC0  }
0xad: {  	_ =	task [dreg:s9], $0x5FFFF  }
0xae: {  	[dreg:$0x1] =	wrdreg $0xFFFFFFFF  }
0xaf: {  	[dreg:$0x0] =	wrdreg $0x60  }
0xb0: {  	[dreg:$0x2] =	wrdreg s2  }
0xb1: {  	[dreg:$0x3] =	wrdreg s18  }
0xb2: {  	[dreg:$0x4] =	wrdreg s4  }
0xb3: {  	[dreg:$0x5] =	wrdreg s24  }
0xb4: {  	[dreg:$0x6] =	wrdreg $0x9  }
0xb5: {  	_ =	task.clear_ibuf [dreg:s9], $0x7FFFF;
	_ =	strace $0x90000046  }
0xb6: {  	s29 =	simm.s32 $0x9;
	_ =	strace $0x80000048  }
0xb7: {  	_ =	swait.ge [sflag:s29], $0x1  }
0xb8: {  	[sflag:s29] =	ssyncadd.s32 $0xFFFFFFFF  }
0xb9: {  	_ =	strace $0x90000048  }
0xba: {  	_ =	sfence  }
0xbb: {  	s30 =	sld [smem:$0x0];
	_ =	sdelay $0x2  }
0xbc: {  	s31 =	sshll.u32 s1, $0xD;
	s1 =	sshrl.u32 s1, $0x2  }
0xbd: {  	s3 =	sand.u32 $0x4000, s31;
	s1 =	sadd.s32 s1, s30  }
0xbe: {  	s0 =	sor.u32 s3, s0;
	s1 =	sshll.u32 s1, $0x11  }
0xbf: {  	s0 =	sor.u32 s1, s0  }
0xc0: {  	s0 =	sadd.s32 $0x8F2B, s0  }
0xc1: {  	[sflag:s0] =	ssyncadd.remote.s32 $0x1  }
0xc2: {  	_ =	sfence.sel $0xFFFF  }
0xc3: {  	[dreg:$0x0] =	wrdreg $0xFFFFFFFF;
	(pc) =	sbr.abs _section_cstart, $3  }
0xc4: {  	[dreg:$0x1] =	wrdreg $0xFFFFFFFF  }
0xc5: {  	_ =	task.clear_ibuf [dreg:s9], $0x2FFFF;
	_ =	strace $0x9FFFFFFF  }
0xc6: {  	(tm) =	ssettm $0x7FFFFFFF  }
0xc7: {  	_ =	shalt  }
tec
execute0_lowered:
.L_overlay_start_1:
0x0: {  	(tag) =	ssettag $0x1  }
0x1: {  	s14 =	rddreg [dreg:$0x0]  }
0x2: {  	s0 =	rddreg [dreg:$0x3];
	s4 =	simm.s32 $0x0  }
0x3: {  	s1 =	srdreg.scid;
	s9 =	stileid.u32;
	s28 =	simm.s32 $0x3  }
0x4: {  	s29 =	simm.s32 $0x400;
	s30 =	simm.s32 $0x800;
	s31 =	simm.s32 $0xC00  }
0x5: {  	s10 =	simm.s32 $0x1C00;
	[smem:$0x7FF] =	sst s4;
	s1 =	sand.u32 $0x1, s1  }
0x6: {  	s3 =	sadd.s32 $0x2400, s0;
	s7 =	sadd.s32 $0x2600, s0;
	s8 =	sadd.s32 $0x1EAC00, s0  }
0x7: {  	s13 =	sshll.u32 s9, $0x1;
	s5 =	sshll.u32 s9, $0xE;
	s22 =	sshll.u32 s9, $0xB  }
0x8: {  	s23 =	sadd.s32 $0x2980, s0;
	s24 =	sadd.s32 $0x2900, s0;
	s25 =	sadd.s32 $0x2880, s0  }
0x9: {  	s26 =	sadd.s32 $0x2800, s0;
	s15 =	sadd.s32 $0x2780, s0;
	s16 =	sadd.s32 $0x2700, s0  }
0xa: {  	s17 =	sadd.s32 $0x2680, s0;
	_ =	strace $0x80000047;
	[dreg:$0x5] =	wrdreg s3  }
0xb: {  	s20 =	sadd.s32 $0x1EAF00, s0;
	s21 =	sadd.s32 $0x1EAE80, s0;
	[dreg:$0x8] =	wrdreg s23  }
0xc: {  	s9 =	simm.s32 $0x1800;
	s2 =	ssub.s32 $0x2, s1;
	[dreg:$0x9] =	wrdreg s24  }
0xd: {  	s6 =	sshll.u32 s1, $0xD;
	s19 =	sshll.u32 s1, $0xA;
	[dreg:$0xa] =	wrdreg s25  }
0xe: {  	[dreg:$0xb] =	wrdreg s26;
	s23 =	sadd.s32 $0x1EAE00, s0;
	s24 =	sadd.s32 $0x1EAD80, s0  }
0xf: {  	s1 =	sor.u32 s1, s13;
	s25 =	sadd.s32 $0x1EAD00, s0;
	s26 =	sadd.s32 $0x1EAC80, s0  }
.Ltmp0:
0x10: {  	s3 =	simm.s32 $0x2;
	s12 =	sshrl.u32 s2, $0x1;
	(pc) =	sbr.rel .LBB2_1-.Ltmp0, $4  }
0x11: {  	s18 =	sor.u32 s6, s5;
	[dreg:$0xc] =	wrdreg s1;
	s22 =	sor.u32 s19, s22  }
0x12: {  	s5 =	simm.s32 $0x1400;
	s19 =	simm.s32 $0x1;
	s2 =	ssub.s32 s2, s12  }
0x13: {  	[dreg:$0x7] =	wrdreg s18;
	s18 =	sadd.s32 $0x1EAF80, s0;
	s2 =	smax.u32 s2, $0x1  }
0x14: {  	s0 =	simm.s32 $0x1000;
	[dreg:$0x6] =	wrdreg s2;
	s2 =	simm.s32 $0x0  }
.LBB2_13:
0x15: {  	s2 =	rddreg [dreg:$0xd]  }
0x16: {  	s1 =	rddreg [dreg:$0x6];
	s2 =	sadd.s32 $0x1, s2  }
0x17: {  	p0 =	sne.s32 s2, s1  }
.Ltmp1:
0x18: {  	_ = 	snop;
	(pc) =	sbr.rel @!p0 .LBB2_14-.Ltmp1, $1  }
0x19: {  	_ =	sdelay $0x3  }
.LBB2_1:
.Ltmp2:
0x1a: {  	(pc) =	sbr.rel .LBB2_2-.Ltmp2, $4  }
0x1b: {  	_ = 	snop  }
0x1c: {  	[dreg:$0xd] =	wrdreg s2  }
0x1d: {  	s6 =	rddreg [dreg:$0xc]  }
0x1e: {  	s1 =	rddreg [dreg:$0x7];
	s2 =	simm.s32 $0x0  }
.LBB2_3:
0x1f: {  	s11 =	smul.u32 $0xC00, s12;
	_ =	sdelay $0x1  }
0x20: {  	s11 =	ssub.s32 s1, s11  }
0x21: {  	s11 =	sshrl.u32 s11, $0x3  }
0x22: {  	s12 =	smul.u32 $0x180, s12;
	s11 =	sadd.s32 s14, s11  }
0x23: {  	[tilespmem:s4], [sflag:$0x3] =	stream.linear.gather [hbm4b:s11+s4], $0x2000, $0x38;
	[tilespmem:$0x2600] =	vst v63  }
0x24: {  	_ =	swait.ge [sflag:s28], $0x2000  }
0x25: {  	s13 =	sadd.s32 s2, s22;
	s11 =	ssub.s32 s7, s12;
	[sflag:s28] =	ssyncset.done $0x0  }
0x26: {  	s11 =	sadd.s32 s11, s13;
	[sflag:s28] =	ssyncadd.s32 $0xFFFFE000  }
0x27: {  	[hbm4b:s11+s4] =	stream.linear.scatter [tilespmem:s4], [sflag:$0x1], $0x400, $0x38;
	[tilespmem:$0x2600] =	vst v63  }
0x28: {  	s11 =	ssub.s32 s17, s12  }
0x29: {  	s11 =	sadd.s32 s11, s13  }
0x2a: {  	[hbm4b:s11+s4] =	stream.linear.scatter [tilespmem:s29], [sflag:$0x1], $0x400, $0x38;
	[tilespmem:$0x2600] =	vst v63  }
0x2b: {  	s11 =	ssub.s32 s16, s12  }
0x2c: {  	s11 =	sadd.s32 s11, s13  }
0x2d: {  	[hbm4b:s11+s4] =	stream.linear.scatter [tilespmem:s30], [sflag:$0x1], $0x400, $0x38;
	[tilespmem:$0x2600] =	vst v63  }
0x2e: {  	s11 =	ssub.s32 s15, s12  }
0x2f: {  	s11 =	sadd.s32 s11, s13  }
0x30: {  	[hbm4b:s11+s4] =	stream.linear.scatter [tilespmem:s31], [sflag:$0x1], $0x400, $0x38;
	[tilespmem:$0x2600] =	vst v63  }
0x31: {  	s11 =	rddreg [dreg:$0xb]  }
0x32: {  	s11 =	ssub.s32 s11, s12  }
0x33: {  	s11 =	sadd.s32 s11, s13  }
0x34: {  	[hbm4b:s11+s4] =	stream.linear.scatter [tilespmem:s0], [sflag:$0x1], $0x400, $0x38;
	[tilespmem:$0x2600] =	vst v63  }
0x35: {  	s11 =	rddreg [dreg:$0xa]  }
0x36: {  	s11 =	ssub.s32 s11, s12  }
0x37: {  	s11 =	sadd.s32 s11, s13  }
0x38: {  	[hbm4b:s11+s4] =	stream.linear.scatter [tilespmem:s5], [sflag:$0x1], $0x400, $0x38;
	[tilespmem:$0x2600] =	vst v63  }
0x39: {  	s11 =	rddreg [dreg:$0x9]  }
0x3a: {  	s11 =	ssub.s32 s11, s12  }
0x3b: {  	s11 =	sadd.s32 s11, s13  }
0x3c: {  	[hbm4b:s11+s4] =	stream.linear.scatter [tilespmem:s9], [sflag:$0x1], $0x400, $0x38;
	[tilespmem:$0x2600] =	vst v63  }
0x3d: {  	s11 =	rddreg [dreg:$0x8]  }
0x3e: {  	s11 =	ssub.s32 s11, s12  }
0x3f: {  	s11 =	sadd.s32 s11, s13  }
0x40: {  	[hbm4b:s11+s4] =	stream.linear.scatter [tilespmem:s10], [sflag:$0x1], $0x400, $0x38;
	[tilespmem:$0x2600] =	vst v63  }
0x41: {  	_ =	swait.ge [sflag:s19], $0x2000  }
0x42: {  	[sflag:s19] =	ssyncset.done $0x0  }
0x43: {  	[sflag:s19] =	ssyncadd.s32 $0xFFFFE000  }
.LBB2_6:
0x44: {  	s2 =	sadd.s32 $0x8000, s2  }
0x45: {  	p0 =	sne.s32 s2, $0x1F0000  }
.Ltmp3:
0x46: {  	_ = 	snop;
	(pc) =	sbr.rel @!p0 .LBB2_7-.Ltmp3, $2  }
0x47: {  	_ =	sdelay $0x2  }
0x48: {  	s1 =	sadd.s32 $0x40000, s1;
	s6 =	sadd.s32 $0x20, s6  }
.LBB2_2:
0x49: {  	s11 =	smulhi.u32 $0xC50B447, s6;
	_ =	sdelay $0x1  }
0x4a: {  	s12 =	ssub.s32 s6, s11  }
0x4b: {  	s12 =	sshrl.u32 s12, $0x1  }
0x4c: {  	s11 =	sadd.s32 s11, s12  }
0x4d: {  	s12 =	sshrl.u32 s11, $0x9  }
0x4e: {  	s11 =	smul.u32 $0xFFFFFC2F, s12;
	_ =	sdelay $0x1  }
0x4f: {  	p0 =	sgt.u32 s6, $0x7A1;
	s11 =	sadd.s32 s11, s6  }
0x50: {  	p1 =	sgt.u32 @!p0 s11, $0x3CF  }
0x51: {  	p1 =	por p0, p1  }
.Ltmp4:
0x52: {  	_ = 	snop;
	(pc) =	sbr.rel @!p1 .LBB2_3-.Ltmp4, $1  }
0x53: {  	_ =	sdelay $0x3  }
0x54: {  	s11 =	sadd.s32 $0xFFFFFC30, s11  }
0x55: {  	p1 =	sne.s32 @!p0 s11, $0x0  }
0x56: {  	p0 =	por p0, p1  }
.Ltmp5:
0x57: {  	_ = 	snop;
	(pc) =	sbr.rel @p0 .LBB2_6-.Ltmp5, $1  }
0x58: {  	_ =	sdelay $0x3  }
0x59: {  	s11 =	smul.u32 $0x7A1400, s12;
	_ =	sdelay $0x1  }
0x5a: {  	s11 =	sshrl.u32 s11, $0x3  }
0x5b: {  	s14 =	rddreg [dreg:$0x0];
	s13 =	sadd.s32 $0xF4000, s11  }
0x5c: {  	s14 =	sadd.s32 s14, s13  }
0x5d: {  	[tilespmem:s4], [sflag:$0x3] =	stream.linear.gather [hbm4b:s14+s4], $0x1000, $0x38;
	[tilespmem:$0x2600] =	vst v63  }
0x5e: {  	s14 =	rddreg [dreg:$0x0];
	_ =	swait.ge [sflag:s28], $0x1000  }
0x5f: {  	[sflag:s28] =	ssyncset.done $0x0  }
0x60: {  	s11 =	sadd.s32 s7, s11;
	s13 =	sadd.s32 s7, s13;
	[sflag:s28] =	ssyncadd.s32 $0xFFFFF000  }
0x61: {  	[hbm4b:s13+s4] =	stream.linear.scatter [tilespmem:s4], [sflag:$0x2], $0x400, $0x38;
	[tilespmem:$0x2600] =	vst v63  }
0x62: {  	s13 =	sadd.s32 $0xF4080, s11  }
0x63: {  	[hbm4b:s13+s4] =	stream.linear.scatter [tilespmem:s29], [sflag:$0x2], $0x400, $0x38;
	[tilespmem:$0x2600] =	vst v63  }
0x64: {  	s13 =	sadd.s32 $0xF4100, s11  }
0x65: {  	[hbm4b:s13+s4] =	stream.linear.scatter [tilespmem:s30], [sflag:$0x2], $0x400, $0x38;
	[tilespmem:$0x2600] =	vst v63  }
0x66: {  	s13 =	sadd.s32 $0xF4180, s11  }
0x67: {  	[hbm4b:s13+s4] =	stream.linear.scatter [tilespmem:s31], [sflag:$0x2], $0x400, $0x38;
	[tilespmem:$0x2600] =	vst v63  }
0x68: {  	s12 =	sshll.u32 s12, $0x6;
	s13 =	rddreg [dreg:$0x2]  }
0x69: {  	s12 =	sadd.s32 s13, s12;
	s13 =	simm.s32 $0x2000  }
0x6a: {  	[tilespmem:s13], [sflag:$0x3] =	stream.linear.gather [hbm4b:s12+s4], $0x200, $0x38;
	[tilespmem:$0x2600] =	vst v63  }
0x6b: {  	_ =	swait.ge [sflag:s28], $0x200  }
0x6c: {  	[sflag:s28] =	ssyncset.done $0x0  }
0x6d: {  	[sflag:s28] =	ssyncadd.s32 $0xFFFFFE00  }
0x6e: {  	v0 =	vld [tilespmem:$0x2000]  }
0x6f: {  	v1 =	vld [tilespmem:$0x2010]  }
0x70: {  	v2 =	vld [tilespmem:$0x2020]  }
0x71: {  	v3 =	vld [tilespmem:$0x2030]  }
0x72: {  	v4 =	vld [tilespmem:$0x2040]  }
0x73: {  	v37 =	vld [tilespmem:$0x2050];
	[tilespmem:$0x2200] =	vst v0  }
0x74: {  	v38 =	vld [tilespmem:$0x2060];
	[tilespmem:$0x2210] =	vst v1  }
0x75: {  	v39 =	vld [tilespmem:$0x2070];
	[tilespmem:$0x2220] =	vst v2  }
0x76: {  	v40 =	vld [tilespmem:$0x2080];
	[tilespmem:$0x2230] =	vst v3  }
0x77: {  	v41 =	vld [tilespmem:$0x2090];
	[tilespmem:$0x2280] =	vst v4  }
0x78: {  	v42 =	vld [tilespmem:$0x20A0];
	[tilespmem:$0x2290] =	vst v37  }
0x79: {  	v43 =	vld [tilespmem:$0x20B0];
	[tilespmem:$0x22A0] =	vst v38  }
0x7a: {  	v44 =	vld [tilespmem:$0x20C0];
	[tilespmem:$0x22B0] =	vst v39  }
0x7b: {  	v45 =	vld [tilespmem:$0x20D0];
	[tilespmem:$0x2300] =	vst v40  }
0x7c: {  	v46 =	vld [tilespmem:$0x20E0];
	[tilespmem:$0x2310] =	vst v41  }
0x7d: {  	v47 =	vld [tilespmem:$0x20F0];
	[tilespmem:$0x2320] =	vst v42  }
0x7e: {  	v48 =	vld [tilespmem:$0x2100];
	[tilespmem:$0x2330] =	vst v43  }
0x7f: {  	v49 =	vld [tilespmem:$0x2110];
	[tilespmem:$0x2380] =	vst v44  }
0x80: {  	v50 =	vld [tilespmem:$0x2120];
	[tilespmem:$0x2390] =	vst v45  }
0x81: {  	v51 =	vld [tilespmem:$0x2130];
	[tilespmem:$0x23A0] =	vst v46  }
0x82: {  	v52 =	vld [tilespmem:$0x2140];
	[tilespmem:$0x23B0] =	vst v47  }
0x83: {  	v53 =	vld [tilespmem:$0x2150];
	[tilespmem:$0x2400] =	vst v48  }
0x84: {  	v54 =	vld [tilespmem:$0x2160];
	[tilespmem:$0x2410] =	vst v49  }
0x85: {  	v55 =	vld [tilespmem:$0x2170];
	[tilespmem:$0x2420] =	vst v50  }
0x86: {  	v56 =	vld [tilespmem:$0x2180];
	[tilespmem:$0x2430] =	vst v51  }
0x87: {  	v57 =	vld [tilespmem:$0x2190];
	[tilespmem:$0x2480] =	vst v52  }
0x88: {  	v58 =	vld [tilespmem:$0x21A0];
	[tilespmem:$0x2490] =	vst v53  }
0x89: {  	v59 =	vld [tilespmem:$0x21B0];
	[tilespmem:$0x24A0] =	vst v54  }
0x8a: {  	v60 =	vld [tilespmem:$0x21C0];
	[tilespmem:$0x24B0] =	vst v55  }
0x8b: {  	v61 =	vld [tilespmem:$0x21D0];
	[tilespmem:$0x2500] =	vst v56  }
0x8c: {  	v62 =	vld [tilespmem:$0x21E0];
	[tilespmem:$0x2510] =	vst v57  }
0x8d: {  	v63 =	vld [tilespmem:$0x21F0];
	[tilespmem:$0x2520] =	vst v58  }
0x8e: {  	[tilespmem:$0x2530] =	vst v59  }
0x8f: {  	[tilespmem:$0x2580] =	vst v60  }
0x90: {  	[tilespmem:$0x2590] =	vst v61  }
0x91: {  	[tilespmem:$0x25A0] =	vst v62  }
0x92: {  	s11 =	sadd.s32 $0xF4200, s11;
	s13 =	simm.s32 $0x2200;
	[tilespmem:$0x25B0] =	vst v63  }
0x93: {  	[hbm4b:s11+s4] =	stream.linear.scatter [tilespmem:s13], [sflag:$0x2], $0x400, $0x38;
	[tilespmem:$0x2600] =	vst v63  }
0x94: {  	_ =	swait.ge [sflag:s3], $0x1000  }
.Ltmp6:
0x95: {  	[sflag:s3] =	ssyncset.done $0x0;
	(pc) =	sbr.rel .LBB2_6-.Ltmp6, $4  }
0x96: {  	[sflag:s3] =	ssyncadd.s32 $0xFFFFF000  }
0x97: {  	_ =	swait.ge [sflag:s3], $0x400  }
0x98: {  	[sflag:s3] =	ssyncset.done $0x0  }
0x99: {  	[sflag:s3] =	ssyncadd.s32 $0xFFFFFC00  }
.LBB2_7:
.Ltmp7:
0x9a: {  	(pc) =	sbr.rel .LBB2_8-.Ltmp7, $3  }
0x9b: {  	_ =	sdelay $0x1  }
0x9c: {  	s1 =	rddreg [dreg:$0xc]  }
0x9d: {  	s6 =	simm.s32 $0x0;
	s2 =	rddreg [dreg:$0x7]  }
.LBB2_9:
0x9e: {  	s11 =	smul.u32 $0xC00, s12;
	_ =	sdelay $0x1  }
0x9f: {  	s11 =	ssub.s32 s2, s11  }
0xa0: {  	s13 =	rddreg [dreg:$0x1];
	s11 =	sshrl.u32 s11, $0x3  }
0xa1: {  	s12 =	smul.u32 $0x180, s12;
	s11 =	sadd.s32 s13, s11  }
0xa2: {  	[tilespmem:s4], [sflag:$0x3] =	stream.linear.gather [hbm4b:s11+s4], $0x2000, $0x38;
	[tilespmem:$0x2600] =	vst v63  }
0xa3: {  	_ =	swait.ge [sflag:s28], $0x2000  }
0xa4: {  	s13 =	sadd.s32 s6, s22;
	s11 =	ssub.s32 s8, s12;
	[sflag:s28] =	ssyncset.done $0x0  }
0xa5: {  	s11 =	sadd.s32 s11, s13;
	[sflag:s28] =	ssyncadd.s32 $0xFFFFE000  }
0xa6: {  	[hbm4b:s11+s4] =	stream.linear.scatter [tilespmem:s4], [sflag:$0x1], $0x400, $0x38;
	[tilespmem:$0x2600] =	vst v63  }
0xa7: {  	s11 =	ssub.s32 s26, s12  }
0xa8: {  	s11 =	sadd.s32 s11, s13  }
0xa9: {  	[hbm4b:s11+s4] =	stream.linear.scatter [tilespmem:s29], [sflag:$0x1], $0x400, $0x38;
	[tilespmem:$0x2600] =	vst v63  }
0xaa: {  	s11 =	ssub.s32 s25, s12  }
0xab: {  	s11 =	sadd.s32 s11, s13  }
0xac: {  	[hbm4b:s11+s4] =	stream.linear.scatter [tilespmem:s30], [sflag:$0x1], $0x400, $0x38;
	[tilespmem:$0x2600] =	vst v63  }
0xad: {  	s11 =	ssub.s32 s24, s12  }
0xae: {  	s11 =	sadd.s32 s11, s13  }
0xaf: {  	[hbm4b:s11+s4] =	stream.linear.scatter [tilespmem:s31], [sflag:$0x1], $0x400, $0x38;
	[tilespmem:$0x2600] =	vst v63  }
0xb0: {  	s11 =	ssub.s32 s23, s12  }
0xb1: {  	s11 =	sadd.s32 s11, s13  }
0xb2: {  	[hbm4b:s11+s4] =	stream.linear.scatter [tilespmem:s0], [sflag:$0x1], $0x400, $0x38;
	[tilespmem:$0x2600] =	vst v63  }
0xb3: {  	s11 =	ssub.s32 s21, s12  }
0xb4: {  	s11 =	sadd.s32 s11, s13  }
0xb5: {  	[hbm4b:s11+s4] =	stream.linear.scatter [tilespmem:s5], [sflag:$0x1], $0x400, $0x38;
	[tilespmem:$0x2600] =	vst v63  }
0xb6: {  	s11 =	ssub.s32 s20, s12  }
0xb7: {  	s12 =	ssub.s32 s18, s12;
	s11 =	sadd.s32 s11, s13  }
0xb8: {  	[hbm4b:s11+s4] =	stream.linear.scatter [tilespmem:s9], [sflag:$0x1], $0x400, $0x38;
	[tilespmem:$0x2600] =	vst v63  }
0xb9: {  	s11 =	sadd.s32 s12, s13  }
0xba: {  	[hbm4b:s11+s4] =	stream.linear.scatter [tilespmem:s10], [sflag:$0x1], $0x400, $0x38;
	[tilespmem:$0x2600] =	vst v63  }
0xbb: {  	_ =	swait.ge [sflag:s19], $0x2000  }
0xbc: {  	[sflag:s19] =	ssyncset.done $0x0  }
0xbd: {  	[sflag:s19] =	ssyncadd.s32 $0xFFFFE000  }
.LBB2_12:
0xbe: {  	s6 =	sadd.s32 $0x8000, s6  }
0xbf: {  	p0 =	sne.s32 s6, $0x1F0000  }
.Ltmp8:
0xc0: {  	_ = 	snop;
	(pc) =	sbr.rel @!p0 .LBB2_13-.Ltmp8, $2  }
0xc1: {  	_ =	sdelay $0x2  }
0xc2: {  	s2 =	sadd.s32 $0x40000, s2;
	s1 =	sadd.s32 $0x20, s1  }
.LBB2_8:
0xc3: {  	s11 =	smulhi.u32 $0xC50B447, s1;
	_ =	sdelay $0x1  }
0xc4: {  	s12 =	ssub.s32 s1, s11  }
0xc5: {  	s12 =	sshrl.u32 s12, $0x1  }
0xc6: {  	s11 =	sadd.s32 s11, s12  }
0xc7: {  	s12 =	sshrl.u32 s11, $0x9  }
0xc8: {  	s11 =	smul.u32 $0xFFFFFC2F, s12;
	_ =	sdelay $0x1  }
0xc9: {  	p0 =	sgt.u32 s1, $0x7A1;
	s11 =	sadd.s32 s11, s1  }
0xca: {  	p1 =	sgt.u32 @!p0 s11, $0x3CF  }
0xcb: {  	p1 =	por p0, p1  }
.Ltmp9:
0xcc: {  	_ = 	snop;
	(pc) =	sbr.rel @!p1 .LBB2_9-.Ltmp9, $1  }
0xcd: {  	_ =	sdelay $0x3  }
0xce: {  	s11 =	sadd.s32 $0xFFFFFC30, s11  }
0xcf: {  	p1 =	sne.s32 @!p0 s11, $0x0  }
0xd0: {  	p0 =	por p0, p1  }
.Ltmp10:
0xd1: {  	_ = 	snop;
	(pc) =	sbr.rel @p0 .LBB2_12-.Ltmp10, $1  }
0xd2: {  	_ =	sdelay $0x3  }
0xd3: {  	s11 =	smul.u32 $0x7A1400, s12;
	_ =	sdelay $0x1  }
0xd4: {  	s11 =	sshrl.u32 s11, $0x3  }
0xd5: {  	s14 =	rddreg [dreg:$0x1];
	s13 =	sadd.s32 $0xF4000, s11  }
0xd6: {  	s14 =	sadd.s32 s14, s13  }
0xd7: {  	[tilespmem:s4], [sflag:$0x3] =	stream.linear.gather [hbm4b:s14+s4], $0x1000, $0x38;
	[tilespmem:$0x2600] =	vst v63  }
0xd8: {  	s14 =	rddreg [dreg:$0x0];
	_ =	swait.ge [sflag:s28], $0x1000  }
0xd9: {  	[sflag:s28] =	ssyncset.done $0x0  }
0xda: {  	s11 =	sadd.s32 s8, s11;
	s13 =	sadd.s32 s8, s13;
	[sflag:s28] =	ssyncadd.s32 $0xFFFFF000  }
0xdb: {  	[hbm4b:s13+s4] =	stream.linear.scatter [tilespmem:s4], [sflag:$0x2], $0x400, $0x38;
	[tilespmem:$0x2600] =	vst v63  }
0xdc: {  	s13 =	sadd.s32 $0xF4080, s11  }
0xdd: {  	[hbm4b:s13+s4] =	stream.linear.scatter [tilespmem:s29], [sflag:$0x2], $0x400, $0x38;
	[tilespmem:$0x2600] =	vst v63  }
0xde: {  	s13 =	sadd.s32 $0xF4100, s11  }
0xdf: {  	[hbm4b:s13+s4] =	stream.linear.scatter [tilespmem:s30], [sflag:$0x2], $0x400, $0x38;
	[tilespmem:$0x2600] =	vst v63  }
0xe0: {  	s13 =	sadd.s32 $0xF4180, s11  }
0xe1: {  	[hbm4b:s13+s4] =	stream.linear.scatter [tilespmem:s31], [sflag:$0x2], $0x400, $0x38;
	[tilespmem:$0x2600] =	vst v63  }
0xe2: {  	s12 =	sshll.u32 s12, $0x6;
	s13 =	rddreg [dreg:$0x5]  }
0xe3: {  	s12 =	sadd.s32 s13, s12;
	s13 =	simm.s32 $0x2000  }
0xe4: {  	[tilespmem:s13], [sflag:$0x3] =	stream.linear.gather [hbm4b:s12+s4], $0x200, $0x38;
	[tilespmem:$0x2600] =	vst v63  }
0xe5: {  	_ =	swait.ge [sflag:s28], $0x200  }
0xe6: {  	[sflag:s28] =	ssyncset.done $0x0  }
0xe7: {  	[sflag:s28] =	ssyncadd.s32 $0xFFFFFE00  }
0xe8: {  	v0 =	vld [tilespmem:$0x2000]  }
0xe9: {  	v1 =	vld [tilespmem:$0x2010]  }
0xea: {  	v2 =	vld [tilespmem:$0x2020]  }
0xeb: {  	v3 =	vld [tilespmem:$0x2030]  }
0xec: {  	v4 =	vld [tilespmem:$0x2040]  }
0xed: {  	v37 =	vld [tilespmem:$0x2050];
	[tilespmem:$0x2200] =	vst v0  }
0xee: {  	v38 =	vld [tilespmem:$0x2060];
	[tilespmem:$0x2210] =	vst v1  }
0xef: {  	v39 =	vld [tilespmem:$0x2070];
	[tilespmem:$0x2220] =	vst v2  }
0xf0: {  	v40 =	vld [tilespmem:$0x2080];
	[tilespmem:$0x2230] =	vst v3  }
0xf1: {  	v41 =	vld [tilespmem:$0x2090];
	[tilespmem:$0x2280] =	vst v4  }
0xf2: {  	v42 =	vld [tilespmem:$0x20A0];
	[tilespmem:$0x2290] =	vst v37  }
0xf3: {  	v43 =	vld [tilespmem:$0x20B0];
	[tilespmem:$0x22A0] =	vst v38  }
0xf4: {  	v44 =	vld [tilespmem:$0x20C0];
	[tilespmem:$0x22B0] =	vst v39  }
0xf5: {  	v45 =	vld [tilespmem:$0x20D0];
	[tilespmem:$0x2300] =	vst v40  }
0xf6: {  	v46 =	vld [tilespmem:$0x20E0];
	[tilespmem:$0x2310] =	vst v41  }
0xf7: {  	v47 =	vld [tilespmem:$0x20F0];
	[tilespmem:$0x2320] =	vst v42  }
0xf8: {  	v48 =	vld [tilespmem:$0x2100];
	[tilespmem:$0x2330] =	vst v43  }
0xf9: {  	v49 =	vld [tilespmem:$0x2110];
	[tilespmem:$0x2380] =	vst v44  }
0xfa: {  	v50 =	vld [tilespmem:$0x2120];
	[tilespmem:$0x2390] =	vst v45  }
0xfb: {  	v51 =	vld [tilespmem:$0x2130];
	[tilespmem:$0x23A0] =	vst v46  }
0xfc: {  	v52 =	vld [tilespmem:$0x2140];
	[tilespmem:$0x23B0] =	vst v47  }
0xfd: {  	v53 =	vld [tilespmem:$0x2150];
	[tilespmem:$0x2400] =	vst v48  }
0xfe: {  	v54 =	vld [tilespmem:$0x2160];
	[tilespmem:$0x2410] =	vst v49  }
0xff: {  	v55 =	vld [tilespmem:$0x2170];
	[tilespmem:$0x2420] =	vst v50  }
0x100: {  	v56 =	vld [tilespmem:$0x2180];
	[tilespmem:$0x2430] =	vst v51  }
0x101: {  	v57 =	vld [tilespmem:$0x2190];
	[tilespmem:$0x2480] =	vst v52  }
0x102: {  	v58 =	vld [tilespmem:$0x21A0];
	[tilespmem:$0x2490] =	vst v53  }
0x103: {  	v59 =	vld [tilespmem:$0x21B0];
	[tilespmem:$0x24A0] =	vst v54  }
0x104: {  	v60 =	vld [tilespmem:$0x21C0];
	[tilespmem:$0x24B0] =	vst v55  }
0x105: {  	v61 =	vld [tilespmem:$0x21D0];
	[tilespmem:$0x2500] =	vst v56  }
0x106: {  	v62 =	vld [tilespmem:$0x21E0];
	[tilespmem:$0x2510] =	vst v57  }
0x107: {  	v63 =	vld [tilespmem:$0x21F0];
	[tilespmem:$0x2520] =	vst v58  }
0x108: {  	[tilespmem:$0x2530] =	vst v59  }
0x109: {  	[tilespmem:$0x2580] =	vst v60  }
0x10a: {  	[tilespmem:$0x2590] =	vst v61  }
0x10b: {  	[tilespmem:$0x25A0] =	vst v62  }
0x10c: {  	s11 =	sadd.s32 $0xF4200, s11;
	s13 =	simm.s32 $0x2200;
	[tilespmem:$0x25B0] =	vst v63  }
0x10d: {  	[hbm4b:s11+s4] =	stream.linear.scatter [tilespmem:s13], [sflag:$0x2], $0x400, $0x38;
	[tilespmem:$0x2600] =	vst v63  }
0x10e: {  	_ =	swait.ge [sflag:s3], $0x1000  }
.Ltmp11:
0x10f: {  	[sflag:s3] =	ssyncset.done $0x0;
	(pc) =	sbr.rel .LBB2_12-.Ltmp11, $4  }
0x110: {  	[sflag:s3] =	ssyncadd.s32 $0xFFFFF000  }
0x111: {  	_ =	swait.ge [sflag:s3], $0x400  }
0x112: {  	[sflag:s3] =	ssyncset.done $0x0  }
0x113: {  	[sflag:s3] =	ssyncadd.s32 $0xFFFFFC00  }
.LBB2_14:
0x114: {  	_ =	sfence.sel $0x180000  }
0x115: {  	[bflag:$0x0] =	sbarrier.arrive $0xFFFF  }
0x116: {  	_ =	strace $0x90000047  }
0x117: {  	s0 =	stileid.u32;
	[bflag:$0x2] =	sbarrier.arrive $0xFFFF  }
0x118: {  	p0 =	sne.s32 s0, $0x0;
	s0 =	rddreg [dreg:$0x4]  }
0x119: {  	s0 =	sadd.s32 @!p0 $0x100000, s0  }
0x11a: {  	[sflag:s0] =	ssyncadd.tile.s32 @!p0 $0x1;
	_ =	shalt  }
.Lfunc_end2:
_tile_overlayer_lowered:
.L_overlay_start_2:
0x11b: {  	(tag) =	ssettag $0x2  }
0x11c: {  	s0 =	rddreg [dreg:$0x0];
	s2 =	stileid.u32  }
0x11d: {  	s1 =	rddreg [dreg:$0x1];
	p0 =	sne.s32 s2, $0x0  }
0x11e: {  	s3 =	rddreg [dreg:$0x2];
	[bflag:$0x3] =	sbarrier.arrive $0xFFFF;
	s2 =	simm.s32 @!p0 $0x1C03  }
0x11f: {  	[timem:s3], [sflag:s2] =	dma.local @!p0 [hbm:s0], s1  }
0x120: {  	s0 =	simm.s32 @!p0 $0x3  }
0x121: {  	_ =	swait.ge @!p0 [sflag:s0], s1  }
0x122: {  	s1 =	ssub.s32 @!p0 $0x0, s1;
	[sflag:s0] =	ssyncset.done @!p0 $0x0  }
0x123: {  	[sflag:s0] =	ssyncadd.s32 @!p0 s1  }
0x124: {  	[bflag:$0x3] =	sbarrier.arrive $0xFFFF  }
0x125: {  	_ =	shalt  }

// kernel: kernel.8.cloned.1.call-start
scs
__scs_entry_jumppad:
0x0: {  	(pc) =	sbr.rel $0x88, $3  }
0x1: {  	(tag) =	ssettag $0x0;
	lr =	simm.s32 $0x1  }
0x2: {  	[smem:$0x3F90] =	sst lr;
	_ =	strace $0xD0000000  }
0x3: {  	_ = 	snop  }
0x4: {  	_ = 	snop  }
0x5: {  	_ = 	snop  }
0x6: {  	_ = 	snop  }
0x7: {  	_ = 	snop  }
__scs_overlays_trampoline_lowered:
0x8: {  	[smem:$0x3F9F] =	sst s0  }
0x9: {  	[smem:$0x3FA0] =	sst s1  }
0xa: {  	[smem:$0x3FA1] =	sst s2  }
0xb: {  	[smem:$0x3FA2] =	sst s3  }
0xc: {  	[smem:$0x3FA3] =	sst s4  }
0xd: {  	[smem:$0x3FA4] =	sst s5  }
0xe: {  	[smem:$0x3FA5] =	sst s6  }
0xf: {  	[smem:$0x3FA6] =	sst s7  }
0x10: {  	[smem:$0x3FA7] =	sst s8  }
0x11: {  	[smem:$0x3FA8] =	sst s9;
	s0 =	simm.s32 @!p0 $0x0  }
0x12: {  	s1 =	sld [smem:$0x3F8E];
	s0 =	simm.s32 @p0 $0x1  }
0x13: {  	[smem:$0x3FA9] =	sst s0;
	s0 =	simm.s32 @!p1 $0x0  }
0x14: {  	s2 =	sld [smem:$0x3F8D];
	s0 =	simm.s32 @p1 $0x1  }
0x15: {  	[smem:$0x3FAA] =	sst s0;
	s0 =	simm.s32 @!p2 $0x0  }
0x16: {  	s3 =	sld [smem:$0x3FDB];
	s0 =	simm.s32 @p2 $0x1  }
0x17: {  	s4 =	simm.s32 $0x1BF5;
	[smem:$0x3FAC] =	sst s0  }
0x18: {  	s0 =	sld [smem:$0x3F8F];
	_ =	swait.ge [sflag:s4], $0x0  }
0x19: {  	s7 =	sld [smem:$0x3F90]  }
0x1a: {  	s8 =	sadd.s32 $0xFFFFE003, lr  }
0x1b: {  	s9 =	sadd.s32 $0xFFFFFEF7, lr;
	s5 =	simm.s32 $0xFFFFFFFF;
	p2 =	slt.u32 s8, $0xFFFFF086  }
0x1c: {  	p1 =	slt.u32 s9, $0xF7A;
	s5 =	simm.s32 @!p2 $0x0  }
0x1d: {  	s5 =	simm.s32 @p1 $0x1;
	p0 =	seq.s32 s7, s2  }
0x1e: {  	s7 =	smul.u32 @!p0 $0xF7A, s2;
	p2 =	seq.s32 @!p0 s5, $0x0  }
0x1f: {  	s9 =	smul.u32 $0xF7A, s1;
	s8 =	simm.s32 @!p0 $0x1BF5;
	p2 =	por !p2, p0  }
0x20: {  	[sflag:s8] =	ssyncset.s32 @!p0 $0xFFFFF086;
	s6 =	sadd.s32 @!p0 s3, s7;
	s7 =	simm.s32 @!p0 $0x108  }
0x21: {  	s3 =	sadd.s32 s3, s9;
	s6 =	sadd.s32 @!p0 $0x88, s6;
	s7 =	simm.s32 @p2 $0x1082  }
0x22: {  	[simem:s7], [sflag:s8] =	dma.local @!p0 [hbm:s6], $0xF7A  }
0x23: {  	s9 =	sor.u32 $0xD0000000, s2;
	s6 =	simm.s32 $0x108;
	_ =	swait.ge @!p0 [sflag:s8], $0x0  }
0x24: {  	s3 =	sadd.s32 $0x88, s3;
	s6 =	simm.s32 @!p1 $0x1082;
	[sflag:s4] =	ssyncset.s32 $0xFFFFF086  }
0x25: {  	[simem:s6], [sflag:s4] =	dma.local [hbm:s3], $0xF7A  }
0x26: {  	[smem:$0x3F90] =	sst s1;
	(tag) =	ssettag s2;
	_ =	strace s9  }
0x27: {  	s1 =	sld [smem:$0x3FA0]  }
0x28: {  	s2 =	sld [smem:$0x3FA1]  }
0x29: {  	s4 =	sld [smem:$0x3FA3]  }
0x2a: {  	p0 =	seq.s32 s5, $0x0;
	s5 =	sld [smem:$0x3FA4]  }
0x2b: {  	s6 =	sld [smem:$0x3FA5]  }
0x2c: {  	s7 =	sld [smem:$0x3FA6]  }
0x2d: {  	s3 =	simm.s32 $0x108;
	s8 =	sld [smem:$0x3FA7]  }
0x2e: {  	s3 =	simm.s32 @!p0 $0x1082;
	s9 =	sld [smem:$0x3FA8]  }
0x2f: {  	lr =	sadd.s32 s0, s3;
	s0 =	sld [smem:$0x3F9F]  }
0x30: {  	s3 =	sld [smem:$0x3FA2]  }
0x31: {  	[smem:$0x3FAB] =	sst s10  }
0x32: {  	s10 =	sld [smem:$0x3FA9];
	_ =	sdelay $0x3  }
0x33: {  	p0 =	seq.s32 s10, $0x1;
	s10 =	sld [smem:$0x3FAB];
	_ =	sdelay $0x3  }
0x34: {  	[smem:$0x3FAB] =	sst s10  }
0x35: {  	s10 =	sld [smem:$0x3FAA];
	_ =	sdelay $0x3  }
0x36: {  	p1 =	seq.s32 s10, $0x1;
	s10 =	sld [smem:$0x3FAB];
	_ =	sdelay $0x3  }
0x37: {  	[smem:$0x3FAB] =	sst s10  }
0x38: {  	s10 =	sld [smem:$0x3FAC]  }
0x39: {  	_ = 	snop;
	(pc) =	sbr.ind lr, $3  }
0x3a: {  	_ = 	snop  }
0x3b: {  	_ = 	snop  }
0x3c: {  	p2 =	seq.s32 s10, $0x1;
	s10 =	sld [smem:$0x3FAB]  }
0x3d: {  	_ =	shalt  }
0x3e: {  	_ =	shalt  }
0x3f: {  	_ =	shalt  }
0x40: {  	_ =	shalt  }
0x41: {  	_ =	shalt  }
0x42: {  	_ =	shalt  }
0x43: {  	_ =	shalt  }
0x44: {  	_ =	shalt  }
0x45: {  	_ =	shalt  }
0x46: {  	_ =	shalt  }
0x47: {  	_ =	shalt  }
0x48: {  	_ =	shalt  }
0x49: {  	_ =	shalt  }
0x4a: {  	_ =	shalt  }
0x4b: {  	_ =	shalt  }
0x4c: {  	_ =	shalt  }
0x4d: {  	_ =	shalt  }
0x4e: {  	_ =	shalt  }
0x4f: {  	_ =	shalt  }
0x50: {  	_ =	shalt  }
0x51: {  	_ =	shalt  }
0x52: {  	_ =	shalt  }
0x53: {  	_ =	shalt  }
0x54: {  	_ =	shalt  }
0x55: {  	_ =	shalt  }
0x56: {  	_ =	shalt  }
0x57: {  	_ =	shalt  }
0x58: {  	_ =	shalt  }
0x59: {  	_ =	shalt  }
0x5a: {  	_ =	shalt  }
0x5b: {  	_ =	shalt  }
0x5c: {  	_ =	shalt  }
0x5d: {  	_ =	shalt  }
0x5e: {  	_ =	shalt  }
0x5f: {  	_ =	shalt  }
0x60: {  	_ =	shalt  }
0x61: {  	_ =	shalt  }
0x62: {  	_ =	shalt  }
0x63: {  	_ =	shalt  }
0x64: {  	_ =	shalt  }
0x65: {  	_ =	shalt  }
0x66: {  	_ =	shalt  }
0x67: {  	_ =	shalt  }
0x68: {  	_ =	shalt  }
0x69: {  	_ =	shalt  }
0x6a: {  	_ =	shalt  }
0x6b: {  	_ =	shalt  }
0x6c: {  	_ =	shalt  }
0x6d: {  	_ =	shalt  }
0x6e: {  	_ =	shalt  }
0x6f: {  	_ =	shalt  }
0x70: {  	_ =	shalt  }
0x71: {  	_ =	shalt  }
0x72: {  	_ =	shalt  }
0x73: {  	_ =	shalt  }
0x74: {  	_ =	shalt  }
0x75: {  	_ =	shalt  }
0x76: {  	_ =	shalt  }
0x77: {  	_ =	shalt  }
0x78: {  	_ =	shalt  }
0x79: {  	_ =	shalt  }
0x7a: {  	_ =	shalt  }
0x7b: {  	_ =	shalt  }
0x7c: {  	_ =	shalt  }
0x7d: {  	_ =	shalt  }
0x7e: {  	_ =	shalt  }
0x7f: {  	_ =	shalt  }
0x80: {  	_ =	shalt  }
0x81: {  	_ =	shalt  }
0x82: {  	_ =	shalt  }
0x83: {  	_ =	shalt  }
0x84: {  	_ =	shalt  }
0x85: {  	_ =	shalt  }
0x86: {  	_ =	shalt  }
0x87: {  	_ =	shalt  }
.Lfunc_end0:
.L_simem_size_0:
called_computation.1_lowered:
.L_overlay_start_0:
0x88: {  	s2 =	sld [smem:$0x3FD9]  }
0x89: {  	s3 =	sld [smem:$0x3FFE];
	_ =	sdelay $0x1  }
0x8a: {  	s1 =	srdreg.scid  }
0x8b: {  	s0 =	sand.u32 $0x1, s1  }
0x8c: {  	s17 =	sshll.u32 s0, $0xA;
	s2 =	sadd.s32 s3, s2  }
0x8d: {  	s2 =	sadd.s32 s2, s17  }
0x8e: {  	[smem:$0x3FB7] =	sst s2  }
0x8f: {  	_ = 	snop  }
0x90: {  	s2 =	sld [smem:$0x3FC9]  }
0x91: {  	s18 =	sld [smem:$0x3FC8];
	(tm) =	ssettm $0x1  }
0x92: {  	s4 =	sld [smem:$0x3FFB];
	_ =	sdelay $0x3  }
0x93: {  	_ =	strace s4  }
0x94: {  	s4 =	sld [smem:$0x3FFC];
	_ =	sdelay $0x3  }
0x95: {  	_ =	strace s4  }
0x96: {  	s4 =	sld [smem:$0x3FFD];
	_ =	sdelay $0x3  }
0x97: {  	_ =	strace s4  }
0x98: {  	_ =	strace $0x8FFFFFFF  }
0x99: {  	s19 =	sld [smem:$0x3FDB];
	_ =	sdelay $0x1  }
0x9a: {  	s5 =	simm.s32 $_scs_section_size  }
0x9b: {  	s6 =	simm.s32 $_size__tile_overlayer_lowered;
	s7 =	simm.s32 $_tile_overlayer_lowered  }
0x9c: {  	s22 =	simm.s32 $0x1BFF;
	s21 =	sshll.u32 s7, $0x1;
	s4 =	sadd.s32 s5, s19  }
0x9d: {  	s8 =	simm.s32 $0x0;
	s20 =	sshll.u32 s6, $0x1;
	s6 =	sadd.s32 s21, s4  }
0x9e: {  	[timem:s8], [sflag:s22] =	dma.local [hbm:s6], s20  }
0x9f: {  	_ =	swait.ge [sflag:s22], s20  }
0xa0: {  	s5 =	ssub.s32 $0x0, s20;
	[sflag:s22] =	ssyncset.done $0x0  }
0xa1: {  	[sflag:s22] =	ssyncadd.s32 s5;
	_ =	sdelay $0x1  }
0xa2: {  	s23 =	simm.s32 $0x1B8B  }
0xa3: {  	_ =	swait.ge [sflag:s23], $0x1  }
0xa4: {  	[sflag:s23] =	ssyncset.done $0x0  }
0xa5: {  	s25 =	simm.s32 $0x1B8E;
	s24 =	sld [smem:$0x3FFE];
	[sflag:s23] =	ssyncadd.s32 $0xFFFFFFFF  }
0xa6: {  	s26 =	simm.s32 $execute0_lowered;
	[smem:$0x3FD2] =	sst s25  }
0xa7: {  	s6 =	sshll.u32 s26, $0x1;
	_ =	strace $0x80000049;
	[dreg:$0x1] =	wrdreg $0xFFFFFFFF  }
0xa8: {  	s28 =	simm.s32 $_size_execute0_lowered;
	s4 =	sadd.s32 s4, s6;
	[dreg:$0x0] =	wrdreg $0x0  }
0xa9: {  	s6 =	sshll.u32 s28, $0x1;
	[dreg:$0x2] =	wrdreg s4  }
0xaa: {  	[dreg:$0x3] =	wrdreg s6  }
0xab: {  	[dreg:$0x4] =	wrdreg $0xC0  }
0xac: {  	_ =	task [dreg:s8], $0x5FFFF  }
0xad: {  	[dreg:$0x1] =	wrdreg $0xFFFFFFFF  }
0xae: {  	[dreg:$0x0] =	wrdreg $0x60  }
0xaf: {  	[dreg:$0x2] =	wrdreg s24  }
0xb0: {  	[dreg:$0x3] =	wrdreg s2  }
0xb1: {  	[dreg:$0x4] =	wrdreg s18  }
0xb2: {  	[dreg:$0x5] =	wrdreg $0x9  }
0xb3: {  	_ =	task.clear_ibuf [dreg:s8], $0x6FFFF;
	_ =	strace $0x90000049  }
0xb4: {  	s29 =	simm.s32 $0x9;
	_ =	strace $0x8000004B  }
0xb5: {  	_ =	swait.ge [sflag:s29], $0x1  }
0xb6: {  	[sflag:s29] =	ssyncadd.s32 $0xFFFFFFFF  }
0xb7: {  	_ =	strace $0x9000004B  }
0xb8: {  	_ =	sfence  }
0xb9: {  	s30 =	sld [smem:$0x0];
	_ =	sdelay $0x2  }
0xba: {  	s31 =	sshll.u32 s1, $0xD;
	s1 =	sshrl.u32 s1, $0x2  }
0xbb: {  	s3 =	sand.u32 $0x4000, s31;
	s1 =	sadd.s32 s1, s30  }
0xbc: {  	s0 =	sor.u32 s3, s0;
	s1 =	sshll.u32 s1, $0x11  }
0xbd: {  	s0 =	sor.u32 s1, s0  }
0xbe: {  	s0 =	sadd.s32 $0x8F2B, s0  }
0xbf: {  	[sflag:s0] =	ssyncadd.remote.s32 $0x1  }
0xc0: {  	_ =	sfence.sel $0xFFFF  }
0xc1: {  	[dreg:$0x0] =	wrdreg $0xFFFFFFFF;
	(pc) =	sbr.abs _section_cstart, $3  }
0xc2: {  	[dreg:$0x1] =	wrdreg $0xFFFFFFFF  }
0xc3: {  	_ =	task.clear_ibuf [dreg:s8], $0x2FFFF;
	_ =	strace $0x9FFFFFFF  }
0xc4: {  	(tm) =	ssettm $0x7FFFFFFF  }
0xc5: {  	_ =	shalt  }
tec
execute0_lowered:
.L_overlay_start_1:
0x0: {  	(tag) =	ssettag $0x1  }
0x1: {  	s0 =	rddreg [dreg:$0x0]  }
0x2: {  	s1 =	rddreg [dreg:$0x1]  }
0x3: {  	s7 =	rddreg [dreg:$0x2];
	s2 =	simm.s32 $0x0  }
0x4: {  	s3 =	srdreg.scid;
	s4 =	stileid.u32;
	s11 =	simm.s32 $0x2  }
0x5: {  	s12 =	simm.s32 $0x80;
	s13 =	simm.s32 $0x1000;
	s16 =	simm.s32 $0x1F00  }
0x6: {  	s29 =	simm.s32 $0x1700;
	s15 =	simm.s32 $0x2C80;
	s17 =	simm.s32 $0x1D00  }
0x7: {  	s18 =	simm.s32 $0x2D00;
	s19 =	simm.s32 $0x1D80;
	s20 =	simm.s32 $0x2D80  }
0x8: {  	s21 =	simm.s32 $0x1E00;
	s22 =	simm.s32 $0x2E00;
	s23 =	simm.s32 $0x1E80  }
0x9: {  	s24 =	simm.s32 $0x2E80;
	s25 =	simm.s32 $0x1;
	s26 =	simm.s32 $0x0  }
0xa: {  	[smem:$0x7FF] =	sst s2;
	s5 =	sand.u32 $0x1, s3;
	s3 =	sadd.s32 $0x2600, s0  }
0xb: {  	s6 =	sshll.u32 s4, $0x5;
	s4 =	sadd.s32 $0x1EAC00, s0;
	s8 =	sshll.u32 s5, $0x4  }
0xc: {  	_ =	strace $0x8000004A;
	s31 =	ssub.s32 $0x2, s5;
	s8 =	sor.u32 s8, s6  }
0xd: {  	s5 =	sadd.s32 $0x3D3200, s0;
	s9 =	sshrl.u32 s31, $0x1;
	s0 =	sadd.s32 s8, s0  }
0xe: {  	s10 =	ssub.s32 s31, s9;
	s6 =	sadd.s32 s1, s8;
	s7 =	sadd.s32 s7, s8  }
0xf: {  	s8 =	sadd.s32 $0x8C8C00, s0;
	s9 =	sadd.s32 $0x8CC000, s0;
	s10 =	smax.u32 s10, $0x1  }
.LBB2_1:
0x10: {  	[tilespmem:s2], [sflag:$0x2] =	stream.linear.gather [hbm4b:s6+s2], $0x80, $0x38;
	[tilespmem:$0xFF00] =	vst v63  }
0x11: {  	_ =	swait.ge [sflag:s11], $0x80  }
0x12: {  	[sflag:s11] =	ssyncset.done $0x0  }
0x13: {  	[sflag:s11] =	ssyncadd.s32 $0xFFFFFF80  }
0x14: {  	[tilespmem:s12], [sflag:$0x2] =	stream.linear.gather [hbm4b:s7+s2], $0x80, $0x38;
	[tilespmem:$0xFF00] =	vst v63  }
0x15: {  	_ =	swait.ge [sflag:s11], $0x80  }
0x16: {  	[sflag:s11] =	ssyncset.done $0x0  }
0x17: {  	s0 =	simm.s32 $0x200;
	[sflag:s11] =	ssyncadd.s32 $0xFFFFFF80  }
0x18: {  	[tilespmem:s0], [sflag:$0x2] =	stream.strided.gather [hbm4b:s8+s12], $0xD00, s13, s12, $0x38;
	[tilespmem:$0xFF00] =	vst v63  }
0x19: {  	_ =	swait.ge [sflag:s11], $0xD00  }
0x1a: {  	[sflag:s11] =	ssyncset.done $0x0  }
0x1b: {  	[sflag:s11] =	ssyncadd.s32 $0xFFFFF300  }
0x1c: {  	v0 =	vld [tilespmem:$0x0]  }
0x1d: {  	v1 =	vld [tilespmem:$0x10]  }
0x1e: {  	v2 =	vld [tilespmem:$0x20]  }
0x1f: {  	v3 =	vld [tilespmem:$0x30]  }
0x20: {  	v5 =	vld [tilespmem:$0x40]  }
0x21: {  	v7 =	vld [tilespmem:$0x50]  }
0x22: {  	v42 =	vld [tilespmem:$0x60]  }
0x23: {  	v9 =	vld [tilespmem:$0x70]  }
0x24: {  	v10 =	vld [tilespmem:$0x80]  }
0x25: {  	v47 =	vld [tilespmem:$0x90];
	v4 =	vshll.u32 v0, $0x3;
	v6 =	vshll.u32 v1, $0x3;
	v0 =	vand.u32 $0x7F, v0  }
0x26: {  	v11 =	vld [tilespmem:$0xA0];
	v1 =	vand.u32 $0x7F, v1;
	v41 =	vshll.u32 v2, $0x3;
	v2 =	vand.u32 $0x7F, v2  }
0x27: {  	v8 =	vshll.u32 v3, $0x3;
	v44 =	vshll.u32 v5, $0x3;
	v3 =	vand.u32 $0x7F, v3  }
0x28: {  	v53 =	vld [tilespmem:$0xC0];
	v5 =	vand.u32 $0x7F, v5;
	v46 =	vshll.u32 v7, $0x3;
	v48 =	vand.u32 $0x7F, v7  }
0x29: {  	v49 =	vshll.u32 v42, $0x3;
	v50 =	vshll.u32 v9, $0x3;
	v51 =	vand.u32 $0x7F, v9  }
0x2a: {  	v54 =	vand.u32 $0x7F, v10;
	v55 =	vshll.u32 v47, $0x3;
	v4 =	vand.u32 $0xFFFFFC00, v4  }
0x2b: {  	v57 =	vshll.u32 v11, $0x3;
	v6 =	vand.u32 $0xFFFFFC00, v6;
	v0 =	vor.u32 v0, v4  }
0x2c: {  	v58 =	vand.u32 $0x7F, v11;
	v43 =	vand.u32 $0xFFFFFC00, v8;
	v1 =	vor.u32 v1, v6;
	[tilespmem:$0x100] =	vst v0  }
0x2d: {  	v61 =	vshll.u32 v53, $0x3;
	v8 =	vand.u32 $0xFFFFFC00, v44;
	v3 =	vor.u32 v3, v43;
	[tilespmem:$0x110] =	vst v1  }
0x2e: {  	v52 =	vld [tilespmem:$0xB0];
	v4 =	vand.u32 $0xFFFFFC00, v41;
	v45 =	vor.u32 v5, v8;
	v5 =	vand.u32 $0xFFFFFC00, v50;
	[tilespmem:$0x130] =	vst v3  }
0x2f: {  	v2 =	vor.u32 v2, v4;
	v0 =	vand.u32 $0xFFFFFC00, v46;
	v1 =	vand.u32 $0xFFFFFC00, v49;
	[tilespmem:$0x140] =	vst v45  }
0x30: {  	v56 =	vld [tilespmem:$0xD0];
	v3 =	vshll.u32 v10, $0x3;
	v0 =	vor.u32 v48, v0;
	[tilespmem:$0x120] =	vst v2;
	v2 =	vand.u32 $0x7F, v42  }
0x31: {  	v3 =	vand.u32 $0xFFFFFC00, v3;
	v1 =	vor.u32 v2, v1;
	v2 =	vor.u32 v51, v5;
	[tilespmem:$0x150] =	vst v0  }
0x32: {  	v59 =	vld [tilespmem:$0xE0];
	v0 =	vor.u32 v54, v3;
	v3 =	vand.u32 $0xFFFFFC00, v55;
	[tilespmem:$0x160] =	vst v1;
	v1 =	vand.u32 $0x7F, v47  }
0x33: {  	v60 =	vld [tilespmem:$0xF0];
	v4 =	vand.u32 $0xFFFFFC00, v57;
	[tilespmem:$0x170] =	vst v2;
	v1 =	vor.u32 v1, v3;
	v3 =	vshll.u32 v52, $0x3  }
0x34: {  	v2 =	vor.u32 v58, v4;
	[tilespmem:$0x180] =	vst v0;
	v0 =	vand.u32 $0xFFFFFC00, v3;
	v3 =	vand.u32 $0x7F, v52  }
0x35: {  	v62 =	vand.u32 $0x7F, v56;
	[tilespmem:$0x1A0] =	vst v2;
	v0 =	vor.u32 v3, v0;
	v3 =	vshll.u32 v56, $0x3  }
0x36: {  	v63 =	vld [tilespmem:$0x100];
	v2 =	vand.u32 $0x7F, v53;
	[tilespmem:$0x190] =	vst v1;
	v1 =	vand.u32 $0xFFFFFC00, v61;
	v3 =	vand.u32 $0xFFFFFC00, v3  }
0x37: {  	s14 =	simm.s32 $0x0;
	[tilespmem:$0x1B0] =	vst v0;
	v0 =	vor.u32 v2, v1;
	v2 =	vshll.u32 v59, $0x3;
	v1 =	vor.u32 v62, v3  }
0x38: {  	s0 =	smul.u32 $0x7A1400, s14;
	[tilespmem:$0x1C0] =	vst v0;
	v0 =	vand.u32 $0xFFFFFC00, v2;
	v2 =	vand.u32 $0x7F, v59;
	v3 =	vshll.u32 v60, $0x3  }
0x39: {  	s1 =	sand.u32 $0x380, s2;
	[tilespmem:$0x1D0] =	vst v1;
	v0 =	vor.u32 v2, v0;
	v1 =	vand.u32 $0xFFFFFC00, v3;
	v2 =	vand.u32 $0x7F, v60  }
0x3a: {  	s0 =	sor.u32 s1, s0;
	[tilespmem:$0x1E0] =	vst v0;
	v0 =	vor.u32 v2, v1  }
0x3b: {  	[tilespmem:$0x1F0] =	vst v0;
	v0 =	vadd.s32 s0, v63  }
0x3c: {  	[tilespmem:s29+$0xFFFFF800] =	vst v0  }
0x3d: {  	v0 =	vld [tilespmem:$0x180];
	_ =	sdelay $0x4  }
0x3e: {  	v0 =	vadd.s32 s0, v0  }
0x3f: {  	[tilespmem:s29+$0x0] =	vst v0  }
0x40: {  	v0 =	vld [tilespmem:$0x110];
	_ =	sdelay $0x4  }
0x41: {  	v0 =	vadd.s32 s0, v0  }
0x42: {  	[tilespmem:s29+$0xFFFFF810] =	vst v0  }
0x43: {  	v0 =	vld [tilespmem:$0x190];
	_ =	sdelay $0x4  }
0x44: {  	v0 =	vadd.s32 s0, v0  }
0x45: {  	[tilespmem:s29+$0x10] =	vst v0  }
0x46: {  	v0 =	vld [tilespmem:$0x120];
	_ =	sdelay $0x4  }
0x47: {  	v0 =	vadd.s32 s0, v0  }
0x48: {  	[tilespmem:s29+$0xFFFFF820] =	vst v0  }
0x49: {  	v0 =	vld [tilespmem:$0x1A0];
	_ =	sdelay $0x4  }
0x4a: {  	v0 =	vadd.s32 s0, v0  }
0x4b: {  	[tilespmem:s29+$0x20] =	vst v0  }
0x4c: {  	v0 =	vld [tilespmem:$0x130];
	_ =	sdelay $0x4  }
0x4d: {  	v0 =	vadd.s32 s0, v0  }
0x4e: {  	[tilespmem:s29+$0xFFFFF830] =	vst v0  }
0x4f: {  	v0 =	vld [tilespmem:$0x1B0];
	_ =	sdelay $0x4  }
0x50: {  	v0 =	vadd.s32 s0, v0  }
0x51: {  	[tilespmem:s29+$0x30] =	vst v0  }
0x52: {  	v0 =	vld [tilespmem:$0x140];
	_ =	sdelay $0x4  }
0x53: {  	v0 =	vadd.s32 s0, v0  }
0x54: {  	[tilespmem:s29+$0xFFFFF840] =	vst v0  }
0x55: {  	v0 =	vld [tilespmem:$0x1C0];
	_ =	sdelay $0x4  }
0x56: {  	v0 =	vadd.s32 s0, v0  }
0x57: {  	[tilespmem:s29+$0x40] =	vst v0  }
0x58: {  	v0 =	vld [tilespmem:$0x150];
	_ =	sdelay $0x4  }
0x59: {  	v0 =	vadd.s32 s0, v0  }
0x5a: {  	[tilespmem:s29+$0xFFFFF850] =	vst v0  }
0x5b: {  	v0 =	vld [tilespmem:$0x1D0];
	_ =	sdelay $0x4  }
0x5c: {  	v0 =	vadd.s32 s0, v0  }
0x5d: {  	[tilespmem:s29+$0x50] =	vst v0  }
0x5e: {  	v0 =	vld [tilespmem:$0x160];
	_ =	sdelay $0x4  }
0x5f: {  	v0 =	vadd.s32 s0, v0  }
0x60: {  	[tilespmem:s29+$0xFFFFF860] =	vst v0  }
0x61: {  	v0 =	vld [tilespmem:$0x1E0];
	_ =	sdelay $0x4  }
0x62: {  	v0 =	vadd.s32 s0, v0  }
0x63: {  	[tilespmem:s29+$0x60] =	vst v0  }
0x64: {  	v0 =	vld [tilespmem:$0x170];
	_ =	sdelay $0x4  }
0x65: {  	v0 =	vadd.s32 s0, v0  }
0x66: {  	[tilespmem:s29+$0xFFFFF870] =	vst v0  }
0x67: {  	v0 =	vld [tilespmem:$0x1F0];
	_ =	sdelay $0x4  }
0x68: {  	v0 =	vadd.s32 s0, v0  }
0x69: {  	s30 =	simm.s32 $0x1;
	[tilespmem:s29+$0x70] =	vst v0  }
0x6a: {  	s31 =	simm.s32 $0x0;
	s28 =	simm.s32 $0x1700;
	s0 =	simm.s32 $0x2;
	v0 =	vld [tilespmem:$0x100]  }
.LBB2_2:
0x6b: {  	p0 =	sne.s32 s0, $0xF;
	s1 =	sshrl.u32 s30, $0x3;
	s30 =	smov.u32 s0  }
0x6c: {  	s31 =	sadd.s32 $0x80, s31;
	s1 =	smul.u32 $0x7A1400, s1  }
0x6d: {  	s14 =	sand.u32 $0x380, s31  }
0x6e: {  	s1 =	sor.u32 s14, s1  }
0x6f: {  	s28 =	sadd.s32 $0x80, s28;
	v0 =	vadd.s32 s1, v0  }
0x70: {  	[tilespmem:s28+$0xFFFFF800] =	vst v0  }
0x71: {  	v0 =	vld [tilespmem:$0x180];
	_ =	sdelay $0x4  }
0x72: {  	v0 =	vadd.s32 s1, v0  }
0x73: {  	[tilespmem:s28+$0x0] =	vst v0  }
0x74: {  	v0 =	vld [tilespmem:$0x110];
	_ =	sdelay $0x4  }
0x75: {  	v0 =	vadd.s32 s1, v0  }
0x76: {  	[tilespmem:s28+$0xFFFFF810] =	vst v0  }
0x77: {  	v0 =	vld [tilespmem:$0x190];
	_ =	sdelay $0x4  }
0x78: {  	v0 =	vadd.s32 s1, v0  }
0x79: {  	[tilespmem:s28+$0x10] =	vst v0  }
0x7a: {  	v0 =	vld [tilespmem:$0x120];
	_ =	sdelay $0x4  }
0x7b: {  	v0 =	vadd.s32 s1, v0  }
0x7c: {  	[tilespmem:s28+$0xFFFFF820] =	vst v0  }
0x7d: {  	v0 =	vld [tilespmem:$0x1A0];
	_ =	sdelay $0x4  }
0x7e: {  	v0 =	vadd.s32 s1, v0  }
0x7f: {  	[tilespmem:s28+$0x20] =	vst v0  }
0x80: {  	v0 =	vld [tilespmem:$0x130];
	_ =	sdelay $0x4  }
0x81: {  	v0 =	vadd.s32 s1, v0  }
0x82: {  	[tilespmem:s28+$0xFFFFF830] =	vst v0  }
0x83: {  	v0 =	vld [tilespmem:$0x1B0];
	_ =	sdelay $0x4  }
0x84: {  	v0 =	vadd.s32 s1, v0  }
0x85: {  	[tilespmem:s28+$0x30] =	vst v0  }
0x86: {  	v0 =	vld [tilespmem:$0x140];
	_ =	sdelay $0x4  }
0x87: {  	v0 =	vadd.s32 s1, v0  }
0x88: {  	[tilespmem:s28+$0xFFFFF840] =	vst v0  }
0x89: {  	v0 =	vld [tilespmem:$0x1C0];
	_ =	sdelay $0x4  }
0x8a: {  	v0 =	vadd.s32 s1, v0  }
0x8b: {  	[tilespmem:s28+$0x40] =	vst v0  }
0x8c: {  	v0 =	vld [tilespmem:$0x150];
	_ =	sdelay $0x4  }
0x8d: {  	v0 =	vadd.s32 s1, v0  }
0x8e: {  	[tilespmem:s28+$0xFFFFF850] =	vst v0  }
0x8f: {  	v0 =	vld [tilespmem:$0x1D0];
	_ =	sdelay $0x4  }
0x90: {  	v0 =	vadd.s32 s1, v0  }
0x91: {  	[tilespmem:s28+$0x50] =	vst v0  }
0x92: {  	v0 =	vld [tilespmem:$0x160];
	_ =	sdelay $0x4  }
0x93: {  	v0 =	vadd.s32 s1, v0  }
0x94: {  	[tilespmem:s28+$0xFFFFF860] =	vst v0  }
0x95: {  	v0 =	vld [tilespmem:$0x1E0];
	_ =	sdelay $0x4  }
0x96: {  	v0 =	vadd.s32 s1, v0  }
0x97: {  	[tilespmem:s28+$0x60] =	vst v0  }
0x98: {  	v0 =	vld [tilespmem:$0x170];
	_ =	sdelay $0x4  }
0x99: {  	v0 =	vadd.s32 s1, v0  }
0x9a: {  	[tilespmem:s28+$0xFFFFF870] =	vst v0  }
0x9b: {  	v0 =	vld [tilespmem:$0x1F0];
	_ =	sdelay $0x2  }
.Ltmp0:
0x9c: {  	(pc) =	sbr.rel @p0 .LBB2_2-.Ltmp0, $4  }
0x9d: {  	_ = 	snop  }
0x9e: {  	v0 =	vadd.s32 s1, v0  }
0x9f: {  	[tilespmem:s28+$0x70] =	vst v0  }
0xa0: {  	s0 =	sadd.s32 $0x1, s0;
	v0 =	vld [tilespmem:$0x100]  }
0xa1: {  	s0 =	sshrl.u32 s30, $0x3  }
0xa2: {  	s1 =	sadd.s32 $0x80, s31;
	s0 =	smul.u32 $0x7A1400, s0  }
0xa3: {  	s1 =	sand.u32 $0x380, s1  }
0xa4: {  	s0 =	sor.u32 s1, s0  }
0xa5: {  	s31 =	sadd.s32 $0x80, s28;
	v0 =	vadd.s32 s0, v0  }
0xa6: {  	[tilespmem:s31+$0xFFFFF800] =	vst v0  }
0xa7: {  	v0 =	vld [tilespmem:$0x180];
	_ =	sdelay $0x4  }
0xa8: {  	v0 =	vadd.s32 s0, v0  }
0xa9: {  	[tilespmem:s31+$0x0] =	vst v0  }
0xaa: {  	v0 =	vld [tilespmem:$0x110];
	_ =	sdelay $0x4  }
0xab: {  	v0 =	vadd.s32 s0, v0  }
0xac: {  	[tilespmem:s31+$0xFFFFF810] =	vst v0  }
0xad: {  	v0 =	vld [tilespmem:$0x190];
	_ =	sdelay $0x4  }
0xae: {  	v0 =	vadd.s32 s0, v0  }
0xaf: {  	[tilespmem:s31+$0x10] =	vst v0  }
0xb0: {  	v0 =	vld [tilespmem:$0x120];
	_ =	sdelay $0x4  }
0xb1: {  	v0 =	vadd.s32 s0, v0  }
0xb2: {  	[tilespmem:s31+$0xFFFFF820] =	vst v0  }
0xb3: {  	v0 =	vld [tilespmem:$0x1A0];
	_ =	sdelay $0x4  }
0xb4: {  	v0 =	vadd.s32 s0, v0  }
0xb5: {  	[tilespmem:s31+$0x20] =	vst v0  }
0xb6: {  	v0 =	vld [tilespmem:$0x130];
	_ =	sdelay $0x4  }
0xb7: {  	v0 =	vadd.s32 s0, v0  }
0xb8: {  	[tilespmem:s31+$0xFFFFF830] =	vst v0  }
0xb9: {  	v0 =	vld [tilespmem:$0x1B0];
	_ =	sdelay $0x4  }
0xba: {  	v0 =	vadd.s32 s0, v0  }
0xbb: {  	[tilespmem:s31+$0x30] =	vst v0  }
0xbc: {  	v0 =	vld [tilespmem:$0x140];
	_ =	sdelay $0x4  }
0xbd: {  	v0 =	vadd.s32 s0, v0  }
0xbe: {  	[tilespmem:s31+$0xFFFFF840] =	vst v0  }
0xbf: {  	v0 =	vld [tilespmem:$0x1C0];
	_ =	sdelay $0x4  }
0xc0: {  	v0 =	vadd.s32 s0, v0  }
0xc1: {  	[tilespmem:s31+$0x40] =	vst v0  }
0xc2: {  	v0 =	vld [tilespmem:$0x150];
	_ =	sdelay $0x4  }
0xc3: {  	v0 =	vadd.s32 s0, v0  }
0xc4: {  	[tilespmem:s31+$0xFFFFF850] =	vst v0  }
0xc5: {  	v0 =	vld [tilespmem:$0x1D0];
	_ =	sdelay $0x4  }
0xc6: {  	v0 =	vadd.s32 s0, v0  }
0xc7: {  	[tilespmem:s31+$0x50] =	vst v0  }
0xc8: {  	v0 =	vld [tilespmem:$0x160];
	_ =	sdelay $0x4  }
0xc9: {  	v0 =	vadd.s32 s0, v0  }
0xca: {  	[tilespmem:s31+$0xFFFFF860] =	vst v0  }
0xcb: {  	v0 =	vld [tilespmem:$0x1E0];
	_ =	sdelay $0x4  }
0xcc: {  	v0 =	vadd.s32 s0, v0  }
0xcd: {  	[tilespmem:s31+$0x60] =	vst v0  }
0xce: {  	v0 =	vld [tilespmem:$0x170];
	_ =	sdelay $0x4  }
0xcf: {  	v0 =	vadd.s32 s0, v0  }
0xd0: {  	[tilespmem:s31+$0xFFFFF870] =	vst v0  }
0xd1: {  	v0 =	vld [tilespmem:$0x1F0];
	_ =	sdelay $0x4  }
0xd2: {  	v0 =	vadd.s32 s0, v0  }
0xd3: {  	s1 =	simm.s32 $0xF00;
	[tilespmem:s31+$0x70] =	vst v0  }
0xd4: {  	[tilespmem:s16], [sflag:$0x1] =	stream.indirect.gather [hbm4b:s3+s12], $0x1, s1, s12, $0xb8;
	[tilespmem:$0xFF00] =	vst v63  }
0xd5: {  	s14 =	simm.s32 $0xF80;
	s30 =	simm.s32 $0x1F80  }
0xd6: {  	[tilespmem:s30], [sflag:$0x1] =	stream.indirect.gather [hbm4b:s3+s12], $0x1, s14, s12, $0xb8;
	[tilespmem:$0xFF00] =	vst v63  }
0xd7: {  	s31 =	simm.s32 $0x2000  }
0xd8: {  	[tilespmem:s31], [sflag:$0x1] =	stream.indirect.gather [hbm4b:s3+s12], $0x1, s13, s12, $0xb8;
	[tilespmem:$0xFF00] =	vst v63  }
0xd9: {  	s1 =	simm.s32 $0x1080;
	s14 =	simm.s32 $0x2080  }
0xda: {  	[tilespmem:s14], [sflag:$0x1] =	stream.indirect.gather [hbm4b:s3+s12], $0x1, s1, s12, $0xb8;
	[tilespmem:$0xFF00] =	vst v63  }
0xdb: {  	s30 =	simm.s32 $0x1100;
	s31 =	simm.s32 $0x2100  }
0xdc: {  	[tilespmem:s31], [sflag:$0x1] =	stream.indirect.gather [hbm4b:s3+s12], $0x1, s30, s12, $0xb8;
	[tilespmem:$0xFF00] =	vst v63  }
0xdd: {  	s1 =	simm.s32 $0x1180;
	s14 =	simm.s32 $0x2180  }
0xde: {  	[tilespmem:s14], [sflag:$0x1] =	stream.indirect.gather [hbm4b:s3+s12], $0x1, s1, s12, $0xb8;
	[tilespmem:$0xFF00] =	vst v63  }
0xdf: {  	s30 =	simm.s32 $0x1200;
	s31 =	simm.s32 $0x2200  }
0xe0: {  	[tilespmem:s31], [sflag:$0x1] =	stream.indirect.gather [hbm4b:s3+s12], $0x1, s30, s12, $0xb8;
	[tilespmem:$0xFF00] =	vst v63  }
0xe1: {  	s1 =	simm.s32 $0x1280;
	s14 =	simm.s32 $0x2280  }
0xe2: {  	[tilespmem:s14], [sflag:$0x1] =	stream.indirect.gather [hbm4b:s3+s12], $0x1, s1, s12, $0xb8;
	[tilespmem:$0xFF00] =	vst v63  }
0xe3: {  	s30 =	simm.s32 $0x1300;
	s31 =	simm.s32 $0x2300  }
0xe4: {  	[tilespmem:s31], [sflag:$0x1] =	stream.indirect.gather [hbm4b:s3+s12], $0x1, s30, s12, $0xb8;
	[tilespmem:$0xFF00] =	vst v63  }
0xe5: {  	s1 =	simm.s32 $0x1380;
	s14 =	simm.s32 $0x2380  }
0xe6: {  	[tilespmem:s14], [sflag:$0x1] =	stream.indirect.gather [hbm4b:s3+s12], $0x1, s1, s12, $0xb8;
	[tilespmem:$0xFF00] =	vst v63  }
0xe7: {  	s30 =	simm.s32 $0x1400;
	s31 =	simm.s32 $0x2400  }
0xe8: {  	[tilespmem:s31], [sflag:$0x1] =	stream.indirect.gather [hbm4b:s3+s12], $0x1, s30, s12, $0xb8;
	[tilespmem:$0xFF00] =	vst v63  }
0xe9: {  	s1 =	simm.s32 $0x1480;
	s14 =	simm.s32 $0x2480  }
0xea: {  	[tilespmem:s14], [sflag:$0x1] =	stream.indirect.gather [hbm4b:s3+s12], $0x1, s1, s12, $0xb8;
	[tilespmem:$0xFF00] =	vst v63  }
0xeb: {  	s30 =	simm.s32 $0x1500;
	s31 =	simm.s32 $0x2500  }
0xec: {  	[tilespmem:s31], [sflag:$0x1] =	stream.indirect.gather [hbm4b:s3+s12], $0x1, s30, s12, $0xb8;
	[tilespmem:$0xFF00] =	vst v63  }
0xed: {  	s1 =	simm.s32 $0x1580;
	s14 =	simm.s32 $0x2580  }
0xee: {  	[tilespmem:s14], [sflag:$0x1] =	stream.indirect.gather [hbm4b:s3+s12], $0x1, s1, s12, $0xb8;
	[tilespmem:$0xFF00] =	vst v63  }
0xef: {  	s30 =	simm.s32 $0x1600;
	s31 =	simm.s32 $0x2600  }
0xf0: {  	[tilespmem:s31], [sflag:$0x1] =	stream.indirect.gather [hbm4b:s3+s12], $0x1, s30, s12, $0xb8;
	[tilespmem:$0xFF00] =	vst v63  }
0xf1: {  	s14 =	simm.s32 $0x1680;
	s30 =	simm.s32 $0x2680  }
0xf2: {  	[tilespmem:s30], [sflag:$0x1] =	stream.indirect.gather [hbm4b:s3+s12], $0x1, s14, s12, $0xb8;
	[tilespmem:$0xFF00] =	vst v63  }
0xf3: {  	s31 =	simm.s32 $0x2700  }
0xf4: {  	[tilespmem:s31], [sflag:$0x1] =	stream.indirect.gather [hbm4b:s4+s12], $0x1, s29, s12, $0xb8;
	[tilespmem:$0xFF00] =	vst v63  }
0xf5: {  	s1 =	simm.s32 $0x1780;
	s14 =	simm.s32 $0x2780  }
0xf6: {  	[tilespmem:s14], [sflag:$0x1] =	stream.indirect.gather [hbm4b:s4+s12], $0x1, s1, s12, $0xb8;
	[tilespmem:$0xFF00] =	vst v63  }
0xf7: {  	s30 =	simm.s32 $0x1800;
	s31 =	simm.s32 $0x2800  }
0xf8: {  	[tilespmem:s31], [sflag:$0x1] =	stream.indirect.gather [hbm4b:s4+s12], $0x1, s30, s12, $0xb8;
	[tilespmem:$0xFF00] =	vst v63  }
0xf9: {  	s1 =	simm.s32 $0x1880;
	s14 =	simm.s32 $0x2880  }
0xfa: {  	[tilespmem:s14], [sflag:$0x1] =	stream.indirect.gather [hbm4b:s4+s12], $0x1, s1, s12, $0xb8;
	[tilespmem:$0xFF00] =	vst v63  }
0xfb: {  	s30 =	simm.s32 $0x1900;
	s31 =	simm.s32 $0x2900  }
0xfc: {  	[tilespmem:s31], [sflag:$0x1] =	stream.indirect.gather [hbm4b:s4+s12], $0x1, s30, s12, $0xb8;
	[tilespmem:$0xFF00] =	vst v63  }
0xfd: {  	s1 =	simm.s32 $0x1980;
	s14 =	simm.s32 $0x2980  }
0xfe: {  	[tilespmem:s14], [sflag:$0x1] =	stream.indirect.gather [hbm4b:s4+s12], $0x1, s1, s12, $0xb8;
	[tilespmem:$0xFF00] =	vst v63  }
0xff: {  	s30 =	simm.s32 $0x1A00;
	s31 =	simm.s32 $0x2A00  }
0x100: {  	[tilespmem:s31], [sflag:$0x1] =	stream.indirect.gather [hbm4b:s4+s12], $0x1, s30, s12, $0xb8;
	[tilespmem:$0xFF00] =	vst v63  }
0x101: {  	s1 =	simm.s32 $0x1A80;
	s14 =	simm.s32 $0x2A80  }
0x102: {  	[tilespmem:s14], [sflag:$0x1] =	stream.indirect.gather [hbm4b:s4+s12], $0x1, s1, s12, $0xb8;
	[tilespmem:$0xFF00] =	vst v63  }
0x103: {  	s30 =	simm.s32 $0x1B00;
	s31 =	simm.s32 $0x2B00  }
0x104: {  	[tilespmem:s31], [sflag:$0x1] =	stream.indirect.gather [hbm4b:s4+s12], $0x1, s30, s12, $0xb8;
	[tilespmem:$0xFF00] =	vst v63  }
0x105: {  	s1 =	simm.s32 $0x1B80;
	s14 =	simm.s32 $0x2B80  }
0x106: {  	[tilespmem:s14], [sflag:$0x1] =	stream.indirect.gather [hbm4b:s4+s12], $0x1, s1, s12, $0xb8;
	[tilespmem:$0xFF00] =	vst v63  }
0x107: {  	s30 =	simm.s32 $0x1C00;
	s31 =	simm.s32 $0x2C00  }
0x108: {  	[tilespmem:s31], [sflag:$0x1] =	stream.indirect.gather [hbm4b:s4+s12], $0x1, s30, s12, $0xb8;
	[tilespmem:$0xFF00] =	vst v63  }
0x109: {  	s14 =	simm.s32 $0x1C80  }
0x10a: {  	[tilespmem:s15], [sflag:$0x1] =	stream.indirect.gather [hbm4b:s4+s12], $0x1, s14, s12, $0xb8;
	[tilespmem:$0xFF00] =	vst v63  }
0x10b: {  	_ = 	snop  }
0x10c: {  	[tilespmem:s18], [sflag:$0x1] =	stream.indirect.gather [hbm4b:s4+s12], $0x1, s17, s12, $0xb8;
	[tilespmem:$0xFF00] =	vst v63  }
0x10d: {  	s30 =	simm.s32 $0x0  }
0x10e: {  	[tilespmem:s20], [sflag:$0x1] =	stream.indirect.gather [hbm4b:s4+s12], $0x1, s19, s12, $0xb8;
	[tilespmem:$0xFF00] =	vst v63  }
0x10f: {  	s0 =	sand.u32 $0x3E00, s30  }
0x110: {  	[tilespmem:s22], [sflag:$0x1] =	stream.indirect.gather [hbm4b:s4+s12], $0x1, s21, s12, $0xb8;
	[tilespmem:$0xFF00] =	vst v63  }
0x111: {  	s31 =	sshrl.u32 s0, $0x2  }
0x112: {  	[tilespmem:s24], [sflag:$0x1] =	stream.indirect.gather [hbm4b:s4+s12], $0x1, s23, s12, $0xb8;
	[tilespmem:$0xFF00] =	vst v63  }
0x113: {  	s0 =	simm.s32 $0x2F00;
	s1 =	sadd.s32 $0x200, s31  }
0x114: {  	[tilespmem:s0], [sflag:$0x1] =	stream.indirect.gather [hbm4b:s5+s12], $0x1, s1, s12, $0xb8;
	[tilespmem:$0xFF00] =	vst v63  }
0x115: {  	s28 =	smov.u32 s5;
	s1 =	simm.s32 $0x20  }
.LBB2_4:
0x116: {  	p0 =	sne.s32 s1, $0x33E0  }
.Ltmp1:
0x117: {  	_ = 	snop;
	(pc) =	sbr.rel @p0 .LBB2_4-.Ltmp1, $4  }
0x118: {  	s14 =	sand.u32 $0x3E00, s1  }
0x119: {  	s1 =	sadd.s32 $0x20, s1;
	s14 =	sshrl.u32 s14, $0x2  }
0x11a: {  	s0 =	sadd.s32 $0x80, s0;
	s28 =	sadd.s32 $0x30D4, s28;
	s14 =	sadd.s32 $0x200, s14  }
0x11b: {  	[tilespmem:s0], [sflag:$0x1] =	stream.indirect.gather [hbm4b:s28+s12], $0x1, s14, s12, $0xb8;
	[tilespmem:$0xFF00] =	vst v63  }
0x11c: {  	_ =	swait.ge [sflag:s25], $0xE000;
	s26 =	sadd.s32 $0x1, s26  }
0x11d: {  	[sflag:s25] =	ssyncset.done $0x0;
	p0 =	sne.s32 s26, s10  }
.Ltmp2:
0x11e: {  	[sflag:s25] =	ssyncadd.s32 $0xFFFF2000;
	(pc) =	sbr.rel @p0 .LBB2_1-.Ltmp2, $4  }
0x11f: {  	[hbm4b:s9+s12] =	stream.strided.scatter [tilespmem:s16], [sflag:$0x2], $0xE000, s13, s12, $0x38;
	[tilespmem:$0xFF00] =	vst v63  }
0x120: {  	_ =	swait.ge [sflag:s11], $0xE000  }
0x121: {  	[sflag:s11] =	ssyncset.done $0x0  }
0x122: {  	[sflag:s11] =	ssyncadd.s32 $0xFFFF2000  }
0x123: {  	_ =	sfence.sel $0x180000  }
0x124: {  	[bflag:$0x0] =	sbarrier.arrive $0xFFFF  }
0x125: {  	_ =	strace $0x9000004A  }
0x126: {  	s0 =	stileid.u32;
	[bflag:$0x2] =	sbarrier.arrive $0xFFFF  }
0x127: {  	p0 =	sne.s32 s0, $0x0;
	s0 =	rddreg [dreg:$0x3]  }
0x128: {  	s0 =	sadd.s32 @!p0 $0x100000, s0  }
0x129: {  	[sflag:s0] =	ssyncadd.tile.s32 @!p0 $0x1;
	_ =	shalt  }
.Lfunc_end2:
_tile_overlayer_lowered:
.L_overlay_start_2:
0x12a: {  	(tag) =	ssettag $0x2  }
0x12b: {  	s0 =	rddreg [dreg:$0x0];
	s2 =	stileid.u32  }
0x12c: {  	s1 =	rddreg [dreg:$0x1];
	p0 =	sne.s32 s2, $0x0  }
0x12d: {  	s3 =	rddreg [dreg:$0x2];
	[bflag:$0x3] =	sbarrier.arrive $0xFFFF;
	s2 =	simm.s32 @!p0 $0x1C02  }
0x12e: {  	[timem:s3], [sflag:s2] =	dma.local @!p0 [hbm:s0], s1  }
0x12f: {  	s0 =	simm.s32 @!p0 $0x2  }
0x130: {  	_ =	swait.ge @!p0 [sflag:s0], s1  }
0x131: {  	s1 =	ssub.s32 @!p0 $0x0, s1;
	[sflag:s0] =	ssyncset.done @!p0 $0x0  }
0x132: {  	[sflag:s0] =	ssyncadd.s32 @!p0 s1  }
0x133: {  	[bflag:$0x3] =	sbarrier.arrive $0xFFFF  }
0x134: {  	_ =	shalt  }

</sc_bundles>
